<compile_context>
chip_gen: v7x
topology: tpu7x:2x2x1
jax: 0.10.2.dev20260603
libtpu: 0.0.44.dev20260713+nightly
codegen_flags: <defaults>
</compile_context>

<pallas_src>
import functools

import numpy as np
import jax
import jax.numpy as jnp
from jax import lax
from jax.experimental import pallas as pl
from jax.experimental.pallas import tpu as pltpu
from jax.experimental.pallas import tpu_sc as plsc

N = 2048
D = 1024
H = 16
DH = 64
E = 8
CAPN = [512, 409, 307, 204, 204, 163, 143, 106]

_ORDER = list(range(E - 1, -1, -1))
_SIZES = [CAPN[e] for e in _ORDER]
_OFFS = np.concatenate([[0], np.cumsum(_SIZES)])
OFF_OF_EXPERT = {e: int(_OFFS[i]) for i, e in enumerate(_ORDER)}

BUCKETS = [
    (0, 106, 1024),
    (106, 143, 512),
    (249, 163, 256),
    (412, 204, 128),
    (616, 1432, 64),
]
TOKD_SORTED = np.concatenate(
    [np.full(CAPN[e], 8 << e, np.int32) for e in _ORDER])

HEAD_GROUPS = [
    (0, 1, 2048),
    (1, 1, 616),
    (2, 2, 412),
    (4, 4, 249),
    (8, 8, 106),
]

_BS_ITERS = 48
NBLK = 256
GRID = N // NBLK


def _router_body(x_ref, wr_ref, br_ref, rp_ref, slot_ref):
    x = x_ref[...]
    logits = lax.dot_general(
        x, wr_ref[...], (((1,), (0,)), ((), ())),
        preferred_element_type=jnp.float32,
        precision=lax.Precision.HIGHEST) + br_ref[...]
    m = jnp.max(logits, axis=1, keepdims=True)
    ex = jnp.exp(logits - m)
    probs = ex / jnp.sum(ex, axis=1, keepdims=True)

    avail = jnp.ones((N, 1), jnp.bool_)
    eidx = jnp.zeros((N, 1), jnp.int32)
    for e in reversed(range(E)):
        k = CAPN[e]
        sc = jnp.where(avail, probs[:, e:e + 1], -1e9)

        def bs(_, carry):
            lo, hi = carry
            mid = 0.5 * (lo + hi)
            cnt = jnp.sum((sc >= mid).astype(jnp.int32))
            ge = cnt >= k
            return (jnp.where(ge, mid, lo), jnp.where(ge, hi, mid))

        lo, _ = lax.fori_loop(0, _BS_ITERS, bs,
                              (jnp.float32(-2e9), jnp.float32(1.5)))
        assigned = avail & (sc >= lo)
        eidx = jnp.where(assigned, e, eidx)
        avail = avail & (~assigned)

    rp = jnp.zeros((N, 1), jnp.float32)
    for e in range(E):
        rp = jnp.where(eidx == e, probs[:, e:e + 1], rp)
    rp_ref[...] = rp

    oh = (eidx == lax.broadcasted_iota(jnp.int32, (1, E), 1)
          ).astype(jnp.bfloat16)
    tl = (lax.broadcasted_iota(jnp.int32, (N, N), 1)
          < lax.broadcasted_iota(jnp.int32, (N, N), 0)
          ).astype(jnp.bfloat16)
    cnt = lax.dot_general(tl, oh, (((1,), (0,)), ((), ())),
                          preferred_element_type=jnp.float32)
    slot = jnp.zeros((N, 1), jnp.int32)
    for e in range(E):
        slot = jnp.where(
            eidx == e,
            OFF_OF_EXPERT[e] + cnt[:, e:e + 1].astype(jnp.int32), slot)
    slot_ref[...] = slot


def _sc_scatter_rows(src, idx, width):
    nw = 32
    chunk = N // nw
    mesh = plsc.VectorSubcoreMesh(core_axis_name="c", subcore_axis_name="s")

    @functools.partial(
        pl.kernel, mesh=mesh,
        out_type=jax.ShapeDtypeStruct((N, width), jnp.float32),
        scratch_types=[pltpu.VMEM((chunk,), jnp.int32),
                       pltpu.VMEM((chunk, width), jnp.float32),
                       pltpu.SemaphoreType.DMA],
    )
    def g(src_hbm, idx_hbm, out_hbm, idx_v, rows_v, sem):
        wid = lax.axis_index("s") * 2 + lax.axis_index("c")
        base = wid * chunk
        pltpu.sync_copy(idx_hbm.at[pl.ds(base, chunk)], idx_v)
        pltpu.sync_copy(src_hbm.at[pl.ds(base, chunk)], rows_v)
        pltpu.async_copy(rows_v, out_hbm.at[idx_v], sem).wait()

    return g(src, idx)


def _ln(x, g, b):
    m = jnp.mean(x, axis=1, keepdims=True)
    v = jnp.mean((x - m) ** 2, axis=1, keepdims=True)
    return (x - m) * lax.rsqrt(v + 1e-6) * g + b


def _npad(n):
    return -(-n // 8) * 8


def _mixed_tokd(n, start):
    s = lax.broadcasted_iota(jnp.int32, (n, 1), 0) + start
    tokd = jnp.full((n, 1), 8, jnp.int32)
    for e in (1, 2, 3):
        lo = OFF_OF_EXPERT[e]
        tokd = jnp.where(s < lo + CAPN[e],
                         jnp.where(s >= lo, 8 << e, tokd), tokd)
    return tokd


def _fwd_body(xs_ref, g1_ref, b1_ref, wqkv_ref, *o_refs):
    g1 = g1_ref[...]
    b1 = b1_ref[...]
    qkv_parts = []
    for start, n, dim in BUCKETS:
        mixed = dim == 64 and n > 512
        xb = xs_ref[start:start + n, :]
        xn = _ln(xb, g1, b1)
        if mixed:
            tokd = _mixed_tokd(n, start)
            cm = lax.broadcasted_iota(jnp.int32, (1, D), 1) < tokd
            xn = jnp.where(cm, xn, 0.0)
        xt = xn[:, :dim].astype(jnp.bfloat16)
        wb = jnp.concatenate(
            [wqkv_ref[:dim, j * D:j * D + dim] for j in range(3)], axis=1)
        qkv = lax.dot_general(xt, wb, (((1,), (0,)), ((), ())),
                              preferred_element_type=jnp.float32)
        if mixed:
            col = lax.broadcasted_iota(jnp.int32, (1, 3 * dim), 1) & (dim - 1)
            qkv = jnp.where(col < tokd, qkv, 0.0)
        qkv_parts.append(qkv.astype(jnp.bfloat16))

    def head_qkv(h, part):
        segs = []
        for (start, n, dim), qkv_b in zip(BUCKETS, qkv_parts):
            if dim > h * DH:
                off = part * dim + h * DH
                segs.append(qkv_b[:, off:off + DH])
        return jnp.concatenate(segs, axis=0)

    o_heads = {}
    for h0, nh, nq in HEAD_GROUPS:
        for i in range(nh):
            h = h0 + i
            q = head_qkv(h, 0)
            k = head_qkv(h, 1)
            v = head_qkv(h, 2)
            if nq == N:
                chunks = []
                for c in range(GRID):
                    qc = q[c * NBLK:(c + 1) * NBLK, :]
                    s = lax.dot_general(
                        qc, k, (((1,), (1,)), ((), ())),
                        preferred_element_type=jnp.float32) * (DH ** -0.5)
                    mx = jnp.max(s, axis=1, keepdims=True)
                    p = jnp.exp(s - mx)
                    p = p / jnp.sum(p, axis=1, keepdims=True)
                    chunks.append(lax.dot_general(
                        p.astype(jnp.bfloat16), v, (((1,), (0,)), ((), ())),
                        preferred_element_type=jnp.float32
                    ).astype(jnp.bfloat16))
                o_heads[h] = jnp.concatenate(chunks, axis=0)
            else:
                s = lax.dot_general(
                    q, k, (((1,), (1,)), ((), ())),
                    preferred_element_type=jnp.float32) * (DH ** -0.5)
                mx = jnp.maximum(jnp.max(s, axis=1, keepdims=True), 0.0)
                p = jnp.exp(s - mx)
                denom = (jnp.sum(p, axis=1, keepdims=True)
                         + (N - nq) * jnp.exp(-mx))
                o_heads[h] = lax.dot_general(
                    (p / denom).astype(jnp.bfloat16), v,
                    (((1,), (0,)), ((), ())),
                    preferred_element_type=jnp.float32).astype(jnp.bfloat16)

    for bi, (start, n, dim) in enumerate(BUCKETS):
        ob = jnp.concatenate(
            [o_heads[h][start:start + n, :] for h in range(dim // DH)],
            axis=1)
        o_refs[bi][...] = jnp.pad(ob, ((0, _npad(n) - n), (0, 0)))


def _tail_body(x_ref, xs_ref, slot_ref, rp_ref, wp_ref, bp_ref, g2_ref,
               b2_ref, w1_ref, bf1_ref, w2_ref, bf2_ref, alpha_ref,
               o0_ref, o1_ref, o2_ref, o3_ref, o4_ref, out_ref):
    o_refs = [o0_ref, o1_ref, o2_ref, o3_ref, o4_ref]
    g2 = g2_ref[...]
    b2 = b2_ref[...]
    delta_parts, zp_parts = [], []
    for bi, (start, n, dim) in enumerate(BUCKETS):
        mixed = dim == 64 and n > 512
        ob = o_refs[bi][0:n, :]
        xb = xs_ref[start:start + n, :]
        pr = lax.dot_general(ob, wp_ref[:dim, :dim],
                             (((1,), (0,)), ((), ())),
                             preferred_element_type=jnp.float32
                             ) + bp_ref[:, :dim]
        if mixed:
            tokd = _mixed_tokd(n, start)
            cm = lax.broadcasted_iota(jnp.int32, (1, dim), 1) < tokd
            pr = jnp.where(cm, pr, 0.0)
        if dim < D:
            z = xb + jnp.concatenate(
                [pr, jnp.zeros((n, D - dim), jnp.float32)], axis=1)
        else:
            z = xb + pr
        zn = _ln(z, g2, b2)[:, :dim]
        if mixed:
            zn = jnp.where(cm, zn, 0.0)
        h = lax.dot_general(zn.astype(jnp.bfloat16), w1_ref[:dim, :4 * dim],
                            (((1,), (0,)), ((), ())),
                            preferred_element_type=jnp.float32
                            ) + bf1_ref[:, :4 * dim]
        h = jax.nn.gelu(h)
        if mixed:
            hcol = lax.broadcasted_iota(jnp.int32, (1, 4 * dim), 1)
            h = jnp.where(hcol < tokd * 4, h, 0.0)
        zp = lax.dot_general(h.astype(jnp.bfloat16), w2_ref[:4 * dim, :dim],
                             (((1,), (0,)), ((), ())),
                             preferred_element_type=jnp.float32
                             ) + bf2_ref[:, :dim]
        if mixed:
            zp = jnp.where(cm, zp, 0.0)
        pad = ((0, 0), (0, D - dim))
        delta_parts.append(jnp.pad(pr, pad).astype(jnp.bfloat16))
        zp_parts.append(jnp.pad(zp, pad).astype(jnp.bfloat16))

    delta_s = jnp.concatenate(delta_parts, axis=0)
    zp_s = jnp.concatenate(zp_parts, axis=0)
    alpha = alpha_ref[0, 0]
    for c in range(GRID):
        sl = slot_ref[c * NBLK:(c + 1) * NBLK, :]
        sel = (sl == lax.broadcasted_iota(jnp.int32, (1, N), 1)
               ).astype(jnp.bfloat16)
        delta = lax.dot_general(sel, delta_s, (((1,), (0,)), ((), ())),
                                preferred_element_type=jnp.float32)
        zp = lax.dot_general(sel, zp_s, (((1,), (0,)), ((), ())),
                             preferred_element_type=jnp.float32)
        gate = alpha * rp_ref[c * NBLK:(c + 1) * NBLK, :] + 1.0
        out_ref[c * NBLK:(c + 1) * NBLK, :] = (
            x_ref[c * NBLK:(c + 1) * NBLK, :] + delta + gate * zp)


def _full_spec(shape):
    nd = len(shape)
    return pl.BlockSpec(shape, lambda *a: (0,) * nd)


def kernel(x, Wr, br, g1, b1, Wqkv, Wproj, bproj, g2, b2, W1, bf1, W2, bf2,
           alpha):
    f32 = jnp.float32
    bf = jnp.bfloat16
    x2 = x.reshape(N, D)

    rp, slot = pl.pallas_call(
        _router_body,
        out_shape=[jax.ShapeDtypeStruct((N, 1), f32),
                   jax.ShapeDtypeStruct((N, 1), jnp.int32)],
    )(x2, Wr, br.reshape(1, E))

    xs = _sc_scatter_rows(x2, slot.reshape(N), D)

    o_buckets = pl.pallas_call(
        _fwd_body,
        out_shape=[jax.ShapeDtypeStruct((_npad(n), dim), bf)
                   for _, n, dim in BUCKETS],
    )(xs, g1.reshape(1, D), b1.reshape(1, D), Wqkv.astype(bf))

    out = pl.pallas_call(
        _tail_body,
        out_shape=jax.ShapeDtypeStruct((N, D), f32),
    )(x2, xs, slot, rp, Wproj.astype(bf), bproj.reshape(1, D),
      g2.reshape(1, D), b2.reshape(1, D), W1.astype(bf),
      bf1.reshape(1, 4 * D), W2.astype(bf), bf2.reshape(1, D),
      alpha.reshape(1, 1), *o_buckets)

    return out.reshape(1, N, D)

# --- scband reference (transcript-rebuilt; emitter-appended) ---
"""Pipeline reference for scband-nested-block-65584150609988 (READ-ONLY COPY).

The authoritative reference and input builder live on the scoring server;
editing this copy changes nothing except your own understanding.
"""

import jax, jax.numpy as jnp
import numpy as np

B, N, D, H, E, MLP = 1, 2048, 1024, 16, 8, 4
DH = D // H
HID = D * MLP
CAP = [0.25, 0.2, 0.15, 0.1, 0.1, 0.08, 0.07, 0.05]
NEST = [D >> (E - 1 - i) for i in range(E)]  # nested expert dims: 8..1024


def _ln(x, g, b):
    m = x.mean(-1, keepdims=True)
    v = ((x - m) ** 2).mean(-1, keepdims=True)
    return (x - m) / jnp.sqrt(v + 1e-6) * g + b


def setup_inputs(seed: int = 0) -> dict:
    key = jax.random.key(seed)
    ks = jax.random.split(key, 8)
    s = 0.02
    return {
        'x': jax.random.normal(ks[0], (B, N, D), jnp.float32),
        'Wr': jax.random.normal(ks[1], (D, E), jnp.float32) * s,
        'br': jnp.zeros((E,), jnp.float32),
        'g1': jnp.ones((D,), jnp.float32),
        'b1': jnp.zeros((D,), jnp.float32),
        'Wqkv': jax.random.normal(ks[2], (D, 3 * D), jnp.float32) * s,
        'Wproj': jax.random.normal(ks[3], (D, D), jnp.float32) * s,
        'bproj': jnp.zeros((D,), jnp.float32),
        'g2': jnp.ones((D,), jnp.float32),
        'b2': jnp.zeros((D,), jnp.float32),
        'W1': jax.random.normal(ks[4], (D, HID), jnp.float32) * s,
        'bf1': jnp.zeros((HID,), jnp.float32),
        'W2': jax.random.normal(ks[5], (HID, D), jnp.float32) * s,
        'bf2': jnp.zeros((D,), jnp.float32),
        'alpha': jnp.zeros((1,), jnp.float32),
    }


def reference(x, Wr, br, g1, b1, Wqkv, Wproj, bproj, g2, b2, W1, bf1, W2, bf2, alpha):
    # ExpertPreferredRouter: capacity-constrained greedy assignment, largest expert first
    probs = jax.nn.softmax(x @ Wr + br, axis=-1)  # [B, N, E]
    counts = [int(c * N) for c in CAP]
    counts[-1] = N - sum(counts[:-1])
    avail = jnp.ones((B, N), bool)
    eidx = jnp.zeros((B, N), jnp.int32)
    for e in reversed(range(E)):
        score = jnp.where(avail, probs[:, :, e], -1e9)
        _, idx = jax.lax.top_k(score, counts[e])  # [B, counts[e]]
        assigned = jnp.zeros((B, N), bool).at[jnp.arange(B)[:, None], idx].set(True)
        assigned = assigned & avail
        eidx = jnp.where(assigned, e, eidx)
        avail = avail & (~assigned)
    rp = jnp.take_along_axis(probs, eidx[..., None], axis=-1)  # router_probs [B, N, 1]
    tokd = jnp.asarray(NEST, jnp.int32)[eidx]  # per-token nested dim [B, N]
    cmask = (jnp.arange(D)[None, None, :] < tokd[..., None]).astype(x.dtype)  # [B, N, D]

    # NestedAttention: channels beyond each token's nested dim are masked out
    xn = _ln(x, g1, b1) * cmask
    qkv = (xn @ Wqkv).reshape(B, N, 3, H, DH).transpose(2, 0, 3, 1, 4)
    q, k, v = qkv[0], qkv[1], qkv[2]
    hm = cmask.reshape(B, N, H, DH).transpose(0, 2, 1, 3)
    q = q * hm
    k = k * hm
    v = v * hm
    attn = jax.nn.softmax((q @ k.transpose(0, 1, 3, 2)) * (DH ** -0.5), axis=-1)
    o = (attn @ v).transpose(0, 2, 1, 3).reshape(B, N, D) * cmask
    z = x + (o @ Wproj + bproj) * cmask

    # NestedFeedForward: nested input and hidden channel masking
    zn = _ln(z, g2, b2) * cmask
    h = jax.nn.gelu(zn @ W1 + bf1)
    hmask = (jnp.arange(HID)[None, None, :] < (tokd * MLP)[..., None]).astype(x.dtype)
    h = h * hmask
    zp = (h @ W2 + bf2) * cmask

    return z + (alpha * rp + 1.0) * zp

if __name__ == "__main__":
    import jax
    _d = setup_inputs()
    print(jax.jit(kernel)(*tuple(_d.values())))

</pallas_src>

<mosaic_0001>
#map = affine_map<(d0, d1) -> (0, 0)>
#map1 = affine_map<(d0, d1) -> (0)>
module attributes {stable_mosaic.version = 14 : i64} {
  func.func @g(%arg0: i32, %arg1: i32, %arg2: memref<2048x1024xf32, #tpu.memory_space<hbm>>, %arg3: memref<2048xi32, #tpu.memory_space<hbm>>, %arg4: memref<2048x1024xf32, #tpu.memory_space<hbm>>, %arg5: memref<64xi32, #tpu.memory_space<vmem>>, %arg6: memref<64x1024xf32, #tpu.memory_space<vmem>>, %arg7: memref<!tpu.dma_semaphore, #tpu.memory_space<semaphore_mem>>) attributes {dimension_semantics = [#tpu.dimension_semantics<core_parallel>, #tpu.dimension_semantics<subcore_parallel>], iteration_bounds = array<i64: 2, 16>, scalar_prefetch = 0 : i64, scratch_operands = 3 : i64, tpu.core_type = #tpu.core_type<sc_vector_subcore>, window_params = [{transform_indices = #map}, {transform_indices = #map1}, {transform_indices = #map}]} {
    %mul3A = arith.constant 2 : i32
    %mul3A_0 = arith.muli %arg1, %mul3A : i32
    %add3A = arith.addi %mul3A_0, %arg0 : i32
    %mul3A_1 = arith.constant 64 : i32
    %mul3A_2 = arith.muli %add3A, %mul3A_1 : i32
    "tpu.region"() ({
      %run_scoped3A = tpu.sem_alloc : memref<!tpu.dma_semaphore, #tpu.memory_space<semaphore_mem>>
      %dma_start3A_7 = tpu.memref_slice %arg3[%mul3A_2] : memref<2048xi32, #tpu.memory_space<hbm>> -> memref<64xi32, #tpu.memory_space<hbm>>
      %dma_start3A_8 = tpu.memref_slice %arg3[%mul3A_2] : memref<2048xi32, #tpu.memory_space<hbm>> -> memref<64xi32, #tpu.memory_space<hbm>>
      tpu.enqueue_dma source(%dma_start3A_8 : memref<64xi32, #tpu.memory_space<hbm>>) target(%arg5 : memref<64xi32, #tpu.memory_space<vmem>>) target_semaphore(%run_scoped3A : memref<!tpu.dma_semaphore, #tpu.memory_space<semaphore_mem>>)
      %dma_wait3A_9 = tpu.memref_slice %arg3[%mul3A_2] : memref<2048xi32, #tpu.memory_space<hbm>> -> memref<64xi32, #tpu.memory_space<hbm>>
      %dma_wait3A_10 = tpu.memref_slice %arg3[%mul3A_2] : memref<2048xi32, #tpu.memory_space<hbm>> -> memref<64xi32, #tpu.memory_space<hbm>>
      tpu.wait_dma2 semaphore(%run_scoped3A : memref<!tpu.dma_semaphore, #tpu.memory_space<semaphore_mem>>) src(%dma_wait3A_10 : memref<64xi32, #tpu.memory_space<hbm>>) dst(%arg5 : memref<64xi32, #tpu.memory_space<vmem>>)
      tpu.yield
    }) : () -> ()
    "tpu.region"() ({
      %run_scoped3A = tpu.sem_alloc : memref<!tpu.dma_semaphore, #tpu.memory_space<semaphore_mem>>
      %dma_start3A_7 = arith.constant 0 : i32
      %dma_start3A_8 = tpu.memref_slice %arg2[%mul3A_2, %dma_start3A_7] : memref<2048x1024xf32, #tpu.memory_space<hbm>> -> memref<64x1024xf32, #tpu.memory_space<hbm>>
      %dma_start3A_9 = arith.constant 0 : i32
      %dma_start3A_10 = tpu.memref_slice %arg2[%mul3A_2, %dma_start3A_9] : memref<2048x1024xf32, #tpu.memory_space<hbm>> -> memref<64x1024xf32, #tpu.memory_space<hbm>>
      tpu.enqueue_dma source(%dma_start3A_10 : memref<64x1024xf32, #tpu.memory_space<hbm>>) target(%arg6 : memref<64x1024xf32, #tpu.memory_space<vmem>>) target_semaphore(%run_scoped3A : memref<!tpu.dma_semaphore, #tpu.memory_space<semaphore_mem>>)
      %dma_wait3A_11 = arith.constant 0 : i32
      %dma_wait3A_12 = tpu.memref_slice %arg2[%mul3A_2, %dma_wait3A_11] : memref<2048x1024xf32, #tpu.memory_space<hbm>> -> memref<64x1024xf32, #tpu.memory_space<hbm>>
      %dma_wait3A_13 = arith.constant 0 : i32
      %dma_wait3A_14 = tpu.memref_slice %arg2[%mul3A_2, %dma_wait3A_13] : memref<2048x1024xf32, #tpu.memory_space<hbm>> -> memref<64x1024xf32, #tpu.memory_space<hbm>>
      tpu.wait_dma2 semaphore(%run_scoped3A : memref<!tpu.dma_semaphore, #tpu.memory_space<semaphore_mem>>) src(%dma_wait3A_14 : memref<64x1024xf32, #tpu.memory_space<hbm>>) dst(%arg6 : memref<64x1024xf32, #tpu.memory_space<vmem>>)
      tpu.yield
    }) : () -> ()
    %dma_start3A = arith.constant 0 : i32
    %dma_start3A_3 = arith.constant 0 : i32
    %dma_start3A_4 = tpu.memref_slice %arg4[%dma_start3A, %dma_start3A_3] : memref<2048x1024xf32, #tpu.memory_space<hbm>> -> memref<2048x1024xf32, #tpu.memory_space<hbm>>
    tpu.enqueue_indirect_dma source(%arg6 : memref<64x1024xf32, #tpu.memory_space<vmem>>) target(%dma_start3A_4 : memref<2048x1024xf32, #tpu.memory_space<hbm>>) offsets(%arg5 : memref<64xi32, #tpu.memory_space<vmem>>) semaphore(%arg7 : memref<!tpu.dma_semaphore, #tpu.memory_space<semaphore_mem>>)
    %dma_wait3A = arith.constant 0 : i32
    %dma_wait3A_5 = arith.constant 0 : i32
    %dma_wait3A_6 = tpu.memref_slice %arg4[%dma_wait3A, %dma_wait3A_5] : memref<2048x1024xf32, #tpu.memory_space<hbm>> -> memref<2048x1024xf32, #tpu.memory_space<hbm>>
    tpu.wait_indirect_dma semaphore(%arg7 : memref<!tpu.dma_semaphore, #tpu.memory_space<semaphore_mem>>) src(%arg6 : memref<64x1024xf32, #tpu.memory_space<vmem>>) dst(%dma_wait3A_6 : memref<2048x1024xf32, #tpu.memory_space<hbm>>)
    return
  }
}

module attributes {stable_mosaic.version = 14 : i64} {
  func.func @_router_body(%arg0: memref<2048x1024xf32, #tpu.memory_space<vmem>>, %arg1: memref<1024x8xf32, #tpu.memory_space<vmem>>, %arg2: memref<1x8xf32, #tpu.memory_space<vmem>>, %arg3: memref<2048x1xf32, #tpu.memory_space<vmem>>, %arg4: memref<2048x1xi32, #tpu.memory_space<vmem>>) attributes {dimension_semantics = [], scalar_prefetch = 0 : i64, scratch_operands = 0 : i64, tpu.core_type = #tpu.core_type<tc>} {
    %get3A = arith.constant 0 : index
    %get3A_0 = arith.constant 0 : index
    %get3A_1 = vector.load %arg0[%get3A, %get3A_0] : memref<2048x1024xf32, #tpu.memory_space<vmem>>, vector<2048x1024xf32>
    %get3A_2 = arith.constant 0 : index
    %get3A_3 = arith.constant 0 : index
    %get3A_4 = vector.load %arg1[%get3A_2, %get3A_3] : memref<1024x8xf32, #tpu.memory_space<vmem>>, vector<1024x8xf32>
    %dot_general3A = arith.constant dense<0.000000e+00> : vector<2048x8xf32>
    %dot_general3A_5 = tpu.matmul %get3A_1, %get3A_4, %dot_general3A {dimension_numbers = #tpu.dot_dimension_numbers<[1], [0], [0], [1], [0, 0, 1, 1], [], []>, precision = #tpu.contract_precision<fp32>, transpose_lhs_hint = false} : vector<2048x1024xf32>, vector<1024x8xf32>, vector<2048x8xf32> -> vector<2048x8xf32>
    %get3A_6 = arith.constant 0 : index
    %get3A_7 = arith.constant 0 : index
    %get3A_8 = vector.load %arg2[%get3A_6, %get3A_7] : memref<1x8xf32, #tpu.memory_space<vmem>>, vector<1x8xf32>
    %add3A = vector.broadcast %get3A_8 : vector<1x8xf32> to vector<2048x8xf32>
    %add3A_9 = arith.addf %dot_general3A_5, %add3A : vector<2048x8xf32>
    %reduce_max3A = arith.constant dense<0xFF800000> : vector<2048xf32>
    %reduce_max3A_10 = vector.multi_reduction <maximumf>, %add3A_9, %reduce_max3A [1] : vector<2048x8xf32> to vector<2048xf32>
    %broadcast_in_dim3A = vector.shape_cast %reduce_max3A_10 : vector<2048xf32> to vector<2048x1xf32>
    %sub3A = vector.broadcast %broadcast_in_dim3A : vector<2048x1xf32> to vector<2048x8xf32>
    %sub3A_11 = arith.subf %add3A_9, %sub3A : vector<2048x8xf32>
    %exp3A = math.exp %sub3A_11 : vector<2048x8xf32>
    %reduce_sum3A = arith.constant dense<0.000000e+00> : vector<2048xf32>
    %reduce_sum3A_12 = vector.multi_reduction <add>, %exp3A, %reduce_sum3A [1] : vector<2048x8xf32> to vector<2048xf32>
    %broadcast_in_dim3A_13 = vector.shape_cast %reduce_sum3A_12 : vector<2048xf32> to vector<2048x1xf32>
    %div3A = vector.broadcast %broadcast_in_dim3A_13 : vector<2048x1xf32> to vector<2048x8xf32>
    %div3A_14 = arith.divf %exp3A, %div3A : vector<2048x8xf32>
    %broadcast_in_dim3A_15 = arith.constant true
    %broadcast_in_dim3A_16 = vector.broadcast %broadcast_in_dim3A_15 : i1 to vector<2048x1xi1>
    %broadcast_in_dim3A_17 = arith.constant 0 : i32
    %broadcast_in_dim3A_18 = vector.broadcast %broadcast_in_dim3A_17 : i32 to vector<2048x1xi32>
    %slice3A = vector.extract_strided_slice %div3A_14 {offsets = [0, 7], sizes = [2048, 1], strides = [1, 1]} : vector<2048x8xf32> to vector<2048x1xf32>
    %jit3A = arith.constant -1.000000e+09 : f32
    %broadcast_in_dim3A_19 = vector.broadcast %jit3A : f32 to vector<2048x1xf32>
    %select_n3A = arith.select %broadcast_in_dim3A_16, %slice3A, %broadcast_in_dim3A_19 : vector<2048x1xi1>, vector<2048x1xf32>
    %scan3A = arith.constant -2.000000e+09 : f32
    %scan3A_20 = arith.constant 1.500000e+00 : f32
    %scan3A_21 = arith.constant 0 : i32
    %scan3A_22 = arith.constant 48 : i32
    %scan3A_23 = arith.addi %scan3A_21, %scan3A_22 : i32
    %scan3A_24 = arith.constant 1 : i32
    %scan3A_25:2 = scf.for %scan3A_301 = %scan3A_21 to %scan3A_23 step %scan3A_24 iter_args(%scan3A_302 = %scan3A, %scan3A_303 = %scan3A_20) -> (f32, f32)  : i32 {
      %add3A_304 = arith.addf %scan3A_302, %scan3A_303 : f32
      %mul3A = arith.constant 5.000000e-01 : f32
      %mul3A_305 = arith.mulf %mul3A, %add3A_304 : f32
      %ge3A_306 = vector.broadcast %mul3A_305 : f32 to vector<2048x1xf32>
      %ge3A_307 = arith.cmpf oge, %select_n3A, %ge3A_306 : vector<2048x1xf32>
      %convert_element_type3A_308 = arith.extui %ge3A_307 : vector<2048x1xi1> to vector<2048x1xi32>
      %reduce_sum3A_309 = vector.shape_cast %convert_element_type3A_308 : vector<2048x1xi32> to vector<1x2048x1xi32>
      %reduce_sum3A_310 = arith.constant dense<0> : vector<1xi32>
      %reduce_sum3A_311 = vector.multi_reduction <add>, %reduce_sum3A_309, %reduce_sum3A_310 [1, 2] : vector<1x2048x1xi32> to vector<1xi32>
      %reduce_sum3A_312 = vector.shape_cast %reduce_sum3A_311 : vector<1xi32> to vector<1x1x1xi32>
      %reduce_sum3A_313 = vector.extract %reduce_sum3A_312[0, 0, 0] : i32 from vector<1x1x1xi32>
      %ge3A_314 = arith.constant 106 : i32
      %ge3A_315 = arith.cmpi sge, %reduce_sum3A_313, %ge3A_314 : i32
      %select_n3A_316 = arith.select %ge3A_315, %mul3A_305, %scan3A_302 : f32
      %select_n3A_317 = arith.select %ge3A_315, %scan3A_303, %mul3A_305 : f32
      scf.yield %select_n3A_316, %select_n3A_317 : f32, f32
    }
    %ge3A = vector.broadcast %scan3A_25#0 : f32 to vector<2048x1xf32>
    %ge3A_26 = arith.cmpf oge, %select_n3A, %ge3A : vector<2048x1xf32>
    %and3A = arith.andi %broadcast_in_dim3A_16, %ge3A_26 : vector<2048x1xi1>
    %jit3A_27 = arith.constant 7 : i32
    %broadcast_in_dim3A_28 = vector.broadcast %jit3A_27 : i32 to vector<2048x1xi32>
    %select_n3A_29 = arith.select %and3A, %broadcast_in_dim3A_28, %broadcast_in_dim3A_18 : vector<2048x1xi1>, vector<2048x1xi32>
    %not3A = arith.constant dense<true> : vector<2048x1xi1>
    %not3A_30 = arith.xori %and3A, %not3A : vector<2048x1xi1>
    %and3A_31 = arith.andi %broadcast_in_dim3A_16, %not3A_30 : vector<2048x1xi1>
    %slice3A_32 = vector.extract_strided_slice %div3A_14 {offsets = [0, 6], sizes = [2048, 1], strides = [1, 1]} : vector<2048x8xf32> to vector<2048x1xf32>
    %jit3A_33 = arith.constant -1.000000e+09 : f32
    %broadcast_in_dim3A_34 = vector.broadcast %jit3A_33 : f32 to vector<2048x1xf32>
    %select_n3A_35 = arith.select %and3A_31, %slice3A_32, %broadcast_in_dim3A_34 : vector<2048x1xi1>, vector<2048x1xf32>
    %scan3A_36 = arith.constant -2.000000e+09 : f32
    %scan3A_37 = arith.constant 1.500000e+00 : f32
    %scan3A_38 = arith.constant 0 : i32
    %scan3A_39 = arith.constant 48 : i32
    %scan3A_40 = arith.addi %scan3A_38, %scan3A_39 : i32
    %scan3A_41 = arith.constant 1 : i32
    %scan3A_42:2 = scf.for %scan3A_301 = %scan3A_38 to %scan3A_40 step %scan3A_41 iter_args(%scan3A_302 = %scan3A_36, %scan3A_303 = %scan3A_37) -> (f32, f32)  : i32 {
      %add3A_304 = arith.addf %scan3A_302, %scan3A_303 : f32
      %mul3A = arith.constant 5.000000e-01 : f32
      %mul3A_305 = arith.mulf %mul3A, %add3A_304 : f32
      %ge3A_306 = vector.broadcast %mul3A_305 : f32 to vector<2048x1xf32>
      %ge3A_307 = arith.cmpf oge, %select_n3A_35, %ge3A_306 : vector<2048x1xf32>
      %convert_element_type3A_308 = arith.extui %ge3A_307 : vector<2048x1xi1> to vector<2048x1xi32>
      %reduce_sum3A_309 = vector.shape_cast %convert_element_type3A_308 : vector<2048x1xi32> to vector<1x2048x1xi32>
      %reduce_sum3A_310 = arith.constant dense<0> : vector<1xi32>
      %reduce_sum3A_311 = vector.multi_reduction <add>, %reduce_sum3A_309, %reduce_sum3A_310 [1, 2] : vector<1x2048x1xi32> to vector<1xi32>
      %reduce_sum3A_312 = vector.shape_cast %reduce_sum3A_311 : vector<1xi32> to vector<1x1x1xi32>
      %reduce_sum3A_313 = vector.extract %reduce_sum3A_312[0, 0, 0] : i32 from vector<1x1x1xi32>
      %ge3A_314 = arith.constant 143 : i32
      %ge3A_315 = arith.cmpi sge, %reduce_sum3A_313, %ge3A_314 : i32
      %select_n3A_316 = arith.select %ge3A_315, %mul3A_305, %scan3A_302 : f32
      %select_n3A_317 = arith.select %ge3A_315, %scan3A_303, %mul3A_305 : f32
      scf.yield %select_n3A_316, %select_n3A_317 : f32, f32
    }
    %ge3A_43 = vector.broadcast %scan3A_42#0 : f32 to vector<2048x1xf32>
    %ge3A_44 = arith.cmpf oge, %select_n3A_35, %ge3A_43 : vector<2048x1xf32>
    %and3A_45 = arith.andi %and3A_31, %ge3A_44 : vector<2048x1xi1>
    %jit3A_46 = arith.constant 6 : i32
    %broadcast_in_dim3A_47 = vector.broadcast %jit3A_46 : i32 to vector<2048x1xi32>
    %select_n3A_48 = arith.select %and3A_45, %broadcast_in_dim3A_47, %select_n3A_29 : vector<2048x1xi1>, vector<2048x1xi32>
    %not3A_49 = arith.constant dense<true> : vector<2048x1xi1>
    %not3A_50 = arith.xori %and3A_45, %not3A_49 : vector<2048x1xi1>
    %and3A_51 = arith.andi %and3A_31, %not3A_50 : vector<2048x1xi1>
    %slice3A_52 = vector.extract_strided_slice %div3A_14 {offsets = [0, 5], sizes = [2048, 1], strides = [1, 1]} : vector<2048x8xf32> to vector<2048x1xf32>
    %jit3A_53 = arith.constant -1.000000e+09 : f32
    %broadcast_in_dim3A_54 = vector.broadcast %jit3A_53 : f32 to vector<2048x1xf32>
    %select_n3A_55 = arith.select %and3A_51, %slice3A_52, %broadcast_in_dim3A_54 : vector<2048x1xi1>, vector<2048x1xf32>
    %scan3A_56 = arith.constant -2.000000e+09 : f32
    %scan3A_57 = arith.constant 1.500000e+00 : f32
    %scan3A_58 = arith.constant 0 : i32
    %scan3A_59 = arith.constant 48 : i32
    %scan3A_60 = arith.addi %scan3A_58, %scan3A_59 : i32
    %scan3A_61 = arith.constant 1 : i32
    %scan3A_62:2 = scf.for %scan3A_301 = %scan3A_58 to %scan3A_60 step %scan3A_61 iter_args(%scan3A_302 = %scan3A_56, %scan3A_303 = %scan3A_57) -> (f32, f32)  : i32 {
      %add3A_304 = arith.addf %scan3A_302, %scan3A_303 : f32
      %mul3A = arith.constant 5.000000e-01 : f32
      %mul3A_305 = arith.mulf %mul3A, %add3A_304 : f32
      %ge3A_306 = vector.broadcast %mul3A_305 : f32 to vector<2048x1xf32>
      %ge3A_307 = arith.cmpf oge, %select_n3A_55, %ge3A_306 : vector<2048x1xf32>
      %convert_element_type3A_308 = arith.extui %ge3A_307 : vector<2048x1xi1> to vector<2048x1xi32>
      %reduce_sum3A_309 = vector.shape_cast %convert_element_type3A_308 : vector<2048x1xi32> to vector<1x2048x1xi32>
      %reduce_sum3A_310 = arith.constant dense<0> : vector<1xi32>
      %reduce_sum3A_311 = vector.multi_reduction <add>, %reduce_sum3A_309, %reduce_sum3A_310 [1, 2] : vector<1x2048x1xi32> to vector<1xi32>
      %reduce_sum3A_312 = vector.shape_cast %reduce_sum3A_311 : vector<1xi32> to vector<1x1x1xi32>
      %reduce_sum3A_313 = vector.extract %reduce_sum3A_312[0, 0, 0] : i32 from vector<1x1x1xi32>
      %ge3A_314 = arith.constant 163 : i32
      %ge3A_315 = arith.cmpi sge, %reduce_sum3A_313, %ge3A_314 : i32
      %select_n3A_316 = arith.select %ge3A_315, %mul3A_305, %scan3A_302 : f32
      %select_n3A_317 = arith.select %ge3A_315, %scan3A_303, %mul3A_305 : f32
      scf.yield %select_n3A_316, %select_n3A_317 : f32, f32
    }
    %ge3A_63 = vector.broadcast %scan3A_62#0 : f32 to vector<2048x1xf32>
    %ge3A_64 = arith.cmpf oge, %select_n3A_55, %ge3A_63 : vector<2048x1xf32>
    %and3A_65 = arith.andi %and3A_51, %ge3A_64 : vector<2048x1xi1>
    %jit3A_66 = arith.constant 5 : i32
    %broadcast_in_dim3A_67 = vector.broadcast %jit3A_66 : i32 to vector<2048x1xi32>
    %select_n3A_68 = arith.select %and3A_65, %broadcast_in_dim3A_67, %select_n3A_48 : vector<2048x1xi1>, vector<2048x1xi32>
    %not3A_69 = arith.constant dense<true> : vector<2048x1xi1>
    %not3A_70 = arith.xori %and3A_65, %not3A_69 : vector<2048x1xi1>
    %and3A_71 = arith.andi %and3A_51, %not3A_70 : vector<2048x1xi1>
    %slice3A_72 = vector.extract_strided_slice %div3A_14 {offsets = [0, 4], sizes = [2048, 1], strides = [1, 1]} : vector<2048x8xf32> to vector<2048x1xf32>
    %jit3A_73 = arith.constant -1.000000e+09 : f32
    %broadcast_in_dim3A_74 = vector.broadcast %jit3A_73 : f32 to vector<2048x1xf32>
    %select_n3A_75 = arith.select %and3A_71, %slice3A_72, %broadcast_in_dim3A_74 : vector<2048x1xi1>, vector<2048x1xf32>
    %scan3A_76 = arith.constant -2.000000e+09 : f32
    %scan3A_77 = arith.constant 1.500000e+00 : f32
    %scan3A_78 = arith.constant 0 : i32
    %scan3A_79 = arith.constant 48 : i32
    %scan3A_80 = arith.addi %scan3A_78, %scan3A_79 : i32
    %scan3A_81 = arith.constant 1 : i32
    %scan3A_82:2 = scf.for %scan3A_301 = %scan3A_78 to %scan3A_80 step %scan3A_81 iter_args(%scan3A_302 = %scan3A_76, %scan3A_303 = %scan3A_77) -> (f32, f32)  : i32 {
      %add3A_304 = arith.addf %scan3A_302, %scan3A_303 : f32
      %mul3A = arith.constant 5.000000e-01 : f32
      %mul3A_305 = arith.mulf %mul3A, %add3A_304 : f32
      %ge3A_306 = vector.broadcast %mul3A_305 : f32 to vector<2048x1xf32>
      %ge3A_307 = arith.cmpf oge, %select_n3A_75, %ge3A_306 : vector<2048x1xf32>
      %convert_element_type3A_308 = arith.extui %ge3A_307 : vector<2048x1xi1> to vector<2048x1xi32>
      %reduce_sum3A_309 = vector.shape_cast %convert_element_type3A_308 : vector<2048x1xi32> to vector<1x2048x1xi32>
      %reduce_sum3A_310 = arith.constant dense<0> : vector<1xi32>
      %reduce_sum3A_311 = vector.multi_reduction <add>, %reduce_sum3A_309, %reduce_sum3A_310 [1, 2] : vector<1x2048x1xi32> to vector<1xi32>
      %reduce_sum3A_312 = vector.shape_cast %reduce_sum3A_311 : vector<1xi32> to vector<1x1x1xi32>
      %reduce_sum3A_313 = vector.extract %reduce_sum3A_312[0, 0, 0] : i32 from vector<1x1x1xi32>
      %ge3A_314 = arith.constant 204 : i32
      %ge3A_315 = arith.cmpi sge, %reduce_sum3A_313, %ge3A_314 : i32
      %select_n3A_316 = arith.select %ge3A_315, %mul3A_305, %scan3A_302 : f32
      %select_n3A_317 = arith.select %ge3A_315, %scan3A_303, %mul3A_305 : f32
      scf.yield %select_n3A_316, %select_n3A_317 : f32, f32
    }
    %ge3A_83 = vector.broadcast %scan3A_82#0 : f32 to vector<2048x1xf32>
    %ge3A_84 = arith.cmpf oge, %select_n3A_75, %ge3A_83 : vector<2048x1xf32>
    %and3A_85 = arith.andi %and3A_71, %ge3A_84 : vector<2048x1xi1>
    %jit3A_86 = arith.constant 4 : i32
    %broadcast_in_dim3A_87 = vector.broadcast %jit3A_86 : i32 to vector<2048x1xi32>
    %select_n3A_88 = arith.select %and3A_85, %broadcast_in_dim3A_87, %select_n3A_68 : vector<2048x1xi1>, vector<2048x1xi32>
    %not3A_89 = arith.constant dense<true> : vector<2048x1xi1>
    %not3A_90 = arith.xori %and3A_85, %not3A_89 : vector<2048x1xi1>
    %and3A_91 = arith.andi %and3A_71, %not3A_90 : vector<2048x1xi1>
    %slice3A_92 = vector.extract_strided_slice %div3A_14 {offsets = [0, 3], sizes = [2048, 1], strides = [1, 1]} : vector<2048x8xf32> to vector<2048x1xf32>
    %jit3A_93 = arith.constant -1.000000e+09 : f32
    %broadcast_in_dim3A_94 = vector.broadcast %jit3A_93 : f32 to vector<2048x1xf32>
    %select_n3A_95 = arith.select %and3A_91, %slice3A_92, %broadcast_in_dim3A_94 : vector<2048x1xi1>, vector<2048x1xf32>
    %scan3A_96 = arith.constant -2.000000e+09 : f32
    %scan3A_97 = arith.constant 1.500000e+00 : f32
    %scan3A_98 = arith.constant 0 : i32
    %scan3A_99 = arith.constant 48 : i32
    %scan3A_100 = arith.addi %scan3A_98, %scan3A_99 : i32
    %scan3A_101 = arith.constant 1 : i32
    %scan3A_102:2 = scf.for %scan3A_301 = %scan3A_98 to %scan3A_100 step %scan3A_101 iter_args(%scan3A_302 = %scan3A_96, %scan3A_303 = %scan3A_97) -> (f32, f32)  : i32 {
      %add3A_304 = arith.addf %scan3A_302, %scan3A_303 : f32
      %mul3A = arith.constant 5.000000e-01 : f32
      %mul3A_305 = arith.mulf %mul3A, %add3A_304 : f32
      %ge3A_306 = vector.broadcast %mul3A_305 : f32 to vector<2048x1xf32>
      %ge3A_307 = arith.cmpf oge, %select_n3A_95, %ge3A_306 : vector<2048x1xf32>
      %convert_element_type3A_308 = arith.extui %ge3A_307 : vector<2048x1xi1> to vector<2048x1xi32>
      %reduce_sum3A_309 = vector.shape_cast %convert_element_type3A_308 : vector<2048x1xi32> to vector<1x2048x1xi32>
      %reduce_sum3A_310 = arith.constant dense<0> : vector<1xi32>
      %reduce_sum3A_311 = vector.multi_reduction <add>, %reduce_sum3A_309, %reduce_sum3A_310 [1, 2] : vector<1x2048x1xi32> to vector<1xi32>
      %reduce_sum3A_312 = vector.shape_cast %reduce_sum3A_311 : vector<1xi32> to vector<1x1x1xi32>
      %reduce_sum3A_313 = vector.extract %reduce_sum3A_312[0, 0, 0] : i32 from vector<1x1x1xi32>
      %ge3A_314 = arith.constant 204 : i32
      %ge3A_315 = arith.cmpi sge, %reduce_sum3A_313, %ge3A_314 : i32
      %select_n3A_316 = arith.select %ge3A_315, %mul3A_305, %scan3A_302 : f32
      %select_n3A_317 = arith.select %ge3A_315, %scan3A_303, %mul3A_305 : f32
      scf.yield %select_n3A_316, %select_n3A_317 : f32, f32
    }
    %ge3A_103 = vector.broadcast %scan3A_102#0 : f32 to vector<2048x1xf32>
    %ge3A_104 = arith.cmpf oge, %select_n3A_95, %ge3A_103 : vector<2048x1xf32>
    %and3A_105 = arith.andi %and3A_91, %ge3A_104 : vector<2048x1xi1>
    %jit3A_106 = arith.constant 3 : i32
    %broadcast_in_dim3A_107 = vector.broadcast %jit3A_106 : i32 to vector<2048x1xi32>
    %select_n3A_108 = arith.select %and3A_105, %broadcast_in_dim3A_107, %select_n3A_88 : vector<2048x1xi1>, vector<2048x1xi32>
    %not3A_109 = arith.constant dense<true> : vector<2048x1xi1>
    %not3A_110 = arith.xori %and3A_105, %not3A_109 : vector<2048x1xi1>
    %and3A_111 = arith.andi %and3A_91, %not3A_110 : vector<2048x1xi1>
    %slice3A_112 = vector.extract_strided_slice %div3A_14 {offsets = [0, 2], sizes = [2048, 1], strides = [1, 1]} : vector<2048x8xf32> to vector<2048x1xf32>
    %jit3A_113 = arith.constant -1.000000e+09 : f32
    %broadcast_in_dim3A_114 = vector.broadcast %jit3A_113 : f32 to vector<2048x1xf32>
    %select_n3A_115 = arith.select %and3A_111, %slice3A_112, %broadcast_in_dim3A_114 : vector<2048x1xi1>, vector<2048x1xf32>
    %scan3A_116 = arith.constant -2.000000e+09 : f32
    %scan3A_117 = arith.constant 1.500000e+00 : f32
    %scan3A_118 = arith.constant 0 : i32
    %scan3A_119 = arith.constant 48 : i32
    %scan3A_120 = arith.addi %scan3A_118, %scan3A_119 : i32
    %scan3A_121 = arith.constant 1 : i32
    %scan3A_122:2 = scf.for %scan3A_301 = %scan3A_118 to %scan3A_120 step %scan3A_121 iter_args(%scan3A_302 = %scan3A_116, %scan3A_303 = %scan3A_117) -> (f32, f32)  : i32 {
      %add3A_304 = arith.addf %scan3A_302, %scan3A_303 : f32
      %mul3A = arith.constant 5.000000e-01 : f32
      %mul3A_305 = arith.mulf %mul3A, %add3A_304 : f32
      %ge3A_306 = vector.broadcast %mul3A_305 : f32 to vector<2048x1xf32>
      %ge3A_307 = arith.cmpf oge, %select_n3A_115, %ge3A_306 : vector<2048x1xf32>
      %convert_element_type3A_308 = arith.extui %ge3A_307 : vector<2048x1xi1> to vector<2048x1xi32>
      %reduce_sum3A_309 = vector.shape_cast %convert_element_type3A_308 : vector<2048x1xi32> to vector<1x2048x1xi32>
      %reduce_sum3A_310 = arith.constant dense<0> : vector<1xi32>
      %reduce_sum3A_311 = vector.multi_reduction <add>, %reduce_sum3A_309, %reduce_sum3A_310 [1, 2] : vector<1x2048x1xi32> to vector<1xi32>
      %reduce_sum3A_312 = vector.shape_cast %reduce_sum3A_311 : vector<1xi32> to vector<1x1x1xi32>
      %reduce_sum3A_313 = vector.extract %reduce_sum3A_312[0, 0, 0] : i32 from vector<1x1x1xi32>
      %ge3A_314 = arith.constant 307 : i32
      %ge3A_315 = arith.cmpi sge, %reduce_sum3A_313, %ge3A_314 : i32
      %select_n3A_316 = arith.select %ge3A_315, %mul3A_305, %scan3A_302 : f32
      %select_n3A_317 = arith.select %ge3A_315, %scan3A_303, %mul3A_305 : f32
      scf.yield %select_n3A_316, %select_n3A_317 : f32, f32
    }
    %ge3A_123 = vector.broadcast %scan3A_122#0 : f32 to vector<2048x1xf32>
    %ge3A_124 = arith.cmpf oge, %select_n3A_115, %ge3A_123 : vector<2048x1xf32>
    %and3A_125 = arith.andi %and3A_111, %ge3A_124 : vector<2048x1xi1>
    %jit3A_126 = arith.constant 2 : i32
    %broadcast_in_dim3A_127 = vector.broadcast %jit3A_126 : i32 to vector<2048x1xi32>
    %select_n3A_128 = arith.select %and3A_125, %broadcast_in_dim3A_127, %select_n3A_108 : vector<2048x1xi1>, vector<2048x1xi32>
    %not3A_129 = arith.constant dense<true> : vector<2048x1xi1>
    %not3A_130 = arith.xori %and3A_125, %not3A_129 : vector<2048x1xi1>
    %and3A_131 = arith.andi %and3A_111, %not3A_130 : vector<2048x1xi1>
    %slice3A_132 = vector.extract_strided_slice %div3A_14 {offsets = [0, 1], sizes = [2048, 1], strides = [1, 1]} : vector<2048x8xf32> to vector<2048x1xf32>
    %jit3A_133 = arith.constant -1.000000e+09 : f32
    %broadcast_in_dim3A_134 = vector.broadcast %jit3A_133 : f32 to vector<2048x1xf32>
    %select_n3A_135 = arith.select %and3A_131, %slice3A_132, %broadcast_in_dim3A_134 : vector<2048x1xi1>, vector<2048x1xf32>
    %scan3A_136 = arith.constant -2.000000e+09 : f32
    %scan3A_137 = arith.constant 1.500000e+00 : f32
    %scan3A_138 = arith.constant 0 : i32
    %scan3A_139 = arith.constant 48 : i32
    %scan3A_140 = arith.addi %scan3A_138, %scan3A_139 : i32
    %scan3A_141 = arith.constant 1 : i32
    %scan3A_142:2 = scf.for %scan3A_301 = %scan3A_138 to %scan3A_140 step %scan3A_141 iter_args(%scan3A_302 = %scan3A_136, %scan3A_303 = %scan3A_137) -> (f32, f32)  : i32 {
      %add3A_304 = arith.addf %scan3A_302, %scan3A_303 : f32
      %mul3A = arith.constant 5.000000e-01 : f32
      %mul3A_305 = arith.mulf %mul3A, %add3A_304 : f32
      %ge3A_306 = vector.broadcast %mul3A_305 : f32 to vector<2048x1xf32>
      %ge3A_307 = arith.cmpf oge, %select_n3A_135, %ge3A_306 : vector<2048x1xf32>
      %convert_element_type3A_308 = arith.extui %ge3A_307 : vector<2048x1xi1> to vector<2048x1xi32>
      %reduce_sum3A_309 = vector.shape_cast %convert_element_type3A_308 : vector<2048x1xi32> to vector<1x2048x1xi32>
      %reduce_sum3A_310 = arith.constant dense<0> : vector<1xi32>
      %reduce_sum3A_311 = vector.multi_reduction <add>, %reduce_sum3A_309, %reduce_sum3A_310 [1, 2] : vector<1x2048x1xi32> to vector<1xi32>
      %reduce_sum3A_312 = vector.shape_cast %reduce_sum3A_311 : vector<1xi32> to vector<1x1x1xi32>
      %reduce_sum3A_313 = vector.extract %reduce_sum3A_312[0, 0, 0] : i32 from vector<1x1x1xi32>
      %ge3A_314 = arith.constant 409 : i32
      %ge3A_315 = arith.cmpi sge, %reduce_sum3A_313, %ge3A_314 : i32
      %select_n3A_316 = arith.select %ge3A_315, %mul3A_305, %scan3A_302 : f32
      %select_n3A_317 = arith.select %ge3A_315, %scan3A_303, %mul3A_305 : f32
      scf.yield %select_n3A_316, %select_n3A_317 : f32, f32
    }
    %ge3A_143 = vector.broadcast %scan3A_142#0 : f32 to vector<2048x1xf32>
    %ge3A_144 = arith.cmpf oge, %select_n3A_135, %ge3A_143 : vector<2048x1xf32>
    %and3A_145 = arith.andi %and3A_131, %ge3A_144 : vector<2048x1xi1>
    %jit3A_146 = arith.constant 1 : i32
    %broadcast_in_dim3A_147 = vector.broadcast %jit3A_146 : i32 to vector<2048x1xi32>
    %select_n3A_148 = arith.select %and3A_145, %broadcast_in_dim3A_147, %select_n3A_128 : vector<2048x1xi1>, vector<2048x1xi32>
    %not3A_149 = arith.constant dense<true> : vector<2048x1xi1>
    %not3A_150 = arith.xori %and3A_145, %not3A_149 : vector<2048x1xi1>
    %and3A_151 = arith.andi %and3A_131, %not3A_150 : vector<2048x1xi1>
    %slice3A_152 = vector.extract_strided_slice %div3A_14 {offsets = [0, 0], sizes = [2048, 1], strides = [1, 1]} : vector<2048x8xf32> to vector<2048x1xf32>
    %jit3A_153 = arith.constant -1.000000e+09 : f32
    %broadcast_in_dim3A_154 = vector.broadcast %jit3A_153 : f32 to vector<2048x1xf32>
    %select_n3A_155 = arith.select %and3A_151, %slice3A_152, %broadcast_in_dim3A_154 : vector<2048x1xi1>, vector<2048x1xf32>
    %scan3A_156 = arith.constant -2.000000e+09 : f32
    %scan3A_157 = arith.constant 1.500000e+00 : f32
    %scan3A_158 = arith.constant 0 : i32
    %scan3A_159 = arith.constant 48 : i32
    %scan3A_160 = arith.addi %scan3A_158, %scan3A_159 : i32
    %scan3A_161 = arith.constant 1 : i32
    %scan3A_162:2 = scf.for %scan3A_301 = %scan3A_158 to %scan3A_160 step %scan3A_161 iter_args(%scan3A_302 = %scan3A_156, %scan3A_303 = %scan3A_157) -> (f32, f32)  : i32 {
      %add3A_304 = arith.addf %scan3A_302, %scan3A_303 : f32
      %mul3A = arith.constant 5.000000e-01 : f32
      %mul3A_305 = arith.mulf %mul3A, %add3A_304 : f32
      %ge3A_306 = vector.broadcast %mul3A_305 : f32 to vector<2048x1xf32>
      %ge3A_307 = arith.cmpf oge, %select_n3A_155, %ge3A_306 : vector<2048x1xf32>
      %convert_element_type3A_308 = arith.extui %ge3A_307 : vector<2048x1xi1> to vector<2048x1xi32>
      %reduce_sum3A_309 = vector.shape_cast %convert_element_type3A_308 : vector<2048x1xi32> to vector<1x2048x1xi32>
      %reduce_sum3A_310 = arith.constant dense<0> : vector<1xi32>
      %reduce_sum3A_311 = vector.multi_reduction <add>, %reduce_sum3A_309, %reduce_sum3A_310 [1, 2] : vector<1x2048x1xi32> to vector<1xi32>
      %reduce_sum3A_312 = vector.shape_cast %reduce_sum3A_311 : vector<1xi32> to vector<1x1x1xi32>
      %reduce_sum3A_313 = vector.extract %reduce_sum3A_312[0, 0, 0] : i32 from vector<1x1x1xi32>
      %ge3A_314 = arith.constant 512 : i32
      %ge3A_315 = arith.cmpi sge, %reduce_sum3A_313, %ge3A_314 : i32
      %select_n3A_316 = arith.select %ge3A_315, %mul3A_305, %scan3A_302 : f32
      %select_n3A_317 = arith.select %ge3A_315, %scan3A_303, %mul3A_305 : f32
      scf.yield %select_n3A_316, %select_n3A_317 : f32, f32
    }
    %ge3A_163 = vector.broadcast %scan3A_162#0 : f32 to vector<2048x1xf32>
    %ge3A_164 = arith.cmpf oge, %select_n3A_155, %ge3A_163 : vector<2048x1xf32>
    %and3A_165 = arith.andi %and3A_151, %ge3A_164 : vector<2048x1xi1>
    %jit3A_166 = arith.constant 0 : i32
    %broadcast_in_dim3A_167 = vector.broadcast %jit3A_166 : i32 to vector<2048x1xi32>
    %select_n3A_168 = arith.select %and3A_165, %broadcast_in_dim3A_167, %select_n3A_148 : vector<2048x1xi1>, vector<2048x1xi32>
    %broadcast_in_dim3A_169 = arith.constant 0.000000e+00 : f32
    %broadcast_in_dim3A_170 = vector.broadcast %broadcast_in_dim3A_169 : f32 to vector<2048x1xf32>
    %eq3A = arith.constant 0 : i32
    %eq3A_171 = vector.broadcast %eq3A : i32 to vector<2048x1xi32>
    %eq3A_172 = arith.cmpi eq, %select_n3A_168, %eq3A_171 : vector<2048x1xi32>
    %slice3A_173 = vector.extract_strided_slice %div3A_14 {offsets = [0, 0], sizes = [2048, 1], strides = [1, 1]} : vector<2048x8xf32> to vector<2048x1xf32>
    %select_n3A_174 = arith.select %eq3A_172, %slice3A_173, %broadcast_in_dim3A_170 : vector<2048x1xi1>, vector<2048x1xf32>
    %eq3A_175 = arith.constant 1 : i32
    %eq3A_176 = vector.broadcast %eq3A_175 : i32 to vector<2048x1xi32>
    %eq3A_177 = arith.cmpi eq, %select_n3A_168, %eq3A_176 : vector<2048x1xi32>
    %slice3A_178 = vector.extract_strided_slice %div3A_14 {offsets = [0, 1], sizes = [2048, 1], strides = [1, 1]} : vector<2048x8xf32> to vector<2048x1xf32>
    %select_n3A_179 = arith.select %eq3A_177, %slice3A_178, %select_n3A_174 : vector<2048x1xi1>, vector<2048x1xf32>
    %eq3A_180 = arith.constant 2 : i32
    %eq3A_181 = vector.broadcast %eq3A_180 : i32 to vector<2048x1xi32>
    %eq3A_182 = arith.cmpi eq, %select_n3A_168, %eq3A_181 : vector<2048x1xi32>
    %slice3A_183 = vector.extract_strided_slice %div3A_14 {offsets = [0, 2], sizes = [2048, 1], strides = [1, 1]} : vector<2048x8xf32> to vector<2048x1xf32>
    %select_n3A_184 = arith.select %eq3A_182, %slice3A_183, %select_n3A_179 : vector<2048x1xi1>, vector<2048x1xf32>
    %eq3A_185 = arith.constant 3 : i32
    %eq3A_186 = vector.broadcast %eq3A_185 : i32 to vector<2048x1xi32>
    %eq3A_187 = arith.cmpi eq, %select_n3A_168, %eq3A_186 : vector<2048x1xi32>
    %slice3A_188 = vector.extract_strided_slice %div3A_14 {offsets = [0, 3], sizes = [2048, 1], strides = [1, 1]} : vector<2048x8xf32> to vector<2048x1xf32>
    %select_n3A_189 = arith.select %eq3A_187, %slice3A_188, %select_n3A_184 : vector<2048x1xi1>, vector<2048x1xf32>
    %eq3A_190 = arith.constant 4 : i32
    %eq3A_191 = vector.broadcast %eq3A_190 : i32 to vector<2048x1xi32>
    %eq3A_192 = arith.cmpi eq, %select_n3A_168, %eq3A_191 : vector<2048x1xi32>
    %slice3A_193 = vector.extract_strided_slice %div3A_14 {offsets = [0, 4], sizes = [2048, 1], strides = [1, 1]} : vector<2048x8xf32> to vector<2048x1xf32>
    %select_n3A_194 = arith.select %eq3A_192, %slice3A_193, %select_n3A_189 : vector<2048x1xi1>, vector<2048x1xf32>
    %eq3A_195 = arith.constant 5 : i32
    %eq3A_196 = vector.broadcast %eq3A_195 : i32 to vector<2048x1xi32>
    %eq3A_197 = arith.cmpi eq, %select_n3A_168, %eq3A_196 : vector<2048x1xi32>
    %slice3A_198 = vector.extract_strided_slice %div3A_14 {offsets = [0, 5], sizes = [2048, 1], strides = [1, 1]} : vector<2048x8xf32> to vector<2048x1xf32>
    %select_n3A_199 = arith.select %eq3A_197, %slice3A_198, %select_n3A_194 : vector<2048x1xi1>, vector<2048x1xf32>
    %eq3A_200 = arith.constant 6 : i32
    %eq3A_201 = vector.broadcast %eq3A_200 : i32 to vector<2048x1xi32>
    %eq3A_202 = arith.cmpi eq, %select_n3A_168, %eq3A_201 : vector<2048x1xi32>
    %slice3A_203 = vector.extract_strided_slice %div3A_14 {offsets = [0, 6], sizes = [2048, 1], strides = [1, 1]} : vector<2048x8xf32> to vector<2048x1xf32>
    %select_n3A_204 = arith.select %eq3A_202, %slice3A_203, %select_n3A_199 : vector<2048x1xi1>, vector<2048x1xf32>
    %eq3A_205 = arith.constant 7 : i32
    %eq3A_206 = vector.broadcast %eq3A_205 : i32 to vector<2048x1xi32>
    %eq3A_207 = arith.cmpi eq, %select_n3A_168, %eq3A_206 : vector<2048x1xi32>
    %slice3A_208 = vector.extract_strided_slice %div3A_14 {offsets = [0, 7], sizes = [2048, 1], strides = [1, 1]} : vector<2048x8xf32> to vector<2048x1xf32>
    %select_n3A_209 = arith.select %eq3A_207, %slice3A_208, %select_n3A_204 : vector<2048x1xi1>, vector<2048x1xf32>
    %swap3A = arith.constant 0 : index
    %swap3A_210 = arith.constant 0 : index
    %swap3A_211 = vector.load %arg3[%swap3A, %swap3A_210] : memref<2048x1xf32, #tpu.memory_space<vmem>>, vector<2048x1xf32>
    tpu.vector_store %arg3[%swap3A, %swap3A_210], %select_n3A_209 {strides = array<i32>} : memref<2048x1xf32, #tpu.memory_space<vmem>>, vector<2048x1xf32>,
    %iota3A = tpu.iota {dimensions = array<i32: 1>} : vector<1x8xi32>
    %eq3A_212 = vector.broadcast %select_n3A_168 : vector<2048x1xi32> to vector<2048x8xi32>
    %eq3A_213 = vector.broadcast %iota3A : vector<1x8xi32> to vector<2048x8xi32>
    %eq3A_214 = arith.cmpi eq, %eq3A_212, %eq3A_213 : vector<2048x8xi32>
    %convert_element_type3A = arith.extui %eq3A_214 : vector<2048x8xi1> to vector<2048x8xi32>
    %convert_element_type3A_215 = arith.sitofp %convert_element_type3A : vector<2048x8xi32> to vector<2048x8xf32>
    %convert_element_type3A_216 = arith.truncf %convert_element_type3A_215 : vector<2048x8xf32> to vector<2048x8xbf16>
    %iota3A_217 = tpu.iota {dimensions = array<i32: 1>} : vector<2048x2048xi32>
    %iota3A_218 = tpu.iota {dimensions = array<i32: 0>} : vector<2048x2048xi32>
    %lt3A = arith.cmpi slt, %iota3A_217, %iota3A_218 : vector<2048x2048xi32>
    %convert_element_type3A_219 = arith.extui %lt3A : vector<2048x2048xi1> to vector<2048x2048xi32>
    %convert_element_type3A_220 = arith.sitofp %convert_element_type3A_219 : vector<2048x2048xi32> to vector<2048x2048xf32>
    %convert_element_type3A_221 = arith.truncf %convert_element_type3A_220 : vector<2048x2048xf32> to vector<2048x2048xbf16>
    %dot_general3A_222 = arith.constant dense<0.000000e+00> : vector<2048x8xf32>
    %dot_general3A_223 = tpu.matmul %convert_element_type3A_221, %convert_element_type3A_216, %dot_general3A_222 {dimension_numbers = #tpu.dot_dimension_numbers<[1], [0], [0], [1], [0, 0, 1, 1], [], []>, transpose_lhs_hint = false} : vector<2048x2048xbf16>, vector<2048x8xbf16>, vector<2048x8xf32> -> vector<2048x8xf32>
    %broadcast_in_dim3A_224 = arith.constant 0 : i32
    %broadcast_in_dim3A_225 = vector.broadcast %broadcast_in_dim3A_224 : i32 to vector<2048x1xi32>
    %eq3A_226 = arith.constant 0 : i32
    %eq3A_227 = vector.broadcast %eq3A_226 : i32 to vector<2048x1xi32>
    %eq3A_228 = arith.cmpi eq, %select_n3A_168, %eq3A_227 : vector<2048x1xi32>
    %slice3A_229 = vector.extract_strided_slice %dot_general3A_223 {offsets = [0, 0], sizes = [2048, 1], strides = [1, 1]} : vector<2048x8xf32> to vector<2048x1xf32>
    %convert_element_type3A_230 = arith.fptosi %slice3A_229 : vector<2048x1xf32> to vector<2048x1xi32>
    %add3A_231 = arith.constant 1536 : i32
    %add3A_232 = vector.broadcast %add3A_231 : i32 to vector<2048x1xi32>
    %add3A_233 = arith.addi %add3A_232, %convert_element_type3A_230 : vector<2048x1xi32>
    %select_n3A_234 = arith.select %eq3A_228, %add3A_233, %broadcast_in_dim3A_225 : vector<2048x1xi1>, vector<2048x1xi32>
    %eq3A_235 = arith.constant 1 : i32
    %eq3A_236 = vector.broadcast %eq3A_235 : i32 to vector<2048x1xi32>
    %eq3A_237 = arith.cmpi eq, %select_n3A_168, %eq3A_236 : vector<2048x1xi32>
    %slice3A_238 = vector.extract_strided_slice %dot_general3A_223 {offsets = [0, 1], sizes = [2048, 1], strides = [1, 1]} : vector<2048x8xf32> to vector<2048x1xf32>
    %convert_element_type3A_239 = arith.fptosi %slice3A_238 : vector<2048x1xf32> to vector<2048x1xi32>
    %add3A_240 = arith.constant 1127 : i32
    %add3A_241 = vector.broadcast %add3A_240 : i32 to vector<2048x1xi32>
    %add3A_242 = arith.addi %add3A_241, %convert_element_type3A_239 : vector<2048x1xi32>
    %select_n3A_243 = arith.select %eq3A_237, %add3A_242, %select_n3A_234 : vector<2048x1xi1>, vector<2048x1xi32>
    %eq3A_244 = arith.constant 2 : i32
    %eq3A_245 = vector.broadcast %eq3A_244 : i32 to vector<2048x1xi32>
    %eq3A_246 = arith.cmpi eq, %select_n3A_168, %eq3A_245 : vector<2048x1xi32>
    %slice3A_247 = vector.extract_strided_slice %dot_general3A_223 {offsets = [0, 2], sizes = [2048, 1], strides = [1, 1]} : vector<2048x8xf32> to vector<2048x1xf32>
    %convert_element_type3A_248 = arith.fptosi %slice3A_247 : vector<2048x1xf32> to vector<2048x1xi32>
    %add3A_249 = arith.constant 820 : i32
    %add3A_250 = vector.broadcast %add3A_249 : i32 to vector<2048x1xi32>
    %add3A_251 = arith.addi %add3A_250, %convert_element_type3A_248 : vector<2048x1xi32>
    %select_n3A_252 = arith.select %eq3A_246, %add3A_251, %select_n3A_243 : vector<2048x1xi1>, vector<2048x1xi32>
    %eq3A_253 = arith.constant 3 : i32
    %eq3A_254 = vector.broadcast %eq3A_253 : i32 to vector<2048x1xi32>
    %eq3A_255 = arith.cmpi eq, %select_n3A_168, %eq3A_254 : vector<2048x1xi32>
    %slice3A_256 = vector.extract_strided_slice %dot_general3A_223 {offsets = [0, 3], sizes = [2048, 1], strides = [1, 1]} : vector<2048x8xf32> to vector<2048x1xf32>
    %convert_element_type3A_257 = arith.fptosi %slice3A_256 : vector<2048x1xf32> to vector<2048x1xi32>
    %add3A_258 = arith.constant 616 : i32
    %add3A_259 = vector.broadcast %add3A_258 : i32 to vector<2048x1xi32>
    %add3A_260 = arith.addi %add3A_259, %convert_element_type3A_257 : vector<2048x1xi32>
    %select_n3A_261 = arith.select %eq3A_255, %add3A_260, %select_n3A_252 : vector<2048x1xi1>, vector<2048x1xi32>
    %eq3A_262 = arith.constant 4 : i32
    %eq3A_263 = vector.broadcast %eq3A_262 : i32 to vector<2048x1xi32>
    %eq3A_264 = arith.cmpi eq, %select_n3A_168, %eq3A_263 : vector<2048x1xi32>
    %slice3A_265 = vector.extract_strided_slice %dot_general3A_223 {offsets = [0, 4], sizes = [2048, 1], strides = [1, 1]} : vector<2048x8xf32> to vector<2048x1xf32>
    %convert_element_type3A_266 = arith.fptosi %slice3A_265 : vector<2048x1xf32> to vector<2048x1xi32>
    %add3A_267 = arith.constant 412 : i32
    %add3A_268 = vector.broadcast %add3A_267 : i32 to vector<2048x1xi32>
    %add3A_269 = arith.addi %add3A_268, %convert_element_type3A_266 : vector<2048x1xi32>
    %select_n3A_270 = arith.select %eq3A_264, %add3A_269, %select_n3A_261 : vector<2048x1xi1>, vector<2048x1xi32>
    %eq3A_271 = arith.constant 5 : i32
    %eq3A_272 = vector.broadcast %eq3A_271 : i32 to vector<2048x1xi32>
    %eq3A_273 = arith.cmpi eq, %select_n3A_168, %eq3A_272 : vector<2048x1xi32>
    %slice3A_274 = vector.extract_strided_slice %dot_general3A_223 {offsets = [0, 5], sizes = [2048, 1], strides = [1, 1]} : vector<2048x8xf32> to vector<2048x1xf32>
    %convert_element_type3A_275 = arith.fptosi %slice3A_274 : vector<2048x1xf32> to vector<2048x1xi32>
    %add3A_276 = arith.constant 249 : i32
    %add3A_277 = vector.broadcast %add3A_276 : i32 to vector<2048x1xi32>
    %add3A_278 = arith.addi %add3A_277, %convert_element_type3A_275 : vector<2048x1xi32>
    %select_n3A_279 = arith.select %eq3A_273, %add3A_278, %select_n3A_270 : vector<2048x1xi1>, vector<2048x1xi32>
    %eq3A_280 = arith.constant 6 : i32
    %eq3A_281 = vector.broadcast %eq3A_280 : i32 to vector<2048x1xi32>
    %eq3A_282 = arith.cmpi eq, %select_n3A_168, %eq3A_281 : vector<2048x1xi32>
    %slice3A_283 = vector.extract_strided_slice %dot_general3A_223 {offsets = [0, 6], sizes = [2048, 1], strides = [1, 1]} : vector<2048x8xf32> to vector<2048x1xf32>
    %convert_element_type3A_284 = arith.fptosi %slice3A_283 : vector<2048x1xf32> to vector<2048x1xi32>
    %add3A_285 = arith.constant 106 : i32
    %add3A_286 = vector.broadcast %add3A_285 : i32 to vector<2048x1xi32>
    %add3A_287 = arith.addi %add3A_286, %convert_element_type3A_284 : vector<2048x1xi32>
    %select_n3A_288 = arith.select %eq3A_282, %add3A_287, %select_n3A_279 : vector<2048x1xi1>, vector<2048x1xi32>
    %eq3A_289 = arith.constant 7 : i32
    %eq3A_290 = vector.broadcast %eq3A_289 : i32 to vector<2048x1xi32>
    %eq3A_291 = arith.cmpi eq, %select_n3A_168, %eq3A_290 : vector<2048x1xi32>
    %slice3A_292 = vector.extract_strided_slice %dot_general3A_223 {offsets = [0, 7], sizes = [2048, 1], strides = [1, 1]} : vector<2048x8xf32> to vector<2048x1xf32>
    %convert_element_type3A_293 = arith.fptosi %slice3A_292 : vector<2048x1xf32> to vector<2048x1xi32>
    %add3A_294 = arith.constant 0 : i32
    %add3A_295 = vector.broadcast %add3A_294 : i32 to vector<2048x1xi32>
    %add3A_296 = arith.addi %add3A_295, %convert_element_type3A_293 : vector<2048x1xi32>
    %select_n3A_297 = arith.select %eq3A_291, %add3A_296, %select_n3A_288 : vector<2048x1xi1>, vector<2048x1xi32>
    %swap3A_298 = arith.constant 0 : index
    %swap3A_299 = arith.constant 0 : index
    %swap3A_300 = vector.load %arg4[%swap3A_298, %swap3A_299] : memref<2048x1xi32, #tpu.memory_space<vmem>>, vector<2048x1xi32>
    tpu.vector_store %arg4[%swap3A_298, %swap3A_299], %select_n3A_297 {strides = array<i32>} : memref<2048x1xi32, #tpu.memory_space<vmem>>, vector<2048x1xi32>,
    return
  }
}

module attributes {stable_mosaic.version = 14 : i64} {
  func.func @_fwd_body(%arg0: memref<2048x1024xf32, #tpu.memory_space<vmem>>, %arg1: memref<1x1024xf32, #tpu.memory_space<vmem>>, %arg2: memref<1x1024xf32, #tpu.memory_space<vmem>>, %arg3: memref<1024x3072xbf16, #tpu.memory_space<vmem>>, %arg4: memref<112x1024xbf16, #tpu.memory_space<vmem>>, %arg5: memref<144x512xbf16, #tpu.memory_space<vmem>>, %arg6: memref<168x256xbf16, #tpu.memory_space<vmem>>, %arg7: memref<208x128xbf16, #tpu.memory_space<vmem>>, %arg8: memref<1432x64xbf16, #tpu.memory_space<vmem>>) attributes {dimension_semantics = [], scalar_prefetch = 0 : i64, scratch_operands = 0 : i64, tpu.core_type = #tpu.core_type<tc>} {
    %get3A = arith.constant 0 : index
    %get3A_0 = arith.constant 0 : index
    %get3A_1 = vector.load %arg1[%get3A, %get3A_0] : memref<1x1024xf32, #tpu.memory_space<vmem>>, vector<1x1024xf32>
    %get3A_2 = arith.constant 0 : index
    %get3A_3 = arith.constant 0 : index
    %get3A_4 = vector.load %arg2[%get3A_2, %get3A_3] : memref<1x1024xf32, #tpu.memory_space<vmem>>, vector<1x1024xf32>
    %get3A_5 = arith.constant 0 : index
    %get3A_6 = arith.constant 0 : index
    %get3A_7 = vector.load %arg0[%get3A_5, %get3A_6] : memref<2048x1024xf32, #tpu.memory_space<vmem>>, vector<106x1024xf32>
    %reduce_sum3A = arith.constant dense<0.000000e+00> : vector<106xf32>
    %reduce_sum3A_8 = vector.multi_reduction <add>, %get3A_7, %reduce_sum3A [1] : vector<106x1024xf32> to vector<106xf32>
    %broadcast_in_dim3A = vector.shape_cast %reduce_sum3A_8 : vector<106xf32> to vector<106x1xf32>
    %div3A = arith.constant 1.024000e+03 : f32
    %div3A_9 = vector.broadcast %div3A : f32 to vector<106x1xf32>
    %div3A_10 = arith.divf %broadcast_in_dim3A, %div3A_9 : vector<106x1xf32>
    %sub3A = vector.broadcast %div3A_10 : vector<106x1xf32> to vector<106x1024xf32>
    %sub3A_11 = arith.subf %get3A_7, %sub3A : vector<106x1024xf32>
    %integer_pow3A = arith.mulf %sub3A_11, %sub3A_11 : vector<106x1024xf32>
    %reduce_sum3A_12 = arith.constant dense<0.000000e+00> : vector<106xf32>
    %reduce_sum3A_13 = vector.multi_reduction <add>, %integer_pow3A, %reduce_sum3A_12 [1] : vector<106x1024xf32> to vector<106xf32>
    %broadcast_in_dim3A_14 = vector.shape_cast %reduce_sum3A_13 : vector<106xf32> to vector<106x1xf32>
    %div3A_15 = arith.constant 1.024000e+03 : f32
    %div3A_16 = vector.broadcast %div3A_15 : f32 to vector<106x1xf32>
    %div3A_17 = arith.divf %broadcast_in_dim3A_14, %div3A_16 : vector<106x1xf32>
    %sub3A_18 = vector.broadcast %div3A_10 : vector<106x1xf32> to vector<106x1024xf32>
    %sub3A_19 = arith.subf %get3A_7, %sub3A_18 : vector<106x1024xf32>
    %add3A = arith.constant 9.99999997E-7 : f32
    %add3A_20 = vector.broadcast %add3A : f32 to vector<106x1xf32>
    %add3A_21 = arith.addf %div3A_17, %add3A_20 : vector<106x1xf32>
    %sqrt3A = math.sqrt %add3A_21 : vector<106x1xf32>
    %div3A_22 = vector.broadcast %sqrt3A : vector<106x1xf32> to vector<106x1024xf32>
    %div3A_23 = arith.divf %sub3A_19, %div3A_22 : vector<106x1024xf32>
    %mul3A = vector.broadcast %get3A_1 : vector<1x1024xf32> to vector<106x1024xf32>
    %mul3A_24 = arith.mulf %div3A_23, %mul3A : vector<106x1024xf32>
    %add3A_25 = vector.broadcast %get3A_4 : vector<1x1024xf32> to vector<106x1024xf32>
    %add3A_26 = arith.addf %mul3A_24, %add3A_25 : vector<106x1024xf32>
    %convert_element_type3A = arith.truncf %add3A_26 : vector<106x1024xf32> to vector<106x1024xbf16>
    %get3A_27 = arith.constant 0 : index
    %get3A_28 = arith.constant 0 : index
    %get3A_29 = vector.load %arg3[%get3A_27, %get3A_28] : memref<1024x3072xbf16, #tpu.memory_space<vmem>>, vector<1024x1024xbf16>
    %get3A_30 = arith.constant 0 : index
    %get3A_31 = arith.constant 1024 : index
    %get3A_32 = vector.load %arg3[%get3A_30, %get3A_31] : memref<1024x3072xbf16, #tpu.memory_space<vmem>>, vector<1024x1024xbf16>
    %get3A_33 = arith.constant 0 : index
    %get3A_34 = arith.constant 2048 : index
    %get3A_35 = vector.load %arg3[%get3A_33, %get3A_34] : memref<1024x3072xbf16, #tpu.memory_space<vmem>>, vector<1024x1024xbf16>
    %concatenate3A = tpu.concatenate %get3A_29, %get3A_32, %get3A_35 in 1 : vector<1024x1024xbf16>, vector<1024x1024xbf16>, vector<1024x1024xbf16> -> vector<1024x3072xbf16>
    %dot_general3A = arith.constant dense<0.000000e+00> : vector<106x3072xf32>
    %dot_general3A_36 = tpu.matmul %convert_element_type3A, %concatenate3A, %dot_general3A {dimension_numbers = #tpu.dot_dimension_numbers<[1], [0], [0], [1], [0, 0, 1, 1], [], []>, transpose_lhs_hint = false} : vector<106x1024xbf16>, vector<1024x3072xbf16>, vector<106x3072xf32> -> vector<106x3072xf32>
    %convert_element_type3A_37 = arith.truncf %dot_general3A_36 : vector<106x3072xf32> to vector<106x3072xbf16>
    %get3A_38 = arith.constant 106 : index
    %get3A_39 = arith.constant 0 : index
    %get3A_40 = vector.load %arg0[%get3A_38, %get3A_39] : memref<2048x1024xf32, #tpu.memory_space<vmem>>, vector<143x1024xf32>
    %reduce_sum3A_41 = arith.constant dense<0.000000e+00> : vector<143xf32>
    %reduce_sum3A_42 = vector.multi_reduction <add>, %get3A_40, %reduce_sum3A_41 [1] : vector<143x1024xf32> to vector<143xf32>
    %broadcast_in_dim3A_43 = vector.shape_cast %reduce_sum3A_42 : vector<143xf32> to vector<143x1xf32>
    %div3A_44 = arith.constant 1.024000e+03 : f32
    %div3A_45 = vector.broadcast %div3A_44 : f32 to vector<143x1xf32>
    %div3A_46 = arith.divf %broadcast_in_dim3A_43, %div3A_45 : vector<143x1xf32>
    %sub3A_47 = vector.broadcast %div3A_46 : vector<143x1xf32> to vector<143x1024xf32>
    %sub3A_48 = arith.subf %get3A_40, %sub3A_47 : vector<143x1024xf32>
    %integer_pow3A_49 = arith.mulf %sub3A_48, %sub3A_48 : vector<143x1024xf32>
    %reduce_sum3A_50 = arith.constant dense<0.000000e+00> : vector<143xf32>
    %reduce_sum3A_51 = vector.multi_reduction <add>, %integer_pow3A_49, %reduce_sum3A_50 [1] : vector<143x1024xf32> to vector<143xf32>
    %broadcast_in_dim3A_52 = vector.shape_cast %reduce_sum3A_51 : vector<143xf32> to vector<143x1xf32>
    %div3A_53 = arith.constant 1.024000e+03 : f32
    %div3A_54 = vector.broadcast %div3A_53 : f32 to vector<143x1xf32>
    %div3A_55 = arith.divf %broadcast_in_dim3A_52, %div3A_54 : vector<143x1xf32>
    %sub3A_56 = vector.broadcast %div3A_46 : vector<143x1xf32> to vector<143x1024xf32>
    %sub3A_57 = arith.subf %get3A_40, %sub3A_56 : vector<143x1024xf32>
    %add3A_58 = arith.constant 9.99999997E-7 : f32
    %add3A_59 = vector.broadcast %add3A_58 : f32 to vector<143x1xf32>
    %add3A_60 = arith.addf %div3A_55, %add3A_59 : vector<143x1xf32>
    %sqrt3A_61 = math.sqrt %add3A_60 : vector<143x1xf32>
    %div3A_62 = vector.broadcast %sqrt3A_61 : vector<143x1xf32> to vector<143x1024xf32>
    %div3A_63 = arith.divf %sub3A_57, %div3A_62 : vector<143x1024xf32>
    %mul3A_64 = vector.broadcast %get3A_1 : vector<1x1024xf32> to vector<143x1024xf32>
    %mul3A_65 = arith.mulf %div3A_63, %mul3A_64 : vector<143x1024xf32>
    %add3A_66 = vector.broadcast %get3A_4 : vector<1x1024xf32> to vector<143x1024xf32>
    %add3A_67 = arith.addf %mul3A_65, %add3A_66 : vector<143x1024xf32>
    %slice3A = vector.extract_strided_slice %add3A_67 {offsets = [0, 0], sizes = [143, 512], strides = [1, 1]} : vector<143x1024xf32> to vector<143x512xf32>
    %convert_element_type3A_68 = arith.truncf %slice3A : vector<143x512xf32> to vector<143x512xbf16>
    %get3A_69 = arith.constant 0 : index
    %get3A_70 = arith.constant 0 : index
    %get3A_71 = vector.load %arg3[%get3A_69, %get3A_70] : memref<1024x3072xbf16, #tpu.memory_space<vmem>>, vector<512x512xbf16>
    %get3A_72 = arith.constant 0 : index
    %get3A_73 = arith.constant 1024 : index
    %get3A_74 = vector.load %arg3[%get3A_72, %get3A_73] : memref<1024x3072xbf16, #tpu.memory_space<vmem>>, vector<512x512xbf16>
    %get3A_75 = arith.constant 0 : index
    %get3A_76 = arith.constant 2048 : index
    %get3A_77 = vector.load %arg3[%get3A_75, %get3A_76] : memref<1024x3072xbf16, #tpu.memory_space<vmem>>, vector<512x512xbf16>
    %concatenate3A_78 = tpu.concatenate %get3A_71, %get3A_74, %get3A_77 in 1 : vector<512x512xbf16>, vector<512x512xbf16>, vector<512x512xbf16> -> vector<512x1536xbf16>
    %dot_general3A_79 = arith.constant dense<0.000000e+00> : vector<143x1536xf32>
    %dot_general3A_80 = tpu.matmul %convert_element_type3A_68, %concatenate3A_78, %dot_general3A_79 {dimension_numbers = #tpu.dot_dimension_numbers<[1], [0], [0], [1], [0, 0, 1, 1], [], []>, transpose_lhs_hint = false} : vector<143x512xbf16>, vector<512x1536xbf16>, vector<143x1536xf32> -> vector<143x1536xf32>
    %convert_element_type3A_81 = arith.truncf %dot_general3A_80 : vector<143x1536xf32> to vector<143x1536xbf16>
    %get3A_82 = arith.constant 249 : index
    %get3A_83 = arith.constant 0 : index
    %get3A_84 = vector.load %arg0[%get3A_82, %get3A_83] : memref<2048x1024xf32, #tpu.memory_space<vmem>>, vector<163x1024xf32>
    %reduce_sum3A_85 = arith.constant dense<0.000000e+00> : vector<163xf32>
    %reduce_sum3A_86 = vector.multi_reduction <add>, %get3A_84, %reduce_sum3A_85 [1] : vector<163x1024xf32> to vector<163xf32>
    %broadcast_in_dim3A_87 = vector.shape_cast %reduce_sum3A_86 : vector<163xf32> to vector<163x1xf32>
    %div3A_88 = arith.constant 1.024000e+03 : f32
    %div3A_89 = vector.broadcast %div3A_88 : f32 to vector<163x1xf32>
    %div3A_90 = arith.divf %broadcast_in_dim3A_87, %div3A_89 : vector<163x1xf32>
    %sub3A_91 = vector.broadcast %div3A_90 : vector<163x1xf32> to vector<163x1024xf32>
    %sub3A_92 = arith.subf %get3A_84, %sub3A_91 : vector<163x1024xf32>
    %integer_pow3A_93 = arith.mulf %sub3A_92, %sub3A_92 : vector<163x1024xf32>
    %reduce_sum3A_94 = arith.constant dense<0.000000e+00> : vector<163xf32>
    %reduce_sum3A_95 = vector.multi_reduction <add>, %integer_pow3A_93, %reduce_sum3A_94 [1] : vector<163x1024xf32> to vector<163xf32>
    %broadcast_in_dim3A_96 = vector.shape_cast %reduce_sum3A_95 : vector<163xf32> to vector<163x1xf32>
    %div3A_97 = arith.constant 1.024000e+03 : f32
    %div3A_98 = vector.broadcast %div3A_97 : f32 to vector<163x1xf32>
    %div3A_99 = arith.divf %broadcast_in_dim3A_96, %div3A_98 : vector<163x1xf32>
    %sub3A_100 = vector.broadcast %div3A_90 : vector<163x1xf32> to vector<163x1024xf32>
    %sub3A_101 = arith.subf %get3A_84, %sub3A_100 : vector<163x1024xf32>
    %add3A_102 = arith.constant 9.99999997E-7 : f32
    %add3A_103 = vector.broadcast %add3A_102 : f32 to vector<163x1xf32>
    %add3A_104 = arith.addf %div3A_99, %add3A_103 : vector<163x1xf32>
    %sqrt3A_105 = math.sqrt %add3A_104 : vector<163x1xf32>
    %div3A_106 = vector.broadcast %sqrt3A_105 : vector<163x1xf32> to vector<163x1024xf32>
    %div3A_107 = arith.divf %sub3A_101, %div3A_106 : vector<163x1024xf32>
    %mul3A_108 = vector.broadcast %get3A_1 : vector<1x1024xf32> to vector<163x1024xf32>
    %mul3A_109 = arith.mulf %div3A_107, %mul3A_108 : vector<163x1024xf32>
    %add3A_110 = vector.broadcast %get3A_4 : vector<1x1024xf32> to vector<163x1024xf32>
    %add3A_111 = arith.addf %mul3A_109, %add3A_110 : vector<163x1024xf32>
    %slice3A_112 = vector.extract_strided_slice %add3A_111 {offsets = [0, 0], sizes = [163, 256], strides = [1, 1]} : vector<163x1024xf32> to vector<163x256xf32>
    %convert_element_type3A_113 = arith.truncf %slice3A_112 : vector<163x256xf32> to vector<163x256xbf16>
    %get3A_114 = arith.constant 0 : index
    %get3A_115 = arith.constant 0 : index
    %get3A_116 = vector.load %arg3[%get3A_114, %get3A_115] : memref<1024x3072xbf16, #tpu.memory_space<vmem>>, vector<256x256xbf16>
    %get3A_117 = arith.constant 0 : index
    %get3A_118 = arith.constant 1024 : index
    %get3A_119 = vector.load %arg3[%get3A_117, %get3A_118] : memref<1024x3072xbf16, #tpu.memory_space<vmem>>, vector<256x256xbf16>
    %get3A_120 = arith.constant 0 : index
    %get3A_121 = arith.constant 2048 : index
    %get3A_122 = vector.load %arg3[%get3A_120, %get3A_121] : memref<1024x3072xbf16, #tpu.memory_space<vmem>>, vector<256x256xbf16>
    %concatenate3A_123 = tpu.concatenate %get3A_116, %get3A_119, %get3A_122 in 1 : vector<256x256xbf16>, vector<256x256xbf16>, vector<256x256xbf16> -> vector<256x768xbf16>
    %dot_general3A_124 = arith.constant dense<0.000000e+00> : vector<163x768xf32>
    %dot_general3A_125 = tpu.matmul %convert_element_type3A_113, %concatenate3A_123, %dot_general3A_124 {dimension_numbers = #tpu.dot_dimension_numbers<[1], [0], [0], [1], [0, 0, 1, 1], [], []>, transpose_lhs_hint = false} : vector<163x256xbf16>, vector<256x768xbf16>, vector<163x768xf32> -> vector<163x768xf32>
    %convert_element_type3A_126 = arith.truncf %dot_general3A_125 : vector<163x768xf32> to vector<163x768xbf16>
    %get3A_127 = arith.constant 412 : index
    %get3A_128 = arith.constant 0 : index
    %get3A_129 = vector.load %arg0[%get3A_127, %get3A_128] : memref<2048x1024xf32, #tpu.memory_space<vmem>>, vector<204x1024xf32>
    %reduce_sum3A_130 = arith.constant dense<0.000000e+00> : vector<204xf32>
    %reduce_sum3A_131 = vector.multi_reduction <add>, %get3A_129, %reduce_sum3A_130 [1] : vector<204x1024xf32> to vector<204xf32>
    %broadcast_in_dim3A_132 = vector.shape_cast %reduce_sum3A_131 : vector<204xf32> to vector<204x1xf32>
    %div3A_133 = arith.constant 1.024000e+03 : f32
    %div3A_134 = vector.broadcast %div3A_133 : f32 to vector<204x1xf32>
    %div3A_135 = arith.divf %broadcast_in_dim3A_132, %div3A_134 : vector<204x1xf32>
    %sub3A_136 = vector.broadcast %div3A_135 : vector<204x1xf32> to vector<204x1024xf32>
    %sub3A_137 = arith.subf %get3A_129, %sub3A_136 : vector<204x1024xf32>
    %integer_pow3A_138 = arith.mulf %sub3A_137, %sub3A_137 : vector<204x1024xf32>
    %reduce_sum3A_139 = arith.constant dense<0.000000e+00> : vector<204xf32>
    %reduce_sum3A_140 = vector.multi_reduction <add>, %integer_pow3A_138, %reduce_sum3A_139 [1] : vector<204x1024xf32> to vector<204xf32>
    %broadcast_in_dim3A_141 = vector.shape_cast %reduce_sum3A_140 : vector<204xf32> to vector<204x1xf32>
    %div3A_142 = arith.constant 1.024000e+03 : f32
    %div3A_143 = vector.broadcast %div3A_142 : f32 to vector<204x1xf32>
    %div3A_144 = arith.divf %broadcast_in_dim3A_141, %div3A_143 : vector<204x1xf32>
    %sub3A_145 = vector.broadcast %div3A_135 : vector<204x1xf32> to vector<204x1024xf32>
    %sub3A_146 = arith.subf %get3A_129, %sub3A_145 : vector<204x1024xf32>
    %add3A_147 = arith.constant 9.99999997E-7 : f32
    %add3A_148 = vector.broadcast %add3A_147 : f32 to vector<204x1xf32>
    %add3A_149 = arith.addf %div3A_144, %add3A_148 : vector<204x1xf32>
    %sqrt3A_150 = math.sqrt %add3A_149 : vector<204x1xf32>
    %div3A_151 = vector.broadcast %sqrt3A_150 : vector<204x1xf32> to vector<204x1024xf32>
    %div3A_152 = arith.divf %sub3A_146, %div3A_151 : vector<204x1024xf32>
    %mul3A_153 = vector.broadcast %get3A_1 : vector<1x1024xf32> to vector<204x1024xf32>
    %mul3A_154 = arith.mulf %div3A_152, %mul3A_153 : vector<204x1024xf32>
    %add3A_155 = vector.broadcast %get3A_4 : vector<1x1024xf32> to vector<204x1024xf32>
    %add3A_156 = arith.addf %mul3A_154, %add3A_155 : vector<204x1024xf32>
    %slice3A_157 = vector.extract_strided_slice %add3A_156 {offsets = [0, 0], sizes = [204, 128], strides = [1, 1]} : vector<204x1024xf32> to vector<204x128xf32>
    %convert_element_type3A_158 = arith.truncf %slice3A_157 : vector<204x128xf32> to vector<204x128xbf16>
    %get3A_159 = arith.constant 0 : index
    %get3A_160 = arith.constant 0 : index
    %get3A_161 = vector.load %arg3[%get3A_159, %get3A_160] : memref<1024x3072xbf16, #tpu.memory_space<vmem>>, vector<128x128xbf16>
    %get3A_162 = arith.constant 0 : index
    %get3A_163 = arith.constant 1024 : index
    %get3A_164 = vector.load %arg3[%get3A_162, %get3A_163] : memref<1024x3072xbf16, #tpu.memory_space<vmem>>, vector<128x128xbf16>
    %get3A_165 = arith.constant 0 : index
    %get3A_166 = arith.constant 2048 : index
    %get3A_167 = vector.load %arg3[%get3A_165, %get3A_166] : memref<1024x3072xbf16, #tpu.memory_space<vmem>>, vector<128x128xbf16>
    %concatenate3A_168 = tpu.concatenate %get3A_161, %get3A_164, %get3A_167 in 1 : vector<128x128xbf16>, vector<128x128xbf16>, vector<128x128xbf16> -> vector<128x384xbf16>
    %dot_general3A_169 = arith.constant dense<0.000000e+00> : vector<204x384xf32>
    %dot_general3A_170 = tpu.matmul %convert_element_type3A_158, %concatenate3A_168, %dot_general3A_169 {dimension_numbers = #tpu.dot_dimension_numbers<[1], [0], [0], [1], [0, 0, 1, 1], [], []>, transpose_lhs_hint = false} : vector<204x128xbf16>, vector<128x384xbf16>, vector<204x384xf32> -> vector<204x384xf32>
    %convert_element_type3A_171 = arith.truncf %dot_general3A_170 : vector<204x384xf32> to vector<204x384xbf16>
    %get3A_172 = arith.constant 616 : index
    %get3A_173 = arith.constant 0 : index
    %get3A_174 = vector.load %arg0[%get3A_172, %get3A_173] : memref<2048x1024xf32, #tpu.memory_space<vmem>>, vector<1432x1024xf32>
    %reduce_sum3A_175 = arith.constant dense<0.000000e+00> : vector<1432xf32>
    %reduce_sum3A_176 = vector.multi_reduction <add>, %get3A_174, %reduce_sum3A_175 [1] : vector<1432x1024xf32> to vector<1432xf32>
    %broadcast_in_dim3A_177 = vector.shape_cast %reduce_sum3A_176 : vector<1432xf32> to vector<1432x1xf32>
    %div3A_178 = arith.constant 1.024000e+03 : f32
    %div3A_179 = vector.broadcast %div3A_178 : f32 to vector<1432x1xf32>
    %div3A_180 = arith.divf %broadcast_in_dim3A_177, %div3A_179 : vector<1432x1xf32>
    %sub3A_181 = vector.broadcast %div3A_180 : vector<1432x1xf32> to vector<1432x1024xf32>
    %sub3A_182 = arith.subf %get3A_174, %sub3A_181 : vector<1432x1024xf32>
    %integer_pow3A_183 = arith.mulf %sub3A_182, %sub3A_182 : vector<1432x1024xf32>
    %reduce_sum3A_184 = arith.constant dense<0.000000e+00> : vector<1432xf32>
    %reduce_sum3A_185 = vector.multi_reduction <add>, %integer_pow3A_183, %reduce_sum3A_184 [1] : vector<1432x1024xf32> to vector<1432xf32>
    %broadcast_in_dim3A_186 = vector.shape_cast %reduce_sum3A_185 : vector<1432xf32> to vector<1432x1xf32>
    %div3A_187 = arith.constant 1.024000e+03 : f32
    %div3A_188 = vector.broadcast %div3A_187 : f32 to vector<1432x1xf32>
    %div3A_189 = arith.divf %broadcast_in_dim3A_186, %div3A_188 : vector<1432x1xf32>
    %sub3A_190 = vector.broadcast %div3A_180 : vector<1432x1xf32> to vector<1432x1024xf32>
    %sub3A_191 = arith.subf %get3A_174, %sub3A_190 : vector<1432x1024xf32>
    %add3A_192 = arith.constant 9.99999997E-7 : f32
    %add3A_193 = vector.broadcast %add3A_192 : f32 to vector<1432x1xf32>
    %add3A_194 = arith.addf %div3A_189, %add3A_193 : vector<1432x1xf32>
    %sqrt3A_195 = math.sqrt %add3A_194 : vector<1432x1xf32>
    %div3A_196 = vector.broadcast %sqrt3A_195 : vector<1432x1xf32> to vector<1432x1024xf32>
    %div3A_197 = arith.divf %sub3A_191, %div3A_196 : vector<1432x1024xf32>
    %mul3A_198 = vector.broadcast %get3A_1 : vector<1x1024xf32> to vector<1432x1024xf32>
    %mul3A_199 = arith.mulf %div3A_197, %mul3A_198 : vector<1432x1024xf32>
    %add3A_200 = vector.broadcast %get3A_4 : vector<1x1024xf32> to vector<1432x1024xf32>
    %add3A_201 = arith.addf %mul3A_199, %add3A_200 : vector<1432x1024xf32>
    %iota3A = tpu.iota {dimensions = array<i32: 0>} : vector<1432x1xi32>
    %add3A_202 = arith.constant 616 : i32
    %add3A_203 = vector.broadcast %add3A_202 : i32 to vector<1432x1xi32>
    %add3A_204 = arith.addi %iota3A, %add3A_203 : vector<1432x1xi32>
    %broadcast_in_dim3A_205 = arith.constant 8 : i32
    %broadcast_in_dim3A_206 = vector.broadcast %broadcast_in_dim3A_205 : i32 to vector<1432x1xi32>
    %lt3A = arith.constant 1536 : i32
    %lt3A_207 = vector.broadcast %lt3A : i32 to vector<1432x1xi32>
    %lt3A_208 = arith.cmpi slt, %add3A_204, %lt3A_207 : vector<1432x1xi32>
    %ge3A = arith.constant 1127 : i32
    %ge3A_209 = vector.broadcast %ge3A : i32 to vector<1432x1xi32>
    %ge3A_210 = arith.cmpi sge, %add3A_204, %ge3A_209 : vector<1432x1xi32>
    %jit3A = arith.constant 16 : i32
    %broadcast_in_dim3A_211 = vector.broadcast %jit3A : i32 to vector<1432x1xi32>
    %select_n3A = arith.select %ge3A_210, %broadcast_in_dim3A_211, %broadcast_in_dim3A_206 : vector<1432x1xi1>, vector<1432x1xi32>
    %select_n3A_212 = arith.select %lt3A_208, %select_n3A, %broadcast_in_dim3A_206 : vector<1432x1xi1>, vector<1432x1xi32>
    %lt3A_213 = arith.constant 1127 : i32
    %lt3A_214 = vector.broadcast %lt3A_213 : i32 to vector<1432x1xi32>
    %lt3A_215 = arith.cmpi slt, %add3A_204, %lt3A_214 : vector<1432x1xi32>
    %ge3A_216 = arith.constant 820 : i32
    %ge3A_217 = vector.broadcast %ge3A_216 : i32 to vector<1432x1xi32>
    %ge3A_218 = arith.cmpi sge, %add3A_204, %ge3A_217 : vector<1432x1xi32>
    %jit3A_219 = arith.constant 32 : i32
    %broadcast_in_dim3A_220 = vector.broadcast %jit3A_219 : i32 to vector<1432x1xi32>
    %select_n3A_221 = arith.select %ge3A_218, %broadcast_in_dim3A_220, %select_n3A_212 : vector<1432x1xi1>, vector<1432x1xi32>
    %select_n3A_222 = arith.select %lt3A_215, %select_n3A_221, %select_n3A_212 : vector<1432x1xi1>, vector<1432x1xi32>
    %lt3A_223 = arith.constant 820 : i32
    %lt3A_224 = vector.broadcast %lt3A_223 : i32 to vector<1432x1xi32>
    %lt3A_225 = arith.cmpi slt, %add3A_204, %lt3A_224 : vector<1432x1xi32>
    %ge3A_226 = arith.constant 616 : i32
    %ge3A_227 = vector.broadcast %ge3A_226 : i32 to vector<1432x1xi32>
    %ge3A_228 = arith.cmpi sge, %add3A_204, %ge3A_227 : vector<1432x1xi32>
    %jit3A_229 = arith.constant 64 : i32
    %broadcast_in_dim3A_230 = vector.broadcast %jit3A_229 : i32 to vector<1432x1xi32>
    %select_n3A_231 = arith.select %ge3A_228, %broadcast_in_dim3A_230, %select_n3A_222 : vector<1432x1xi1>, vector<1432x1xi32>
    %select_n3A_232 = arith.select %lt3A_225, %select_n3A_231, %select_n3A_222 : vector<1432x1xi1>, vector<1432x1xi32>
    %iota3A_233 = tpu.iota {dimensions = array<i32: 1>} : vector<1x1024xi32>
    %lt3A_234 = vector.broadcast %iota3A_233 : vector<1x1024xi32> to vector<1432x1024xi32>
    %lt3A_235 = vector.broadcast %select_n3A_232 : vector<1432x1xi32> to vector<1432x1024xi32>
    %lt3A_236 = arith.cmpi slt, %lt3A_234, %lt3A_235 : vector<1432x1024xi32>
    %jit3A_237 = arith.constant 0.000000e+00 : f32
    %broadcast_in_dim3A_238 = vector.broadcast %jit3A_237 : f32 to vector<1432x1024xf32>
    %select_n3A_239 = arith.select %lt3A_236, %add3A_201, %broadcast_in_dim3A_238 : vector<1432x1024xi1>, vector<1432x1024xf32>
    %slice3A_240 = vector.extract_strided_slice %select_n3A_239 {offsets = [0, 0], sizes = [1432, 64], strides = [1, 1]} : vector<1432x1024xf32> to vector<1432x64xf32>
    %convert_element_type3A_241 = arith.truncf %slice3A_240 : vector<1432x64xf32> to vector<1432x64xbf16>
    %get3A_242 = arith.constant 0 : index
    %get3A_243 = arith.constant 0 : index
    %get3A_244 = vector.load %arg3[%get3A_242, %get3A_243] : memref<1024x3072xbf16, #tpu.memory_space<vmem>>, vector<64x64xbf16>
    %get3A_245 = arith.constant 0 : index
    %get3A_246 = arith.constant 1024 : index
    %get3A_247 = vector.load %arg3[%get3A_245, %get3A_246] : memref<1024x3072xbf16, #tpu.memory_space<vmem>>, vector<64x64xbf16>
    %get3A_248 = arith.constant 0 : index
    %get3A_249 = arith.constant 2048 : index
    %get3A_250 = vector.load %arg3[%get3A_248, %get3A_249] : memref<1024x3072xbf16, #tpu.memory_space<vmem>>, vector<64x64xbf16>
    %concatenate3A_251 = tpu.concatenate %get3A_244, %get3A_247, %get3A_250 in 1 : vector<64x64xbf16>, vector<64x64xbf16>, vector<64x64xbf16> -> vector<64x192xbf16>
    %dot_general3A_252 = arith.constant dense<0.000000e+00> : vector<1432x192xf32>
    %dot_general3A_253 = tpu.matmul %convert_element_type3A_241, %concatenate3A_251, %dot_general3A_252 {dimension_numbers = #tpu.dot_dimension_numbers<[1], [0], [0], [1], [0, 0, 1, 1], [], []>, transpose_lhs_hint = false} : vector<1432x64xbf16>, vector<64x192xbf16>, vector<1432x192xf32> -> vector<1432x192xf32>
    %iota3A_254 = tpu.iota {dimensions = array<i32: 1>} : vector<1x192xi32>
    %and3A = arith.constant 63 : i32
    %and3A_255 = vector.broadcast %and3A : i32 to vector<1x192xi32>
    %and3A_256 = arith.andi %iota3A_254, %and3A_255 : vector<1x192xi32>
    %lt3A_257 = vector.broadcast %and3A_256 : vector<1x192xi32> to vector<1432x192xi32>
    %lt3A_258 = vector.broadcast %select_n3A_232 : vector<1432x1xi32> to vector<1432x192xi32>
    %lt3A_259 = arith.cmpi slt, %lt3A_257, %lt3A_258 : vector<1432x192xi32>
    %jit3A_260 = arith.constant 0.000000e+00 : f32
    %broadcast_in_dim3A_261 = vector.broadcast %jit3A_260 : f32 to vector<1432x192xf32>
    %select_n3A_262 = arith.select %lt3A_259, %dot_general3A_253, %broadcast_in_dim3A_261 : vector<1432x192xi1>, vector<1432x192xf32>
    %convert_element_type3A_263 = arith.truncf %select_n3A_262 : vector<1432x192xf32> to vector<1432x192xbf16>
    %slice3A_264 = vector.extract_strided_slice %convert_element_type3A_37 {offsets = [0, 0], sizes = [106, 64], strides = [1, 1]} : vector<106x3072xbf16> to vector<106x64xbf16>
    %slice3A_265 = vector.extract_strided_slice %convert_element_type3A_81 {offsets = [0, 0], sizes = [143, 64], strides = [1, 1]} : vector<143x1536xbf16> to vector<143x64xbf16>
    %slice3A_266 = vector.extract_strided_slice %convert_element_type3A_126 {offsets = [0, 0], sizes = [163, 64], strides = [1, 1]} : vector<163x768xbf16> to vector<163x64xbf16>
    %slice3A_267 = vector.extract_strided_slice %convert_element_type3A_171 {offsets = [0, 0], sizes = [204, 64], strides = [1, 1]} : vector<204x384xbf16> to vector<204x64xbf16>
    %slice3A_268 = vector.extract_strided_slice %convert_element_type3A_263 {offsets = [0, 0], sizes = [1432, 64], strides = [1, 1]} : vector<1432x192xbf16> to vector<1432x64xbf16>
    %concatenate3A_269 = tpu.concatenate %slice3A_264, %slice3A_265, %slice3A_266, %slice3A_267, %slice3A_268 in 0 : vector<106x64xbf16>, vector<143x64xbf16>, vector<163x64xbf16>, vector<204x64xbf16>, vector<1432x64xbf16> -> vector<2048x64xbf16>
    %slice3A_270 = vector.extract_strided_slice %convert_element_type3A_37 {offsets = [0, 1024], sizes = [106, 64], strides = [1, 1]} : vector<106x3072xbf16> to vector<106x64xbf16>
    %slice3A_271 = vector.extract_strided_slice %convert_element_type3A_81 {offsets = [0, 512], sizes = [143, 64], strides = [1, 1]} : vector<143x1536xbf16> to vector<143x64xbf16>
    %slice3A_272 = vector.extract_strided_slice %convert_element_type3A_126 {offsets = [0, 256], sizes = [163, 64], strides = [1, 1]} : vector<163x768xbf16> to vector<163x64xbf16>
    %slice3A_273 = vector.extract_strided_slice %convert_element_type3A_171 {offsets = [0, 128], sizes = [204, 64], strides = [1, 1]} : vector<204x384xbf16> to vector<204x64xbf16>
    %slice3A_274 = vector.extract_strided_slice %convert_element_type3A_263 {offsets = [0, 64], sizes = [1432, 64], strides = [1, 1]} : vector<1432x192xbf16> to vector<1432x64xbf16>
    %concatenate3A_275 = tpu.concatenate %slice3A_270, %slice3A_271, %slice3A_272, %slice3A_273, %slice3A_274 in 0 : vector<106x64xbf16>, vector<143x64xbf16>, vector<163x64xbf16>, vector<204x64xbf16>, vector<1432x64xbf16> -> vector<2048x64xbf16>
    %slice3A_276 = vector.extract_strided_slice %convert_element_type3A_37 {offsets = [0, 2048], sizes = [106, 64], strides = [1, 1]} : vector<106x3072xbf16> to vector<106x64xbf16>
    %slice3A_277 = vector.extract_strided_slice %convert_element_type3A_81 {offsets = [0, 1024], sizes = [143, 64], strides = [1, 1]} : vector<143x1536xbf16> to vector<143x64xbf16>
    %slice3A_278 = vector.extract_strided_slice %convert_element_type3A_126 {offsets = [0, 512], sizes = [163, 64], strides = [1, 1]} : vector<163x768xbf16> to vector<163x64xbf16>
    %slice3A_279 = vector.extract_strided_slice %convert_element_type3A_171 {offsets = [0, 256], sizes = [204, 64], strides = [1, 1]} : vector<204x384xbf16> to vector<204x64xbf16>
    %slice3A_280 = vector.extract_strided_slice %convert_element_type3A_263 {offsets = [0, 128], sizes = [1432, 64], strides = [1, 1]} : vector<1432x192xbf16> to vector<1432x64xbf16>
    %concatenate3A_281 = tpu.concatenate %slice3A_276, %slice3A_277, %slice3A_278, %slice3A_279, %slice3A_280 in 0 : vector<106x64xbf16>, vector<143x64xbf16>, vector<163x64xbf16>, vector<204x64xbf16>, vector<1432x64xbf16> -> vector<2048x64xbf16>
    %slice3A_282 = vector.extract_strided_slice %concatenate3A_269 {offsets = [0, 0], sizes = [256, 64], strides = [1, 1]} : vector<2048x64xbf16> to vector<256x64xbf16>
    %dot_general3A_283 = arith.constant dense<0.000000e+00> : vector<256x2048xf32>
    %dot_general3A_284 = tpu.matmul %slice3A_282, %concatenate3A_275, %dot_general3A_283 {dimension_numbers = #tpu.dot_dimension_numbers<[1], [1], [0], [0], [0, 0, 1, 0], [], []>, transpose_lhs_hint = false} : vector<256x64xbf16>, vector<2048x64xbf16>, vector<256x2048xf32> -> vector<256x2048xf32>
    %mul3A_285 = arith.constant 1.250000e-01 : f32
    %mul3A_286 = vector.broadcast %mul3A_285 : f32 to vector<256x2048xf32>
    %mul3A_287 = arith.mulf %dot_general3A_284, %mul3A_286 : vector<256x2048xf32>
    %reduce_max3A = arith.constant dense<0xFF800000> : vector<256xf32>
    %reduce_max3A_288 = vector.multi_reduction <maximumf>, %mul3A_287, %reduce_max3A [1] : vector<256x2048xf32> to vector<256xf32>
    %broadcast_in_dim3A_289 = vector.shape_cast %reduce_max3A_288 : vector<256xf32> to vector<256x1xf32>
    %sub3A_290 = vector.broadcast %broadcast_in_dim3A_289 : vector<256x1xf32> to vector<256x2048xf32>
    %sub3A_291 = arith.subf %mul3A_287, %sub3A_290 : vector<256x2048xf32>
    %exp3A = math.exp %sub3A_291 : vector<256x2048xf32>
    %reduce_sum3A_292 = arith.constant dense<0.000000e+00> : vector<256xf32>
    %reduce_sum3A_293 = vector.multi_reduction <add>, %exp3A, %reduce_sum3A_292 [1] : vector<256x2048xf32> to vector<256xf32>
    %broadcast_in_dim3A_294 = vector.shape_cast %reduce_sum3A_293 : vector<256xf32> to vector<256x1xf32>
    %div3A_295 = vector.broadcast %broadcast_in_dim3A_294 : vector<256x1xf32> to vector<256x2048xf32>
    %div3A_296 = arith.divf %exp3A, %div3A_295 : vector<256x2048xf32>
    %convert_element_type3A_297 = arith.truncf %div3A_296 : vector<256x2048xf32> to vector<256x2048xbf16>
    %dot_general3A_298 = arith.constant dense<0.000000e+00> : vector<256x64xf32>
    %dot_general3A_299 = tpu.matmul %convert_element_type3A_297, %concatenate3A_281, %dot_general3A_298 {dimension_numbers = #tpu.dot_dimension_numbers<[1], [0], [0], [1], [0, 0, 1, 1], [], []>, transpose_lhs_hint = false} : vector<256x2048xbf16>, vector<2048x64xbf16>, vector<256x64xf32> -> vector<256x64xf32>
    %convert_element_type3A_300 = arith.truncf %dot_general3A_299 : vector<256x64xf32> to vector<256x64xbf16>
    %slice3A_301 = vector.extract_strided_slice %concatenate3A_269 {offsets = [256, 0], sizes = [256, 64], strides = [1, 1]} : vector<2048x64xbf16> to vector<256x64xbf16>
    %dot_general3A_302 = arith.constant dense<0.000000e+00> : vector<256x2048xf32>
    %dot_general3A_303 = tpu.matmul %slice3A_301, %concatenate3A_275, %dot_general3A_302 {dimension_numbers = #tpu.dot_dimension_numbers<[1], [1], [0], [0], [0, 0, 1, 0], [], []>, transpose_lhs_hint = false} : vector<256x64xbf16>, vector<2048x64xbf16>, vector<256x2048xf32> -> vector<256x2048xf32>
    %mul3A_304 = arith.constant 1.250000e-01 : f32
    %mul3A_305 = vector.broadcast %mul3A_304 : f32 to vector<256x2048xf32>
    %mul3A_306 = arith.mulf %dot_general3A_303, %mul3A_305 : vector<256x2048xf32>
    %reduce_max3A_307 = arith.constant dense<0xFF800000> : vector<256xf32>
    %reduce_max3A_308 = vector.multi_reduction <maximumf>, %mul3A_306, %reduce_max3A_307 [1] : vector<256x2048xf32> to vector<256xf32>
    %broadcast_in_dim3A_309 = vector.shape_cast %reduce_max3A_308 : vector<256xf32> to vector<256x1xf32>
    %sub3A_310 = vector.broadcast %broadcast_in_dim3A_309 : vector<256x1xf32> to vector<256x2048xf32>
    %sub3A_311 = arith.subf %mul3A_306, %sub3A_310 : vector<256x2048xf32>
    %exp3A_312 = math.exp %sub3A_311 : vector<256x2048xf32>
    %reduce_sum3A_313 = arith.constant dense<0.000000e+00> : vector<256xf32>
    %reduce_sum3A_314 = vector.multi_reduction <add>, %exp3A_312, %reduce_sum3A_313 [1] : vector<256x2048xf32> to vector<256xf32>
    %broadcast_in_dim3A_315 = vector.shape_cast %reduce_sum3A_314 : vector<256xf32> to vector<256x1xf32>
    %div3A_316 = vector.broadcast %broadcast_in_dim3A_315 : vector<256x1xf32> to vector<256x2048xf32>
    %div3A_317 = arith.divf %exp3A_312, %div3A_316 : vector<256x2048xf32>
    %convert_element_type3A_318 = arith.truncf %div3A_317 : vector<256x2048xf32> to vector<256x2048xbf16>
    %dot_general3A_319 = arith.constant dense<0.000000e+00> : vector<256x64xf32>
    %dot_general3A_320 = tpu.matmul %convert_element_type3A_318, %concatenate3A_281, %dot_general3A_319 {dimension_numbers = #tpu.dot_dimension_numbers<[1], [0], [0], [1], [0, 0, 1, 1], [], []>, transpose_lhs_hint = false} : vector<256x2048xbf16>, vector<2048x64xbf16>, vector<256x64xf32> -> vector<256x64xf32>
    %convert_element_type3A_321 = arith.truncf %dot_general3A_320 : vector<256x64xf32> to vector<256x64xbf16>
    %slice3A_322 = vector.extract_strided_slice %concatenate3A_269 {offsets = [512, 0], sizes = [256, 64], strides = [1, 1]} : vector<2048x64xbf16> to vector<256x64xbf16>
    %dot_general3A_323 = arith.constant dense<0.000000e+00> : vector<256x2048xf32>
    %dot_general3A_324 = tpu.matmul %slice3A_322, %concatenate3A_275, %dot_general3A_323 {dimension_numbers = #tpu.dot_dimension_numbers<[1], [1], [0], [0], [0, 0, 1, 0], [], []>, transpose_lhs_hint = false} : vector<256x64xbf16>, vector<2048x64xbf16>, vector<256x2048xf32> -> vector<256x2048xf32>
    %mul3A_325 = arith.constant 1.250000e-01 : f32
    %mul3A_326 = vector.broadcast %mul3A_325 : f32 to vector<256x2048xf32>
    %mul3A_327 = arith.mulf %dot_general3A_324, %mul3A_326 : vector<256x2048xf32>
    %reduce_max3A_328 = arith.constant dense<0xFF800000> : vector<256xf32>
    %reduce_max3A_329 = vector.multi_reduction <maximumf>, %mul3A_327, %reduce_max3A_328 [1] : vector<256x2048xf32> to vector<256xf32>
    %broadcast_in_dim3A_330 = vector.shape_cast %reduce_max3A_329 : vector<256xf32> to vector<256x1xf32>
    %sub3A_331 = vector.broadcast %broadcast_in_dim3A_330 : vector<256x1xf32> to vector<256x2048xf32>
    %sub3A_332 = arith.subf %mul3A_327, %sub3A_331 : vector<256x2048xf32>
    %exp3A_333 = math.exp %sub3A_332 : vector<256x2048xf32>
    %reduce_sum3A_334 = arith.constant dense<0.000000e+00> : vector<256xf32>
    %reduce_sum3A_335 = vector.multi_reduction <add>, %exp3A_333, %reduce_sum3A_334 [1] : vector<256x2048xf32> to vector<256xf32>
    %broadcast_in_dim3A_336 = vector.shape_cast %reduce_sum3A_335 : vector<256xf32> to vector<256x1xf32>
    %div3A_337 = vector.broadcast %broadcast_in_dim3A_336 : vector<256x1xf32> to vector<256x2048xf32>
    %div3A_338 = arith.divf %exp3A_333, %div3A_337 : vector<256x2048xf32>
    %convert_element_type3A_339 = arith.truncf %div3A_338 : vector<256x2048xf32> to vector<256x2048xbf16>
    %dot_general3A_340 = arith.constant dense<0.000000e+00> : vector<256x64xf32>
    %dot_general3A_341 = tpu.matmul %convert_element_type3A_339, %concatenate3A_281, %dot_general3A_340 {dimension_numbers = #tpu.dot_dimension_numbers<[1], [0], [0], [1], [0, 0, 1, 1], [], []>, transpose_lhs_hint = false} : vector<256x2048xbf16>, vector<2048x64xbf16>, vector<256x64xf32> -> vector<256x64xf32>
    %convert_element_type3A_342 = arith.truncf %dot_general3A_341 : vector<256x64xf32> to vector<256x64xbf16>
    %slice3A_343 = vector.extract_strided_slice %concatenate3A_269 {offsets = [768, 0], sizes = [256, 64], strides = [1, 1]} : vector<2048x64xbf16> to vector<256x64xbf16>
    %dot_general3A_344 = arith.constant dense<0.000000e+00> : vector<256x2048xf32>
    %dot_general3A_345 = tpu.matmul %slice3A_343, %concatenate3A_275, %dot_general3A_344 {dimension_numbers = #tpu.dot_dimension_numbers<[1], [1], [0], [0], [0, 0, 1, 0], [], []>, transpose_lhs_hint = false} : vector<256x64xbf16>, vector<2048x64xbf16>, vector<256x2048xf32> -> vector<256x2048xf32>
    %mul3A_346 = arith.constant 1.250000e-01 : f32
    %mul3A_347 = vector.broadcast %mul3A_346 : f32 to vector<256x2048xf32>
    %mul3A_348 = arith.mulf %dot_general3A_345, %mul3A_347 : vector<256x2048xf32>
    %reduce_max3A_349 = arith.constant dense<0xFF800000> : vector<256xf32>
    %reduce_max3A_350 = vector.multi_reduction <maximumf>, %mul3A_348, %reduce_max3A_349 [1] : vector<256x2048xf32> to vector<256xf32>
    %broadcast_in_dim3A_351 = vector.shape_cast %reduce_max3A_350 : vector<256xf32> to vector<256x1xf32>
    %sub3A_352 = vector.broadcast %broadcast_in_dim3A_351 : vector<256x1xf32> to vector<256x2048xf32>
    %sub3A_353 = arith.subf %mul3A_348, %sub3A_352 : vector<256x2048xf32>
    %exp3A_354 = math.exp %sub3A_353 : vector<256x2048xf32>
    %reduce_sum3A_355 = arith.constant dense<0.000000e+00> : vector<256xf32>
    %reduce_sum3A_356 = vector.multi_reduction <add>, %exp3A_354, %reduce_sum3A_355 [1] : vector<256x2048xf32> to vector<256xf32>
    %broadcast_in_dim3A_357 = vector.shape_cast %reduce_sum3A_356 : vector<256xf32> to vector<256x1xf32>
    %div3A_358 = vector.broadcast %broadcast_in_dim3A_357 : vector<256x1xf32> to vector<256x2048xf32>
    %div3A_359 = arith.divf %exp3A_354, %div3A_358 : vector<256x2048xf32>
    %convert_element_type3A_360 = arith.truncf %div3A_359 : vector<256x2048xf32> to vector<256x2048xbf16>
    %dot_general3A_361 = arith.constant dense<0.000000e+00> : vector<256x64xf32>
    %dot_general3A_362 = tpu.matmul %convert_element_type3A_360, %concatenate3A_281, %dot_general3A_361 {dimension_numbers = #tpu.dot_dimension_numbers<[1], [0], [0], [1], [0, 0, 1, 1], [], []>, transpose_lhs_hint = false} : vector<256x2048xbf16>, vector<2048x64xbf16>, vector<256x64xf32> -> vector<256x64xf32>
    %convert_element_type3A_363 = arith.truncf %dot_general3A_362 : vector<256x64xf32> to vector<256x64xbf16>
    %slice3A_364 = vector.extract_strided_slice %concatenate3A_269 {offsets = [1024, 0], sizes = [256, 64], strides = [1, 1]} : vector<2048x64xbf16> to vector<256x64xbf16>
    %dot_general3A_365 = arith.constant dense<0.000000e+00> : vector<256x2048xf32>
    %dot_general3A_366 = tpu.matmul %slice3A_364, %concatenate3A_275, %dot_general3A_365 {dimension_numbers = #tpu.dot_dimension_numbers<[1], [1], [0], [0], [0, 0, 1, 0], [], []>, transpose_lhs_hint = false} : vector<256x64xbf16>, vector<2048x64xbf16>, vector<256x2048xf32> -> vector<256x2048xf32>
    %mul3A_367 = arith.constant 1.250000e-01 : f32
    %mul3A_368 = vector.broadcast %mul3A_367 : f32 to vector<256x2048xf32>
    %mul3A_369 = arith.mulf %dot_general3A_366, %mul3A_368 : vector<256x2048xf32>
    %reduce_max3A_370 = arith.constant dense<0xFF800000> : vector<256xf32>
    %reduce_max3A_371 = vector.multi_reduction <maximumf>, %mul3A_369, %reduce_max3A_370 [1] : vector<256x2048xf32> to vector<256xf32>
    %broadcast_in_dim3A_372 = vector.shape_cast %reduce_max3A_371 : vector<256xf32> to vector<256x1xf32>
    %sub3A_373 = vector.broadcast %broadcast_in_dim3A_372 : vector<256x1xf32> to vector<256x2048xf32>
    %sub3A_374 = arith.subf %mul3A_369, %sub3A_373 : vector<256x2048xf32>
    %exp3A_375 = math.exp %sub3A_374 : vector<256x2048xf32>
    %reduce_sum3A_376 = arith.constant dense<0.000000e+00> : vector<256xf32>
    %reduce_sum3A_377 = vector.multi_reduction <add>, %exp3A_375, %reduce_sum3A_376 [1] : vector<256x2048xf32> to vector<256xf32>
    %broadcast_in_dim3A_378 = vector.shape_cast %reduce_sum3A_377 : vector<256xf32> to vector<256x1xf32>
    %div3A_379 = vector.broadcast %broadcast_in_dim3A_378 : vector<256x1xf32> to vector<256x2048xf32>
    %div3A_380 = arith.divf %exp3A_375, %div3A_379 : vector<256x2048xf32>
    %convert_element_type3A_381 = arith.truncf %div3A_380 : vector<256x2048xf32> to vector<256x2048xbf16>
    %dot_general3A_382 = arith.constant dense<0.000000e+00> : vector<256x64xf32>
    %dot_general3A_383 = tpu.matmul %convert_element_type3A_381, %concatenate3A_281, %dot_general3A_382 {dimension_numbers = #tpu.dot_dimension_numbers<[1], [0], [0], [1], [0, 0, 1, 1], [], []>, transpose_lhs_hint = false} : vector<256x2048xbf16>, vector<2048x64xbf16>, vector<256x64xf32> -> vector<256x64xf32>
    %convert_element_type3A_384 = arith.truncf %dot_general3A_383 : vector<256x64xf32> to vector<256x64xbf16>
    %slice3A_385 = vector.extract_strided_slice %concatenate3A_269 {offsets = [1280, 0], sizes = [256, 64], strides = [1, 1]} : vector<2048x64xbf16> to vector<256x64xbf16>
    %dot_general3A_386 = arith.constant dense<0.000000e+00> : vector<256x2048xf32>
    %dot_general3A_387 = tpu.matmul %slice3A_385, %concatenate3A_275, %dot_general3A_386 {dimension_numbers = #tpu.dot_dimension_numbers<[1], [1], [0], [0], [0, 0, 1, 0], [], []>, transpose_lhs_hint = false} : vector<256x64xbf16>, vector<2048x64xbf16>, vector<256x2048xf32> -> vector<256x2048xf32>
    %mul3A_388 = arith.constant 1.250000e-01 : f32
    %mul3A_389 = vector.broadcast %mul3A_388 : f32 to vector<256x2048xf32>
    %mul3A_390 = arith.mulf %dot_general3A_387, %mul3A_389 : vector<256x2048xf32>
    %reduce_max3A_391 = arith.constant dense<0xFF800000> : vector<256xf32>
    %reduce_max3A_392 = vector.multi_reduction <maximumf>, %mul3A_390, %reduce_max3A_391 [1] : vector<256x2048xf32> to vector<256xf32>
    %broadcast_in_dim3A_393 = vector.shape_cast %reduce_max3A_392 : vector<256xf32> to vector<256x1xf32>
    %sub3A_394 = vector.broadcast %broadcast_in_dim3A_393 : vector<256x1xf32> to vector<256x2048xf32>
    %sub3A_395 = arith.subf %mul3A_390, %sub3A_394 : vector<256x2048xf32>
    %exp3A_396 = math.exp %sub3A_395 : vector<256x2048xf32>
    %reduce_sum3A_397 = arith.constant dense<0.000000e+00> : vector<256xf32>
    %reduce_sum3A_398 = vector.multi_reduction <add>, %exp3A_396, %reduce_sum3A_397 [1] : vector<256x2048xf32> to vector<256xf32>
    %broadcast_in_dim3A_399 = vector.shape_cast %reduce_sum3A_398 : vector<256xf32> to vector<256x1xf32>
    %div3A_400 = vector.broadcast %broadcast_in_dim3A_399 : vector<256x1xf32> to vector<256x2048xf32>
    %div3A_401 = arith.divf %exp3A_396, %div3A_400 : vector<256x2048xf32>
    %convert_element_type3A_402 = arith.truncf %div3A_401 : vector<256x2048xf32> to vector<256x2048xbf16>
    %dot_general3A_403 = arith.constant dense<0.000000e+00> : vector<256x64xf32>
    %dot_general3A_404 = tpu.matmul %convert_element_type3A_402, %concatenate3A_281, %dot_general3A_403 {dimension_numbers = #tpu.dot_dimension_numbers<[1], [0], [0], [1], [0, 0, 1, 1], [], []>, transpose_lhs_hint = false} : vector<256x2048xbf16>, vector<2048x64xbf16>, vector<256x64xf32> -> vector<256x64xf32>
    %convert_element_type3A_405 = arith.truncf %dot_general3A_404 : vector<256x64xf32> to vector<256x64xbf16>
    %slice3A_406 = vector.extract_strided_slice %concatenate3A_269 {offsets = [1536, 0], sizes = [256, 64], strides = [1, 1]} : vector<2048x64xbf16> to vector<256x64xbf16>
    %dot_general3A_407 = arith.constant dense<0.000000e+00> : vector<256x2048xf32>
    %dot_general3A_408 = tpu.matmul %slice3A_406, %concatenate3A_275, %dot_general3A_407 {dimension_numbers = #tpu.dot_dimension_numbers<[1], [1], [0], [0], [0, 0, 1, 0], [], []>, transpose_lhs_hint = false} : vector<256x64xbf16>, vector<2048x64xbf16>, vector<256x2048xf32> -> vector<256x2048xf32>
    %mul3A_409 = arith.constant 1.250000e-01 : f32
    %mul3A_410 = vector.broadcast %mul3A_409 : f32 to vector<256x2048xf32>
    %mul3A_411 = arith.mulf %dot_general3A_408, %mul3A_410 : vector<256x2048xf32>
    %reduce_max3A_412 = arith.constant dense<0xFF800000> : vector<256xf32>
    %reduce_max3A_413 = vector.multi_reduction <maximumf>, %mul3A_411, %reduce_max3A_412 [1] : vector<256x2048xf32> to vector<256xf32>
    %broadcast_in_dim3A_414 = vector.shape_cast %reduce_max3A_413 : vector<256xf32> to vector<256x1xf32>
    %sub3A_415 = vector.broadcast %broadcast_in_dim3A_414 : vector<256x1xf32> to vector<256x2048xf32>
    %sub3A_416 = arith.subf %mul3A_411, %sub3A_415 : vector<256x2048xf32>
    %exp3A_417 = math.exp %sub3A_416 : vector<256x2048xf32>
    %reduce_sum3A_418 = arith.constant dense<0.000000e+00> : vector<256xf32>
    %reduce_sum3A_419 = vector.multi_reduction <add>, %exp3A_417, %reduce_sum3A_418 [1] : vector<256x2048xf32> to vector<256xf32>
    %broadcast_in_dim3A_420 = vector.shape_cast %reduce_sum3A_419 : vector<256xf32> to vector<256x1xf32>
    %div3A_421 = vector.broadcast %broadcast_in_dim3A_420 : vector<256x1xf32> to vector<256x2048xf32>
    %div3A_422 = arith.divf %exp3A_417, %div3A_421 : vector<256x2048xf32>
    %convert_element_type3A_423 = arith.truncf %div3A_422 : vector<256x2048xf32> to vector<256x2048xbf16>
    %dot_general3A_424 = arith.constant dense<0.000000e+00> : vector<256x64xf32>
    %dot_general3A_425 = tpu.matmul %convert_element_type3A_423, %concatenate3A_281, %dot_general3A_424 {dimension_numbers = #tpu.dot_dimension_numbers<[1], [0], [0], [1], [0, 0, 1, 1], [], []>, transpose_lhs_hint = false} : vector<256x2048xbf16>, vector<2048x64xbf16>, vector<256x64xf32> -> vector<256x64xf32>
    %convert_element_type3A_426 = arith.truncf %dot_general3A_425 : vector<256x64xf32> to vector<256x64xbf16>
    %slice3A_427 = vector.extract_strided_slice %concatenate3A_269 {offsets = [1792, 0], sizes = [256, 64], strides = [1, 1]} : vector<2048x64xbf16> to vector<256x64xbf16>
    %dot_general3A_428 = arith.constant dense<0.000000e+00> : vector<256x2048xf32>
    %dot_general3A_429 = tpu.matmul %slice3A_427, %concatenate3A_275, %dot_general3A_428 {dimension_numbers = #tpu.dot_dimension_numbers<[1], [1], [0], [0], [0, 0, 1, 0], [], []>, transpose_lhs_hint = false} : vector<256x64xbf16>, vector<2048x64xbf16>, vector<256x2048xf32> -> vector<256x2048xf32>
    %mul3A_430 = arith.constant 1.250000e-01 : f32
    %mul3A_431 = vector.broadcast %mul3A_430 : f32 to vector<256x2048xf32>
    %mul3A_432 = arith.mulf %dot_general3A_429, %mul3A_431 : vector<256x2048xf32>
    %reduce_max3A_433 = arith.constant dense<0xFF800000> : vector<256xf32>
    %reduce_max3A_434 = vector.multi_reduction <maximumf>, %mul3A_432, %reduce_max3A_433 [1] : vector<256x2048xf32> to vector<256xf32>
    %broadcast_in_dim3A_435 = vector.shape_cast %reduce_max3A_434 : vector<256xf32> to vector<256x1xf32>
    %sub3A_436 = vector.broadcast %broadcast_in_dim3A_435 : vector<256x1xf32> to vector<256x2048xf32>
    %sub3A_437 = arith.subf %mul3A_432, %sub3A_436 : vector<256x2048xf32>
    %exp3A_438 = math.exp %sub3A_437 : vector<256x2048xf32>
    %reduce_sum3A_439 = arith.constant dense<0.000000e+00> : vector<256xf32>
    %reduce_sum3A_440 = vector.multi_reduction <add>, %exp3A_438, %reduce_sum3A_439 [1] : vector<256x2048xf32> to vector<256xf32>
    %broadcast_in_dim3A_441 = vector.shape_cast %reduce_sum3A_440 : vector<256xf32> to vector<256x1xf32>
    %div3A_442 = vector.broadcast %broadcast_in_dim3A_441 : vector<256x1xf32> to vector<256x2048xf32>
    %div3A_443 = arith.divf %exp3A_438, %div3A_442 : vector<256x2048xf32>
    %convert_element_type3A_444 = arith.truncf %div3A_443 : vector<256x2048xf32> to vector<256x2048xbf16>
    %dot_general3A_445 = arith.constant dense<0.000000e+00> : vector<256x64xf32>
    %dot_general3A_446 = tpu.matmul %convert_element_type3A_444, %concatenate3A_281, %dot_general3A_445 {dimension_numbers = #tpu.dot_dimension_numbers<[1], [0], [0], [1], [0, 0, 1, 1], [], []>, transpose_lhs_hint = false} : vector<256x2048xbf16>, vector<2048x64xbf16>, vector<256x64xf32> -> vector<256x64xf32>
    %convert_element_type3A_447 = arith.truncf %dot_general3A_446 : vector<256x64xf32> to vector<256x64xbf16>
    %concatenate3A_448 = tpu.concatenate %convert_element_type3A_300, %convert_element_type3A_321, %convert_element_type3A_342, %convert_element_type3A_363, %convert_element_type3A_384, %convert_element_type3A_405, %convert_element_type3A_426, %convert_element_type3A_447 in 0 : vector<256x64xbf16>, vector<256x64xbf16>, vector<256x64xbf16>, vector<256x64xbf16>, vector<256x64xbf16>, vector<256x64xbf16>, vector<256x64xbf16>, vector<256x64xbf16> -> vector<2048x64xbf16>
    %slice3A_449 = vector.extract_strided_slice %convert_element_type3A_37 {offsets = [0, 64], sizes = [106, 64], strides = [1, 1]} : vector<106x3072xbf16> to vector<106x64xbf16>
    %slice3A_450 = vector.extract_strided_slice %convert_element_type3A_81 {offsets = [0, 64], sizes = [143, 64], strides = [1, 1]} : vector<143x1536xbf16> to vector<143x64xbf16>
    %slice3A_451 = vector.extract_strided_slice %convert_element_type3A_126 {offsets = [0, 64], sizes = [163, 64], strides = [1, 1]} : vector<163x768xbf16> to vector<163x64xbf16>
    %slice3A_452 = vector.extract_strided_slice %convert_element_type3A_171 {offsets = [0, 64], sizes = [204, 64], strides = [1, 1]} : vector<204x384xbf16> to vector<204x64xbf16>
    %concatenate3A_453 = tpu.concatenate %slice3A_449, %slice3A_450, %slice3A_451, %slice3A_452 in 0 : vector<106x64xbf16>, vector<143x64xbf16>, vector<163x64xbf16>, vector<204x64xbf16> -> vector<616x64xbf16>
    %slice3A_454 = vector.extract_strided_slice %convert_element_type3A_37 {offsets = [0, 1088], sizes = [106, 64], strides = [1, 1]} : vector<106x3072xbf16> to vector<106x64xbf16>
    %slice3A_455 = vector.extract_strided_slice %convert_element_type3A_81 {offsets = [0, 576], sizes = [143, 64], strides = [1, 1]} : vector<143x1536xbf16> to vector<143x64xbf16>
    %slice3A_456 = vector.extract_strided_slice %convert_element_type3A_126 {offsets = [0, 320], sizes = [163, 64], strides = [1, 1]} : vector<163x768xbf16> to vector<163x64xbf16>
    %slice3A_457 = vector.extract_strided_slice %convert_element_type3A_171 {offsets = [0, 192], sizes = [204, 64], strides = [1, 1]} : vector<204x384xbf16> to vector<204x64xbf16>
    %concatenate3A_458 = tpu.concatenate %slice3A_454, %slice3A_455, %slice3A_456, %slice3A_457 in 0 : vector<106x64xbf16>, vector<143x64xbf16>, vector<163x64xbf16>, vector<204x64xbf16> -> vector<616x64xbf16>
    %slice3A_459 = vector.extract_strided_slice %convert_element_type3A_37 {offsets = [0, 2112], sizes = [106, 64], strides = [1, 1]} : vector<106x3072xbf16> to vector<106x64xbf16>
    %slice3A_460 = vector.extract_strided_slice %convert_element_type3A_81 {offsets = [0, 1088], sizes = [143, 64], strides = [1, 1]} : vector<143x1536xbf16> to vector<143x64xbf16>
    %slice3A_461 = vector.extract_strided_slice %convert_element_type3A_126 {offsets = [0, 576], sizes = [163, 64], strides = [1, 1]} : vector<163x768xbf16> to vector<163x64xbf16>
    %slice3A_462 = vector.extract_strided_slice %convert_element_type3A_171 {offsets = [0, 320], sizes = [204, 64], strides = [1, 1]} : vector<204x384xbf16> to vector<204x64xbf16>
    %concatenate3A_463 = tpu.concatenate %slice3A_459, %slice3A_460, %slice3A_461, %slice3A_462 in 0 : vector<106x64xbf16>, vector<143x64xbf16>, vector<163x64xbf16>, vector<204x64xbf16> -> vector<616x64xbf16>
    %dot_general3A_464 = arith.constant dense<0.000000e+00> : vector<616x616xf32>
    %dot_general3A_465 = tpu.matmul %concatenate3A_453, %concatenate3A_458, %dot_general3A_464 {dimension_numbers = #tpu.dot_dimension_numbers<[1], [1], [0], [0], [0, 0, 1, 0], [], []>, transpose_lhs_hint = false} : vector<616x64xbf16>, vector<616x64xbf16>, vector<616x616xf32> -> vector<616x616xf32>
    %mul3A_466 = arith.constant 1.250000e-01 : f32
    %mul3A_467 = vector.broadcast %mul3A_466 : f32 to vector<616x616xf32>
    %mul3A_468 = arith.mulf %dot_general3A_465, %mul3A_467 : vector<616x616xf32>
    %reduce_max3A_469 = arith.constant dense<0xFF800000> : vector<616xf32>
    %reduce_max3A_470 = vector.multi_reduction <maximumf>, %mul3A_468, %reduce_max3A_469 [1] : vector<616x616xf32> to vector<616xf32>
    %broadcast_in_dim3A_471 = vector.shape_cast %reduce_max3A_470 : vector<616xf32> to vector<616x1xf32>
    %max3A = arith.constant 0.000000e+00 : f32
    %max3A_472 = vector.broadcast %max3A : f32 to vector<616x1xf32>
    %max3A_473 = arith.maximumf %broadcast_in_dim3A_471, %max3A_472 : vector<616x1xf32>
    %sub3A_474 = vector.broadcast %max3A_473 : vector<616x1xf32> to vector<616x616xf32>
    %sub3A_475 = arith.subf %mul3A_468, %sub3A_474 : vector<616x616xf32>
    %exp3A_476 = math.exp %sub3A_475 : vector<616x616xf32>
    %reduce_sum3A_477 = arith.constant dense<0.000000e+00> : vector<616xf32>
    %reduce_sum3A_478 = vector.multi_reduction <add>, %exp3A_476, %reduce_sum3A_477 [1] : vector<616x616xf32> to vector<616xf32>
    %broadcast_in_dim3A_479 = vector.shape_cast %reduce_sum3A_478 : vector<616xf32> to vector<616x1xf32>
    %neg3A = arith.constant 0.000000e+00 : f32
    %neg3A_480 = vector.broadcast %neg3A : f32 to vector<616x1xf32>
    %neg3A_481 = arith.subf %neg3A_480, %max3A_473 : vector<616x1xf32>
    %exp3A_482 = math.exp %neg3A_481 : vector<616x1xf32>
    %mul3A_483 = arith.constant 1.432000e+03 : f32
    %mul3A_484 = vector.broadcast %mul3A_483 : f32 to vector<616x1xf32>
    %mul3A_485 = arith.mulf %mul3A_484, %exp3A_482 : vector<616x1xf32>
    %add3A_486 = arith.addf %broadcast_in_dim3A_479, %mul3A_485 : vector<616x1xf32>
    %div3A_487 = vector.broadcast %add3A_486 : vector<616x1xf32> to vector<616x616xf32>
    %div3A_488 = arith.divf %exp3A_476, %div3A_487 : vector<616x616xf32>
    %convert_element_type3A_489 = arith.truncf %div3A_488 : vector<616x616xf32> to vector<616x616xbf16>
    %dot_general3A_490 = arith.constant dense<0.000000e+00> : vector<616x64xf32>
    %dot_general3A_491 = tpu.matmul %convert_element_type3A_489, %concatenate3A_463, %dot_general3A_490 {dimension_numbers = #tpu.dot_dimension_numbers<[1], [0], [0], [1], [0, 0, 1, 1], [], []>, transpose_lhs_hint = false} : vector<616x616xbf16>, vector<616x64xbf16>, vector<616x64xf32> -> vector<616x64xf32>
    %convert_element_type3A_492 = arith.truncf %dot_general3A_491 : vector<616x64xf32> to vector<616x64xbf16>
    %slice3A_493 = vector.extract_strided_slice %convert_element_type3A_37 {offsets = [0, 128], sizes = [106, 64], strides = [1, 1]} : vector<106x3072xbf16> to vector<106x64xbf16>
    %slice3A_494 = vector.extract_strided_slice %convert_element_type3A_81 {offsets = [0, 128], sizes = [143, 64], strides = [1, 1]} : vector<143x1536xbf16> to vector<143x64xbf16>
    %slice3A_495 = vector.extract_strided_slice %convert_element_type3A_126 {offsets = [0, 128], sizes = [163, 64], strides = [1, 1]} : vector<163x768xbf16> to vector<163x64xbf16>
    %concatenate3A_496 = tpu.concatenate %slice3A_493, %slice3A_494, %slice3A_495 in 0 : vector<106x64xbf16>, vector<143x64xbf16>, vector<163x64xbf16> -> vector<412x64xbf16>
    %slice3A_497 = vector.extract_strided_slice %convert_element_type3A_37 {offsets = [0, 1152], sizes = [106, 64], strides = [1, 1]} : vector<106x3072xbf16> to vector<106x64xbf16>
    %slice3A_498 = vector.extract_strided_slice %convert_element_type3A_81 {offsets = [0, 640], sizes = [143, 64], strides = [1, 1]} : vector<143x1536xbf16> to vector<143x64xbf16>
    %slice3A_499 = vector.extract_strided_slice %convert_element_type3A_126 {offsets = [0, 384], sizes = [163, 64], strides = [1, 1]} : vector<163x768xbf16> to vector<163x64xbf16>
    %concatenate3A_500 = tpu.concatenate %slice3A_497, %slice3A_498, %slice3A_499 in 0 : vector<106x64xbf16>, vector<143x64xbf16>, vector<163x64xbf16> -> vector<412x64xbf16>
    %slice3A_501 = vector.extract_strided_slice %convert_element_type3A_37 {offsets = [0, 2176], sizes = [106, 64], strides = [1, 1]} : vector<106x3072xbf16> to vector<106x64xbf16>
    %slice3A_502 = vector.extract_strided_slice %convert_element_type3A_81 {offsets = [0, 1152], sizes = [143, 64], strides = [1, 1]} : vector<143x1536xbf16> to vector<143x64xbf16>
    %slice3A_503 = vector.extract_strided_slice %convert_element_type3A_126 {offsets = [0, 640], sizes = [163, 64], strides = [1, 1]} : vector<163x768xbf16> to vector<163x64xbf16>
    %concatenate3A_504 = tpu.concatenate %slice3A_501, %slice3A_502, %slice3A_503 in 0 : vector<106x64xbf16>, vector<143x64xbf16>, vector<163x64xbf16> -> vector<412x64xbf16>
    %dot_general3A_505 = arith.constant dense<0.000000e+00> : vector<412x412xf32>
    %dot_general3A_506 = tpu.matmul %concatenate3A_496, %concatenate3A_500, %dot_general3A_505 {dimension_numbers = #tpu.dot_dimension_numbers<[1], [1], [0], [0], [0, 0, 1, 0], [], []>, transpose_lhs_hint = false} : vector<412x64xbf16>, vector<412x64xbf16>, vector<412x412xf32> -> vector<412x412xf32>
    %mul3A_507 = arith.constant 1.250000e-01 : f32
    %mul3A_508 = vector.broadcast %mul3A_507 : f32 to vector<412x412xf32>
    %mul3A_509 = arith.mulf %dot_general3A_506, %mul3A_508 : vector<412x412xf32>
    %reduce_max3A_510 = arith.constant dense<0xFF800000> : vector<412xf32>
    %reduce_max3A_511 = vector.multi_reduction <maximumf>, %mul3A_509, %reduce_max3A_510 [1] : vector<412x412xf32> to vector<412xf32>
    %broadcast_in_dim3A_512 = vector.shape_cast %reduce_max3A_511 : vector<412xf32> to vector<412x1xf32>
    %max3A_513 = arith.constant 0.000000e+00 : f32
    %max3A_514 = vector.broadcast %max3A_513 : f32 to vector<412x1xf32>
    %max3A_515 = arith.maximumf %broadcast_in_dim3A_512, %max3A_514 : vector<412x1xf32>
    %sub3A_516 = vector.broadcast %max3A_515 : vector<412x1xf32> to vector<412x412xf32>
    %sub3A_517 = arith.subf %mul3A_509, %sub3A_516 : vector<412x412xf32>
    %exp3A_518 = math.exp %sub3A_517 : vector<412x412xf32>
    %reduce_sum3A_519 = arith.constant dense<0.000000e+00> : vector<412xf32>
    %reduce_sum3A_520 = vector.multi_reduction <add>, %exp3A_518, %reduce_sum3A_519 [1] : vector<412x412xf32> to vector<412xf32>
    %broadcast_in_dim3A_521 = vector.shape_cast %reduce_sum3A_520 : vector<412xf32> to vector<412x1xf32>
    %neg3A_522 = arith.constant 0.000000e+00 : f32
    %neg3A_523 = vector.broadcast %neg3A_522 : f32 to vector<412x1xf32>
    %neg3A_524 = arith.subf %neg3A_523, %max3A_515 : vector<412x1xf32>
    %exp3A_525 = math.exp %neg3A_524 : vector<412x1xf32>
    %mul3A_526 = arith.constant 1.636000e+03 : f32
    %mul3A_527 = vector.broadcast %mul3A_526 : f32 to vector<412x1xf32>
    %mul3A_528 = arith.mulf %mul3A_527, %exp3A_525 : vector<412x1xf32>
    %add3A_529 = arith.addf %broadcast_in_dim3A_521, %mul3A_528 : vector<412x1xf32>
    %div3A_530 = vector.broadcast %add3A_529 : vector<412x1xf32> to vector<412x412xf32>
    %div3A_531 = arith.divf %exp3A_518, %div3A_530 : vector<412x412xf32>
    %convert_element_type3A_532 = arith.truncf %div3A_531 : vector<412x412xf32> to vector<412x412xbf16>
    %dot_general3A_533 = arith.constant dense<0.000000e+00> : vector<412x64xf32>
    %dot_general3A_534 = tpu.matmul %convert_element_type3A_532, %concatenate3A_504, %dot_general3A_533 {dimension_numbers = #tpu.dot_dimension_numbers<[1], [0], [0], [1], [0, 0, 1, 1], [], []>, transpose_lhs_hint = false} : vector<412x412xbf16>, vector<412x64xbf16>, vector<412x64xf32> -> vector<412x64xf32>
    %convert_element_type3A_535 = arith.truncf %dot_general3A_534 : vector<412x64xf32> to vector<412x64xbf16>
    %slice3A_536 = vector.extract_strided_slice %convert_element_type3A_37 {offsets = [0, 192], sizes = [106, 64], strides = [1, 1]} : vector<106x3072xbf16> to vector<106x64xbf16>
    %slice3A_537 = vector.extract_strided_slice %convert_element_type3A_81 {offsets = [0, 192], sizes = [143, 64], strides = [1, 1]} : vector<143x1536xbf16> to vector<143x64xbf16>
    %slice3A_538 = vector.extract_strided_slice %convert_element_type3A_126 {offsets = [0, 192], sizes = [163, 64], strides = [1, 1]} : vector<163x768xbf16> to vector<163x64xbf16>
    %concatenate3A_539 = tpu.concatenate %slice3A_536, %slice3A_537, %slice3A_538 in 0 : vector<106x64xbf16>, vector<143x64xbf16>, vector<163x64xbf16> -> vector<412x64xbf16>
    %slice3A_540 = vector.extract_strided_slice %convert_element_type3A_37 {offsets = [0, 1216], sizes = [106, 64], strides = [1, 1]} : vector<106x3072xbf16> to vector<106x64xbf16>
    %slice3A_541 = vector.extract_strided_slice %convert_element_type3A_81 {offsets = [0, 704], sizes = [143, 64], strides = [1, 1]} : vector<143x1536xbf16> to vector<143x64xbf16>
    %slice3A_542 = vector.extract_strided_slice %convert_element_type3A_126 {offsets = [0, 448], sizes = [163, 64], strides = [1, 1]} : vector<163x768xbf16> to vector<163x64xbf16>
    %concatenate3A_543 = tpu.concatenate %slice3A_540, %slice3A_541, %slice3A_542 in 0 : vector<106x64xbf16>, vector<143x64xbf16>, vector<163x64xbf16> -> vector<412x64xbf16>
    %slice3A_544 = vector.extract_strided_slice %convert_element_type3A_37 {offsets = [0, 2240], sizes = [106, 64], strides = [1, 1]} : vector<106x3072xbf16> to vector<106x64xbf16>
    %slice3A_545 = vector.extract_strided_slice %convert_element_type3A_81 {offsets = [0, 1216], sizes = [143, 64], strides = [1, 1]} : vector<143x1536xbf16> to vector<143x64xbf16>
    %slice3A_546 = vector.extract_strided_slice %convert_element_type3A_126 {offsets = [0, 704], sizes = [163, 64], strides = [1, 1]} : vector<163x768xbf16> to vector<163x64xbf16>
    %concatenate3A_547 = tpu.concatenate %slice3A_544, %slice3A_545, %slice3A_546 in 0 : vector<106x64xbf16>, vector<143x64xbf16>, vector<163x64xbf16> -> vector<412x64xbf16>
    %dot_general3A_548 = arith.constant dense<0.000000e+00> : vector<412x412xf32>
    %dot_general3A_549 = tpu.matmul %concatenate3A_539, %concatenate3A_543, %dot_general3A_548 {dimension_numbers = #tpu.dot_dimension_numbers<[1], [1], [0], [0], [0, 0, 1, 0], [], []>, transpose_lhs_hint = false} : vector<412x64xbf16>, vector<412x64xbf16>, vector<412x412xf32> -> vector<412x412xf32>
    %mul3A_550 = arith.constant 1.250000e-01 : f32
    %mul3A_551 = vector.broadcast %mul3A_550 : f32 to vector<412x412xf32>
    %mul3A_552 = arith.mulf %dot_general3A_549, %mul3A_551 : vector<412x412xf32>
    %reduce_max3A_553 = arith.constant dense<0xFF800000> : vector<412xf32>
    %reduce_max3A_554 = vector.multi_reduction <maximumf>, %mul3A_552, %reduce_max3A_553 [1] : vector<412x412xf32> to vector<412xf32>
    %broadcast_in_dim3A_555 = vector.shape_cast %reduce_max3A_554 : vector<412xf32> to vector<412x1xf32>
    %max3A_556 = arith.constant 0.000000e+00 : f32
    %max3A_557 = vector.broadcast %max3A_556 : f32 to vector<412x1xf32>
    %max3A_558 = arith.maximumf %broadcast_in_dim3A_555, %max3A_557 : vector<412x1xf32>
    %sub3A_559 = vector.broadcast %max3A_558 : vector<412x1xf32> to vector<412x412xf32>
    %sub3A_560 = arith.subf %mul3A_552, %sub3A_559 : vector<412x412xf32>
    %exp3A_561 = math.exp %sub3A_560 : vector<412x412xf32>
    %reduce_sum3A_562 = arith.constant dense<0.000000e+00> : vector<412xf32>
    %reduce_sum3A_563 = vector.multi_reduction <add>, %exp3A_561, %reduce_sum3A_562 [1] : vector<412x412xf32> to vector<412xf32>
    %broadcast_in_dim3A_564 = vector.shape_cast %reduce_sum3A_563 : vector<412xf32> to vector<412x1xf32>
    %neg3A_565 = arith.constant 0.000000e+00 : f32
    %neg3A_566 = vector.broadcast %neg3A_565 : f32 to vector<412x1xf32>
    %neg3A_567 = arith.subf %neg3A_566, %max3A_558 : vector<412x1xf32>
    %exp3A_568 = math.exp %neg3A_567 : vector<412x1xf32>
    %mul3A_569 = arith.constant 1.636000e+03 : f32
    %mul3A_570 = vector.broadcast %mul3A_569 : f32 to vector<412x1xf32>
    %mul3A_571 = arith.mulf %mul3A_570, %exp3A_568 : vector<412x1xf32>
    %add3A_572 = arith.addf %broadcast_in_dim3A_564, %mul3A_571 : vector<412x1xf32>
    %div3A_573 = vector.broadcast %add3A_572 : vector<412x1xf32> to vector<412x412xf32>
    %div3A_574 = arith.divf %exp3A_561, %div3A_573 : vector<412x412xf32>
    %convert_element_type3A_575 = arith.truncf %div3A_574 : vector<412x412xf32> to vector<412x412xbf16>
    %dot_general3A_576 = arith.constant dense<0.000000e+00> : vector<412x64xf32>
    %dot_general3A_577 = tpu.matmul %convert_element_type3A_575, %concatenate3A_547, %dot_general3A_576 {dimension_numbers = #tpu.dot_dimension_numbers<[1], [0], [0], [1], [0, 0, 1, 1], [], []>, transpose_lhs_hint = false} : vector<412x412xbf16>, vector<412x64xbf16>, vector<412x64xf32> -> vector<412x64xf32>
    %convert_element_type3A_578 = arith.truncf %dot_general3A_577 : vector<412x64xf32> to vector<412x64xbf16>
    %slice3A_579 = vector.extract_strided_slice %convert_element_type3A_37 {offsets = [0, 256], sizes = [106, 64], strides = [1, 1]} : vector<106x3072xbf16> to vector<106x64xbf16>
    %slice3A_580 = vector.extract_strided_slice %convert_element_type3A_81 {offsets = [0, 256], sizes = [143, 64], strides = [1, 1]} : vector<143x1536xbf16> to vector<143x64xbf16>
    %concatenate3A_581 = tpu.concatenate %slice3A_579, %slice3A_580 in 0 : vector<106x64xbf16>, vector<143x64xbf16> -> vector<249x64xbf16>
    %slice3A_582 = vector.extract_strided_slice %convert_element_type3A_37 {offsets = [0, 1280], sizes = [106, 64], strides = [1, 1]} : vector<106x3072xbf16> to vector<106x64xbf16>
    %slice3A_583 = vector.extract_strided_slice %convert_element_type3A_81 {offsets = [0, 768], sizes = [143, 64], strides = [1, 1]} : vector<143x1536xbf16> to vector<143x64xbf16>
    %concatenate3A_584 = tpu.concatenate %slice3A_582, %slice3A_583 in 0 : vector<106x64xbf16>, vector<143x64xbf16> -> vector<249x64xbf16>
    %slice3A_585 = vector.extract_strided_slice %convert_element_type3A_37 {offsets = [0, 2304], sizes = [106, 64], strides = [1, 1]} : vector<106x3072xbf16> to vector<106x64xbf16>
    %slice3A_586 = vector.extract_strided_slice %convert_element_type3A_81 {offsets = [0, 1280], sizes = [143, 64], strides = [1, 1]} : vector<143x1536xbf16> to vector<143x64xbf16>
    %concatenate3A_587 = tpu.concatenate %slice3A_585, %slice3A_586 in 0 : vector<106x64xbf16>, vector<143x64xbf16> -> vector<249x64xbf16>
    %dot_general3A_588 = arith.constant dense<0.000000e+00> : vector<249x249xf32>
    %dot_general3A_589 = tpu.matmul %concatenate3A_581, %concatenate3A_584, %dot_general3A_588 {dimension_numbers = #tpu.dot_dimension_numbers<[1], [1], [0], [0], [0, 0, 1, 0], [], []>, transpose_lhs_hint = false} : vector<249x64xbf16>, vector<249x64xbf16>, vector<249x249xf32> -> vector<249x249xf32>
    %mul3A_590 = arith.constant 1.250000e-01 : f32
    %mul3A_591 = vector.broadcast %mul3A_590 : f32 to vector<249x249xf32>
    %mul3A_592 = arith.mulf %dot_general3A_589, %mul3A_591 : vector<249x249xf32>
    %reduce_max3A_593 = arith.constant dense<0xFF800000> : vector<249xf32>
    %reduce_max3A_594 = vector.multi_reduction <maximumf>, %mul3A_592, %reduce_max3A_593 [1] : vector<249x249xf32> to vector<249xf32>
    %broadcast_in_dim3A_595 = vector.shape_cast %reduce_max3A_594 : vector<249xf32> to vector<249x1xf32>
    %max3A_596 = arith.constant 0.000000e+00 : f32
    %max3A_597 = vector.broadcast %max3A_596 : f32 to vector<249x1xf32>
    %max3A_598 = arith.maximumf %broadcast_in_dim3A_595, %max3A_597 : vector<249x1xf32>
    %sub3A_599 = vector.broadcast %max3A_598 : vector<249x1xf32> to vector<249x249xf32>
    %sub3A_600 = arith.subf %mul3A_592, %sub3A_599 : vector<249x249xf32>
    %exp3A_601 = math.exp %sub3A_600 : vector<249x249xf32>
    %reduce_sum3A_602 = arith.constant dense<0.000000e+00> : vector<249xf32>
    %reduce_sum3A_603 = vector.multi_reduction <add>, %exp3A_601, %reduce_sum3A_602 [1] : vector<249x249xf32> to vector<249xf32>
    %broadcast_in_dim3A_604 = vector.shape_cast %reduce_sum3A_603 : vector<249xf32> to vector<249x1xf32>
    %neg3A_605 = arith.constant 0.000000e+00 : f32
    %neg3A_606 = vector.broadcast %neg3A_605 : f32 to vector<249x1xf32>
    %neg3A_607 = arith.subf %neg3A_606, %max3A_598 : vector<249x1xf32>
    %exp3A_608 = math.exp %neg3A_607 : vector<249x1xf32>
    %mul3A_609 = arith.constant 1.799000e+03 : f32
    %mul3A_610 = vector.broadcast %mul3A_609 : f32 to vector<249x1xf32>
    %mul3A_611 = arith.mulf %mul3A_610, %exp3A_608 : vector<249x1xf32>
    %add3A_612 = arith.addf %broadcast_in_dim3A_604, %mul3A_611 : vector<249x1xf32>
    %div3A_613 = vector.broadcast %add3A_612 : vector<249x1xf32> to vector<249x249xf32>
    %div3A_614 = arith.divf %exp3A_601, %div3A_613 : vector<249x249xf32>
    %convert_element_type3A_615 = arith.truncf %div3A_614 : vector<249x249xf32> to vector<249x249xbf16>
    %dot_general3A_616 = arith.constant dense<0.000000e+00> : vector<249x64xf32>
    %dot_general3A_617 = tpu.matmul %convert_element_type3A_615, %concatenate3A_587, %dot_general3A_616 {dimension_numbers = #tpu.dot_dimension_numbers<[1], [0], [0], [1], [0, 0, 1, 1], [], []>, transpose_lhs_hint = false} : vector<249x249xbf16>, vector<249x64xbf16>, vector<249x64xf32> -> vector<249x64xf32>
    %convert_element_type3A_618 = arith.truncf %dot_general3A_617 : vector<249x64xf32> to vector<249x64xbf16>
    %slice3A_619 = vector.extract_strided_slice %convert_element_type3A_37 {offsets = [0, 320], sizes = [106, 64], strides = [1, 1]} : vector<106x3072xbf16> to vector<106x64xbf16>
    %slice3A_620 = vector.extract_strided_slice %convert_element_type3A_81 {offsets = [0, 320], sizes = [143, 64], strides = [1, 1]} : vector<143x1536xbf16> to vector<143x64xbf16>
    %concatenate3A_621 = tpu.concatenate %slice3A_619, %slice3A_620 in 0 : vector<106x64xbf16>, vector<143x64xbf16> -> vector<249x64xbf16>
    %slice3A_622 = vector.extract_strided_slice %convert_element_type3A_37 {offsets = [0, 1344], sizes = [106, 64], strides = [1, 1]} : vector<106x3072xbf16> to vector<106x64xbf16>
    %slice3A_623 = vector.extract_strided_slice %convert_element_type3A_81 {offsets = [0, 832], sizes = [143, 64], strides = [1, 1]} : vector<143x1536xbf16> to vector<143x64xbf16>
    %concatenate3A_624 = tpu.concatenate %slice3A_622, %slice3A_623 in 0 : vector<106x64xbf16>, vector<143x64xbf16> -> vector<249x64xbf16>
    %slice3A_625 = vector.extract_strided_slice %convert_element_type3A_37 {offsets = [0, 2368], sizes = [106, 64], strides = [1, 1]} : vector<106x3072xbf16> to vector<106x64xbf16>
    %slice3A_626 = vector.extract_strided_slice %convert_element_type3A_81 {offsets = [0, 1344], sizes = [143, 64], strides = [1, 1]} : vector<143x1536xbf16> to vector<143x64xbf16>
    %concatenate3A_627 = tpu.concatenate %slice3A_625, %slice3A_626 in 0 : vector<106x64xbf16>, vector<143x64xbf16> -> vector<249x64xbf16>
    %dot_general3A_628 = arith.constant dense<0.000000e+00> : vector<249x249xf32>
    %dot_general3A_629 = tpu.matmul %concatenate3A_621, %concatenate3A_624, %dot_general3A_628 {dimension_numbers = #tpu.dot_dimension_numbers<[1], [1], [0], [0], [0, 0, 1, 0], [], []>, transpose_lhs_hint = false} : vector<249x64xbf16>, vector<249x64xbf16>, vector<249x249xf32> -> vector<249x249xf32>
    %mul3A_630 = arith.constant 1.250000e-01 : f32
    %mul3A_631 = vector.broadcast %mul3A_630 : f32 to vector<249x249xf32>
    %mul3A_632 = arith.mulf %dot_general3A_629, %mul3A_631 : vector<249x249xf32>
    %reduce_max3A_633 = arith.constant dense<0xFF800000> : vector<249xf32>
    %reduce_max3A_634 = vector.multi_reduction <maximumf>, %mul3A_632, %reduce_max3A_633 [1] : vector<249x249xf32> to vector<249xf32>
    %broadcast_in_dim3A_635 = vector.shape_cast %reduce_max3A_634 : vector<249xf32> to vector<249x1xf32>
    %max3A_636 = arith.constant 0.000000e+00 : f32
    %max3A_637 = vector.broadcast %max3A_636 : f32 to vector<249x1xf32>
    %max3A_638 = arith.maximumf %broadcast_in_dim3A_635, %max3A_637 : vector<249x1xf32>
    %sub3A_639 = vector.broadcast %max3A_638 : vector<249x1xf32> to vector<249x249xf32>
    %sub3A_640 = arith.subf %mul3A_632, %sub3A_639 : vector<249x249xf32>
    %exp3A_641 = math.exp %sub3A_640 : vector<249x249xf32>
    %reduce_sum3A_642 = arith.constant dense<0.000000e+00> : vector<249xf32>
    %reduce_sum3A_643 = vector.multi_reduction <add>, %exp3A_641, %reduce_sum3A_642 [1] : vector<249x249xf32> to vector<249xf32>
    %broadcast_in_dim3A_644 = vector.shape_cast %reduce_sum3A_643 : vector<249xf32> to vector<249x1xf32>
    %neg3A_645 = arith.constant 0.000000e+00 : f32
    %neg3A_646 = vector.broadcast %neg3A_645 : f32 to vector<249x1xf32>
    %neg3A_647 = arith.subf %neg3A_646, %max3A_638 : vector<249x1xf32>
    %exp3A_648 = math.exp %neg3A_647 : vector<249x1xf32>
    %mul3A_649 = arith.constant 1.799000e+03 : f32
    %mul3A_650 = vector.broadcast %mul3A_649 : f32 to vector<249x1xf32>
    %mul3A_651 = arith.mulf %mul3A_650, %exp3A_648 : vector<249x1xf32>
    %add3A_652 = arith.addf %broadcast_in_dim3A_644, %mul3A_651 : vector<249x1xf32>
    %div3A_653 = vector.broadcast %add3A_652 : vector<249x1xf32> to vector<249x249xf32>
    %div3A_654 = arith.divf %exp3A_641, %div3A_653 : vector<249x249xf32>
    %convert_element_type3A_655 = arith.truncf %div3A_654 : vector<249x249xf32> to vector<249x249xbf16>
    %dot_general3A_656 = arith.constant dense<0.000000e+00> : vector<249x64xf32>
    %dot_general3A_657 = tpu.matmul %convert_element_type3A_655, %concatenate3A_627, %dot_general3A_656 {dimension_numbers = #tpu.dot_dimension_numbers<[1], [0], [0], [1], [0, 0, 1, 1], [], []>, transpose_lhs_hint = false} : vector<249x249xbf16>, vector<249x64xbf16>, vector<249x64xf32> -> vector<249x64xf32>
    %convert_element_type3A_658 = arith.truncf %dot_general3A_657 : vector<249x64xf32> to vector<249x64xbf16>
    %slice3A_659 = vector.extract_strided_slice %convert_element_type3A_37 {offsets = [0, 384], sizes = [106, 64], strides = [1, 1]} : vector<106x3072xbf16> to vector<106x64xbf16>
    %slice3A_660 = vector.extract_strided_slice %convert_element_type3A_81 {offsets = [0, 384], sizes = [143, 64], strides = [1, 1]} : vector<143x1536xbf16> to vector<143x64xbf16>
    %concatenate3A_661 = tpu.concatenate %slice3A_659, %slice3A_660 in 0 : vector<106x64xbf16>, vector<143x64xbf16> -> vector<249x64xbf16>
    %slice3A_662 = vector.extract_strided_slice %convert_element_type3A_37 {offsets = [0, 1408], sizes = [106, 64], strides = [1, 1]} : vector<106x3072xbf16> to vector<106x64xbf16>
    %slice3A_663 = vector.extract_strided_slice %convert_element_type3A_81 {offsets = [0, 896], sizes = [143, 64], strides = [1, 1]} : vector<143x1536xbf16> to vector<143x64xbf16>
    %concatenate3A_664 = tpu.concatenate %slice3A_662, %slice3A_663 in 0 : vector<106x64xbf16>, vector<143x64xbf16> -> vector<249x64xbf16>
    %slice3A_665 = vector.extract_strided_slice %convert_element_type3A_37 {offsets = [0, 2432], sizes = [106, 64], strides = [1, 1]} : vector<106x3072xbf16> to vector<106x64xbf16>
    %slice3A_666 = vector.extract_strided_slice %convert_element_type3A_81 {offsets = [0, 1408], sizes = [143, 64], strides = [1, 1]} : vector<143x1536xbf16> to vector<143x64xbf16>
    %concatenate3A_667 = tpu.concatenate %slice3A_665, %slice3A_666 in 0 : vector<106x64xbf16>, vector<143x64xbf16> -> vector<249x64xbf16>
    %dot_general3A_668 = arith.constant dense<0.000000e+00> : vector<249x249xf32>
    %dot_general3A_669 = tpu.matmul %concatenate3A_661, %concatenate3A_664, %dot_general3A_668 {dimension_numbers = #tpu.dot_dimension_numbers<[1], [1], [0], [0], [0, 0, 1, 0], [], []>, transpose_lhs_hint = false} : vector<249x64xbf16>, vector<249x64xbf16>, vector<249x249xf32> -> vector<249x249xf32>
    %mul3A_670 = arith.constant 1.250000e-01 : f32
    %mul3A_671 = vector.broadcast %mul3A_670 : f32 to vector<249x249xf32>
    %mul3A_672 = arith.mulf %dot_general3A_669, %mul3A_671 : vector<249x249xf32>
    %reduce_max3A_673 = arith.constant dense<0xFF800000> : vector<249xf32>
    %reduce_max3A_674 = vector.multi_reduction <maximumf>, %mul3A_672, %reduce_max3A_673 [1] : vector<249x249xf32> to vector<249xf32>
    %broadcast_in_dim3A_675 = vector.shape_cast %reduce_max3A_674 : vector<249xf32> to vector<249x1xf32>
    %max3A_676 = arith.constant 0.000000e+00 : f32
    %max3A_677 = vector.broadcast %max3A_676 : f32 to vector<249x1xf32>
    %max3A_678 = arith.maximumf %broadcast_in_dim3A_675, %max3A_677 : vector<249x1xf32>
    %sub3A_679 = vector.broadcast %max3A_678 : vector<249x1xf32> to vector<249x249xf32>
    %sub3A_680 = arith.subf %mul3A_672, %sub3A_679 : vector<249x249xf32>
    %exp3A_681 = math.exp %sub3A_680 : vector<249x249xf32>
    %reduce_sum3A_682 = arith.constant dense<0.000000e+00> : vector<249xf32>
    %reduce_sum3A_683 = vector.multi_reduction <add>, %exp3A_681, %reduce_sum3A_682 [1] : vector<249x249xf32> to vector<249xf32>
    %broadcast_in_dim3A_684 = vector.shape_cast %reduce_sum3A_683 : vector<249xf32> to vector<249x1xf32>
    %neg3A_685 = arith.constant 0.000000e+00 : f32
    %neg3A_686 = vector.broadcast %neg3A_685 : f32 to vector<249x1xf32>
    %neg3A_687 = arith.subf %neg3A_686, %max3A_678 : vector<249x1xf32>
    %exp3A_688 = math.exp %neg3A_687 : vector<249x1xf32>
    %mul3A_689 = arith.constant 1.799000e+03 : f32
    %mul3A_690 = vector.broadcast %mul3A_689 : f32 to vector<249x1xf32>
    %mul3A_691 = arith.mulf %mul3A_690, %exp3A_688 : vector<249x1xf32>
    %add3A_692 = arith.addf %broadcast_in_dim3A_684, %mul3A_691 : vector<249x1xf32>
    %div3A_693 = vector.broadcast %add3A_692 : vector<249x1xf32> to vector<249x249xf32>
    %div3A_694 = arith.divf %exp3A_681, %div3A_693 : vector<249x249xf32>
    %convert_element_type3A_695 = arith.truncf %div3A_694 : vector<249x249xf32> to vector<249x249xbf16>
    %dot_general3A_696 = arith.constant dense<0.000000e+00> : vector<249x64xf32>
    %dot_general3A_697 = tpu.matmul %convert_element_type3A_695, %concatenate3A_667, %dot_general3A_696 {dimension_numbers = #tpu.dot_dimension_numbers<[1], [0], [0], [1], [0, 0, 1, 1], [], []>, transpose_lhs_hint = false} : vector<249x249xbf16>, vector<249x64xbf16>, vector<249x64xf32> -> vector<249x64xf32>
    %convert_element_type3A_698 = arith.truncf %dot_general3A_697 : vector<249x64xf32> to vector<249x64xbf16>
    %slice3A_699 = vector.extract_strided_slice %convert_element_type3A_37 {offsets = [0, 448], sizes = [106, 64], strides = [1, 1]} : vector<106x3072xbf16> to vector<106x64xbf16>
    %slice3A_700 = vector.extract_strided_slice %convert_element_type3A_81 {offsets = [0, 448], sizes = [143, 64], strides = [1, 1]} : vector<143x1536xbf16> to vector<143x64xbf16>
    %concatenate3A_701 = tpu.concatenate %slice3A_699, %slice3A_700 in 0 : vector<106x64xbf16>, vector<143x64xbf16> -> vector<249x64xbf16>
    %slice3A_702 = vector.extract_strided_slice %convert_element_type3A_37 {offsets = [0, 1472], sizes = [106, 64], strides = [1, 1]} : vector<106x3072xbf16> to vector<106x64xbf16>
    %slice3A_703 = vector.extract_strided_slice %convert_element_type3A_81 {offsets = [0, 960], sizes = [143, 64], strides = [1, 1]} : vector<143x1536xbf16> to vector<143x64xbf16>
    %concatenate3A_704 = tpu.concatenate %slice3A_702, %slice3A_703 in 0 : vector<106x64xbf16>, vector<143x64xbf16> -> vector<249x64xbf16>
    %slice3A_705 = vector.extract_strided_slice %convert_element_type3A_37 {offsets = [0, 2496], sizes = [106, 64], strides = [1, 1]} : vector<106x3072xbf16> to vector<106x64xbf16>
    %slice3A_706 = vector.extract_strided_slice %convert_element_type3A_81 {offsets = [0, 1472], sizes = [143, 64], strides = [1, 1]} : vector<143x1536xbf16> to vector<143x64xbf16>
    %concatenate3A_707 = tpu.concatenate %slice3A_705, %slice3A_706 in 0 : vector<106x64xbf16>, vector<143x64xbf16> -> vector<249x64xbf16>
    %dot_general3A_708 = arith.constant dense<0.000000e+00> : vector<249x249xf32>
    %dot_general3A_709 = tpu.matmul %concatenate3A_701, %concatenate3A_704, %dot_general3A_708 {dimension_numbers = #tpu.dot_dimension_numbers<[1], [1], [0], [0], [0, 0, 1, 0], [], []>, transpose_lhs_hint = false} : vector<249x64xbf16>, vector<249x64xbf16>, vector<249x249xf32> -> vector<249x249xf32>
    %mul3A_710 = arith.constant 1.250000e-01 : f32
    %mul3A_711 = vector.broadcast %mul3A_710 : f32 to vector<249x249xf32>
    %mul3A_712 = arith.mulf %dot_general3A_709, %mul3A_711 : vector<249x249xf32>
    %reduce_max3A_713 = arith.constant dense<0xFF800000> : vector<249xf32>
    %reduce_max3A_714 = vector.multi_reduction <maximumf>, %mul3A_712, %reduce_max3A_713 [1] : vector<249x249xf32> to vector<249xf32>
    %broadcast_in_dim3A_715 = vector.shape_cast %reduce_max3A_714 : vector<249xf32> to vector<249x1xf32>
    %max3A_716 = arith.constant 0.000000e+00 : f32
    %max3A_717 = vector.broadcast %max3A_716 : f32 to vector<249x1xf32>
    %max3A_718 = arith.maximumf %broadcast_in_dim3A_715, %max3A_717 : vector<249x1xf32>
    %sub3A_719 = vector.broadcast %max3A_718 : vector<249x1xf32> to vector<249x249xf32>
    %sub3A_720 = arith.subf %mul3A_712, %sub3A_719 : vector<249x249xf32>
    %exp3A_721 = math.exp %sub3A_720 : vector<249x249xf32>
    %reduce_sum3A_722 = arith.constant dense<0.000000e+00> : vector<249xf32>
    %reduce_sum3A_723 = vector.multi_reduction <add>, %exp3A_721, %reduce_sum3A_722 [1] : vector<249x249xf32> to vector<249xf32>
    %broadcast_in_dim3A_724 = vector.shape_cast %reduce_sum3A_723 : vector<249xf32> to vector<249x1xf32>
    %neg3A_725 = arith.constant 0.000000e+00 : f32
    %neg3A_726 = vector.broadcast %neg3A_725 : f32 to vector<249x1xf32>
    %neg3A_727 = arith.subf %neg3A_726, %max3A_718 : vector<249x1xf32>
    %exp3A_728 = math.exp %neg3A_727 : vector<249x1xf32>
    %mul3A_729 = arith.constant 1.799000e+03 : f32
    %mul3A_730 = vector.broadcast %mul3A_729 : f32 to vector<249x1xf32>
    %mul3A_731 = arith.mulf %mul3A_730, %exp3A_728 : vector<249x1xf32>
    %add3A_732 = arith.addf %broadcast_in_dim3A_724, %mul3A_731 : vector<249x1xf32>
    %div3A_733 = vector.broadcast %add3A_732 : vector<249x1xf32> to vector<249x249xf32>
    %div3A_734 = arith.divf %exp3A_721, %div3A_733 : vector<249x249xf32>
    %convert_element_type3A_735 = arith.truncf %div3A_734 : vector<249x249xf32> to vector<249x249xbf16>
    %dot_general3A_736 = arith.constant dense<0.000000e+00> : vector<249x64xf32>
    %dot_general3A_737 = tpu.matmul %convert_element_type3A_735, %concatenate3A_707, %dot_general3A_736 {dimension_numbers = #tpu.dot_dimension_numbers<[1], [0], [0], [1], [0, 0, 1, 1], [], []>, transpose_lhs_hint = false} : vector<249x249xbf16>, vector<249x64xbf16>, vector<249x64xf32> -> vector<249x64xf32>
    %convert_element_type3A_738 = arith.truncf %dot_general3A_737 : vector<249x64xf32> to vector<249x64xbf16>
    %slice3A_739 = vector.extract_strided_slice %convert_element_type3A_37 {offsets = [0, 512], sizes = [106, 64], strides = [1, 1]} : vector<106x3072xbf16> to vector<106x64xbf16>
    %slice3A_740 = vector.extract_strided_slice %convert_element_type3A_37 {offsets = [0, 1536], sizes = [106, 64], strides = [1, 1]} : vector<106x3072xbf16> to vector<106x64xbf16>
    %slice3A_741 = vector.extract_strided_slice %convert_element_type3A_37 {offsets = [0, 2560], sizes = [106, 64], strides = [1, 1]} : vector<106x3072xbf16> to vector<106x64xbf16>
    %dot_general3A_742 = arith.constant dense<0.000000e+00> : vector<106x106xf32>
    %dot_general3A_743 = tpu.matmul %slice3A_739, %slice3A_740, %dot_general3A_742 {dimension_numbers = #tpu.dot_dimension_numbers<[1], [1], [0], [0], [0, 0, 1, 0], [], []>, transpose_lhs_hint = false} : vector<106x64xbf16>, vector<106x64xbf16>, vector<106x106xf32> -> vector<106x106xf32>
    %mul3A_744 = arith.constant 1.250000e-01 : f32
    %mul3A_745 = vector.broadcast %mul3A_744 : f32 to vector<106x106xf32>
    %mul3A_746 = arith.mulf %dot_general3A_743, %mul3A_745 : vector<106x106xf32>
    %reduce_max3A_747 = arith.constant dense<0xFF800000> : vector<106xf32>
    %reduce_max3A_748 = vector.multi_reduction <maximumf>, %mul3A_746, %reduce_max3A_747 [1] : vector<106x106xf32> to vector<106xf32>
    %broadcast_in_dim3A_749 = vector.shape_cast %reduce_max3A_748 : vector<106xf32> to vector<106x1xf32>
    %max3A_750 = arith.constant 0.000000e+00 : f32
    %max3A_751 = vector.broadcast %max3A_750 : f32 to vector<106x1xf32>
    %max3A_752 = arith.maximumf %broadcast_in_dim3A_749, %max3A_751 : vector<106x1xf32>
    %sub3A_753 = vector.broadcast %max3A_752 : vector<106x1xf32> to vector<106x106xf32>
    %sub3A_754 = arith.subf %mul3A_746, %sub3A_753 : vector<106x106xf32>
    %exp3A_755 = math.exp %sub3A_754 : vector<106x106xf32>
    %reduce_sum3A_756 = arith.constant dense<0.000000e+00> : vector<106xf32>
    %reduce_sum3A_757 = vector.multi_reduction <add>, %exp3A_755, %reduce_sum3A_756 [1] : vector<106x106xf32> to vector<106xf32>
    %broadcast_in_dim3A_758 = vector.shape_cast %reduce_sum3A_757 : vector<106xf32> to vector<106x1xf32>
    %neg3A_759 = arith.constant 0.000000e+00 : f32
    %neg3A_760 = vector.broadcast %neg3A_759 : f32 to vector<106x1xf32>
    %neg3A_761 = arith.subf %neg3A_760, %max3A_752 : vector<106x1xf32>
    %exp3A_762 = math.exp %neg3A_761 : vector<106x1xf32>
    %mul3A_763 = arith.constant 1.942000e+03 : f32
    %mul3A_764 = vector.broadcast %mul3A_763 : f32 to vector<106x1xf32>
    %mul3A_765 = arith.mulf %mul3A_764, %exp3A_762 : vector<106x1xf32>
    %add3A_766 = arith.addf %broadcast_in_dim3A_758, %mul3A_765 : vector<106x1xf32>
    %div3A_767 = vector.broadcast %add3A_766 : vector<106x1xf32> to vector<106x106xf32>
    %div3A_768 = arith.divf %exp3A_755, %div3A_767 : vector<106x106xf32>
    %convert_element_type3A_769 = arith.truncf %div3A_768 : vector<106x106xf32> to vector<106x106xbf16>
    %dot_general3A_770 = arith.constant dense<0.000000e+00> : vector<106x64xf32>
    %dot_general3A_771 = tpu.matmul %convert_element_type3A_769, %slice3A_741, %dot_general3A_770 {dimension_numbers = #tpu.dot_dimension_numbers<[1], [0], [0], [1], [0, 0, 1, 1], [], []>, transpose_lhs_hint = false} : vector<106x106xbf16>, vector<106x64xbf16>, vector<106x64xf32> -> vector<106x64xf32>
    %convert_element_type3A_772 = arith.truncf %dot_general3A_771 : vector<106x64xf32> to vector<106x64xbf16>
    %slice3A_773 = vector.extract_strided_slice %convert_element_type3A_37 {offsets = [0, 576], sizes = [106, 64], strides = [1, 1]} : vector<106x3072xbf16> to vector<106x64xbf16>
    %slice3A_774 = vector.extract_strided_slice %convert_element_type3A_37 {offsets = [0, 1600], sizes = [106, 64], strides = [1, 1]} : vector<106x3072xbf16> to vector<106x64xbf16>
    %slice3A_775 = vector.extract_strided_slice %convert_element_type3A_37 {offsets = [0, 2624], sizes = [106, 64], strides = [1, 1]} : vector<106x3072xbf16> to vector<106x64xbf16>
    %dot_general3A_776 = arith.constant dense<0.000000e+00> : vector<106x106xf32>
    %dot_general3A_777 = tpu.matmul %slice3A_773, %slice3A_774, %dot_general3A_776 {dimension_numbers = #tpu.dot_dimension_numbers<[1], [1], [0], [0], [0, 0, 1, 0], [], []>, transpose_lhs_hint = false} : vector<106x64xbf16>, vector<106x64xbf16>, vector<106x106xf32> -> vector<106x106xf32>
    %mul3A_778 = arith.constant 1.250000e-01 : f32
    %mul3A_779 = vector.broadcast %mul3A_778 : f32 to vector<106x106xf32>
    %mul3A_780 = arith.mulf %dot_general3A_777, %mul3A_779 : vector<106x106xf32>
    %reduce_max3A_781 = arith.constant dense<0xFF800000> : vector<106xf32>
    %reduce_max3A_782 = vector.multi_reduction <maximumf>, %mul3A_780, %reduce_max3A_781 [1] : vector<106x106xf32> to vector<106xf32>
    %broadcast_in_dim3A_783 = vector.shape_cast %reduce_max3A_782 : vector<106xf32> to vector<106x1xf32>
    %max3A_784 = arith.constant 0.000000e+00 : f32
    %max3A_785 = vector.broadcast %max3A_784 : f32 to vector<106x1xf32>
    %max3A_786 = arith.maximumf %broadcast_in_dim3A_783, %max3A_785 : vector<106x1xf32>
    %sub3A_787 = vector.broadcast %max3A_786 : vector<106x1xf32> to vector<106x106xf32>
    %sub3A_788 = arith.subf %mul3A_780, %sub3A_787 : vector<106x106xf32>
    %exp3A_789 = math.exp %sub3A_788 : vector<106x106xf32>
    %reduce_sum3A_790 = arith.constant dense<0.000000e+00> : vector<106xf32>
    %reduce_sum3A_791 = vector.multi_reduction <add>, %exp3A_789, %reduce_sum3A_790 [1] : vector<106x106xf32> to vector<106xf32>
    %broadcast_in_dim3A_792 = vector.shape_cast %reduce_sum3A_791 : vector<106xf32> to vector<106x1xf32>
    %neg3A_793 = arith.constant 0.000000e+00 : f32
    %neg3A_794 = vector.broadcast %neg3A_793 : f32 to vector<106x1xf32>
    %neg3A_795 = arith.subf %neg3A_794, %max3A_786 : vector<106x1xf32>
    %exp3A_796 = math.exp %neg3A_795 : vector<106x1xf32>
    %mul3A_797 = arith.constant 1.942000e+03 : f32
    %mul3A_798 = vector.broadcast %mul3A_797 : f32 to vector<106x1xf32>
    %mul3A_799 = arith.mulf %mul3A_798, %exp3A_796 : vector<106x1xf32>
    %add3A_800 = arith.addf %broadcast_in_dim3A_792, %mul3A_799 : vector<106x1xf32>
    %div3A_801 = vector.broadcast %add3A_800 : vector<106x1xf32> to vector<106x106xf32>
    %div3A_802 = arith.divf %exp3A_789, %div3A_801 : vector<106x106xf32>
    %convert_element_type3A_803 = arith.truncf %div3A_802 : vector<106x106xf32> to vector<106x106xbf16>
    %dot_general3A_804 = arith.constant dense<0.000000e+00> : vector<106x64xf32>
    %dot_general3A_805 = tpu.matmul %convert_element_type3A_803, %slice3A_775, %dot_general3A_804 {dimension_numbers = #tpu.dot_dimension_numbers<[1], [0], [0], [1], [0, 0, 1, 1], [], []>, transpose_lhs_hint = false} : vector<106x106xbf16>, vector<106x64xbf16>, vector<106x64xf32> -> vector<106x64xf32>
    %convert_element_type3A_806 = arith.truncf %dot_general3A_805 : vector<106x64xf32> to vector<106x64xbf16>
    %slice3A_807 = vector.extract_strided_slice %convert_element_type3A_37 {offsets = [0, 640], sizes = [106, 64], strides = [1, 1]} : vector<106x3072xbf16> to vector<106x64xbf16>
    %slice3A_808 = vector.extract_strided_slice %convert_element_type3A_37 {offsets = [0, 1664], sizes = [106, 64], strides = [1, 1]} : vector<106x3072xbf16> to vector<106x64xbf16>
    %slice3A_809 = vector.extract_strided_slice %convert_element_type3A_37 {offsets = [0, 2688], sizes = [106, 64], strides = [1, 1]} : vector<106x3072xbf16> to vector<106x64xbf16>
    %dot_general3A_810 = arith.constant dense<0.000000e+00> : vector<106x106xf32>
    %dot_general3A_811 = tpu.matmul %slice3A_807, %slice3A_808, %dot_general3A_810 {dimension_numbers = #tpu.dot_dimension_numbers<[1], [1], [0], [0], [0, 0, 1, 0], [], []>, transpose_lhs_hint = false} : vector<106x64xbf16>, vector<106x64xbf16>, vector<106x106xf32> -> vector<106x106xf32>
    %mul3A_812 = arith.constant 1.250000e-01 : f32
    %mul3A_813 = vector.broadcast %mul3A_812 : f32 to vector<106x106xf32>
    %mul3A_814 = arith.mulf %dot_general3A_811, %mul3A_813 : vector<106x106xf32>
    %reduce_max3A_815 = arith.constant dense<0xFF800000> : vector<106xf32>
    %reduce_max3A_816 = vector.multi_reduction <maximumf>, %mul3A_814, %reduce_max3A_815 [1] : vector<106x106xf32> to vector<106xf32>
    %broadcast_in_dim3A_817 = vector.shape_cast %reduce_max3A_816 : vector<106xf32> to vector<106x1xf32>
    %max3A_818 = arith.constant 0.000000e+00 : f32
    %max3A_819 = vector.broadcast %max3A_818 : f32 to vector<106x1xf32>
    %max3A_820 = arith.maximumf %broadcast_in_dim3A_817, %max3A_819 : vector<106x1xf32>
    %sub3A_821 = vector.broadcast %max3A_820 : vector<106x1xf32> to vector<106x106xf32>
    %sub3A_822 = arith.subf %mul3A_814, %sub3A_821 : vector<106x106xf32>
    %exp3A_823 = math.exp %sub3A_822 : vector<106x106xf32>
    %reduce_sum3A_824 = arith.constant dense<0.000000e+00> : vector<106xf32>
    %reduce_sum3A_825 = vector.multi_reduction <add>, %exp3A_823, %reduce_sum3A_824 [1] : vector<106x106xf32> to vector<106xf32>
    %broadcast_in_dim3A_826 = vector.shape_cast %reduce_sum3A_825 : vector<106xf32> to vector<106x1xf32>
    %neg3A_827 = arith.constant 0.000000e+00 : f32
    %neg3A_828 = vector.broadcast %neg3A_827 : f32 to vector<106x1xf32>
    %neg3A_829 = arith.subf %neg3A_828, %max3A_820 : vector<106x1xf32>
    %exp3A_830 = math.exp %neg3A_829 : vector<106x1xf32>
    %mul3A_831 = arith.constant 1.942000e+03 : f32
    %mul3A_832 = vector.broadcast %mul3A_831 : f32 to vector<106x1xf32>
    %mul3A_833 = arith.mulf %mul3A_832, %exp3A_830 : vector<106x1xf32>
    %add3A_834 = arith.addf %broadcast_in_dim3A_826, %mul3A_833 : vector<106x1xf32>
    %div3A_835 = vector.broadcast %add3A_834 : vector<106x1xf32> to vector<106x106xf32>
    %div3A_836 = arith.divf %exp3A_823, %div3A_835 : vector<106x106xf32>
    %convert_element_type3A_837 = arith.truncf %div3A_836 : vector<106x106xf32> to vector<106x106xbf16>
    %dot_general3A_838 = arith.constant dense<0.000000e+00> : vector<106x64xf32>
    %dot_general3A_839 = tpu.matmul %convert_element_type3A_837, %slice3A_809, %dot_general3A_838 {dimension_numbers = #tpu.dot_dimension_numbers<[1], [0], [0], [1], [0, 0, 1, 1], [], []>, transpose_lhs_hint = false} : vector<106x106xbf16>, vector<106x64xbf16>, vector<106x64xf32> -> vector<106x64xf32>
    %convert_element_type3A_840 = arith.truncf %dot_general3A_839 : vector<106x64xf32> to vector<106x64xbf16>
    %slice3A_841 = vector.extract_strided_slice %convert_element_type3A_37 {offsets = [0, 704], sizes = [106, 64], strides = [1, 1]} : vector<106x3072xbf16> to vector<106x64xbf16>
    %slice3A_842 = vector.extract_strided_slice %convert_element_type3A_37 {offsets = [0, 1728], sizes = [106, 64], strides = [1, 1]} : vector<106x3072xbf16> to vector<106x64xbf16>
    %slice3A_843 = vector.extract_strided_slice %convert_element_type3A_37 {offsets = [0, 2752], sizes = [106, 64], strides = [1, 1]} : vector<106x3072xbf16> to vector<106x64xbf16>
    %dot_general3A_844 = arith.constant dense<0.000000e+00> : vector<106x106xf32>
    %dot_general3A_845 = tpu.matmul %slice3A_841, %slice3A_842, %dot_general3A_844 {dimension_numbers = #tpu.dot_dimension_numbers<[1], [1], [0], [0], [0, 0, 1, 0], [], []>, transpose_lhs_hint = false} : vector<106x64xbf16>, vector<106x64xbf16>, vector<106x106xf32> -> vector<106x106xf32>
    %mul3A_846 = arith.constant 1.250000e-01 : f32
    %mul3A_847 = vector.broadcast %mul3A_846 : f32 to vector<106x106xf32>
    %mul3A_848 = arith.mulf %dot_general3A_845, %mul3A_847 : vector<106x106xf32>
    %reduce_max3A_849 = arith.constant dense<0xFF800000> : vector<106xf32>
    %reduce_max3A_850 = vector.multi_reduction <maximumf>, %mul3A_848, %reduce_max3A_849 [1] : vector<106x106xf32> to vector<106xf32>
    %broadcast_in_dim3A_851 = vector.shape_cast %reduce_max3A_850 : vector<106xf32> to vector<106x1xf32>
    %max3A_852 = arith.constant 0.000000e+00 : f32
    %max3A_853 = vector.broadcast %max3A_852 : f32 to vector<106x1xf32>
    %max3A_854 = arith.maximumf %broadcast_in_dim3A_851, %max3A_853 : vector<106x1xf32>
    %sub3A_855 = vector.broadcast %max3A_854 : vector<106x1xf32> to vector<106x106xf32>
    %sub3A_856 = arith.subf %mul3A_848, %sub3A_855 : vector<106x106xf32>
    %exp3A_857 = math.exp %sub3A_856 : vector<106x106xf32>
    %reduce_sum3A_858 = arith.constant dense<0.000000e+00> : vector<106xf32>
    %reduce_sum3A_859 = vector.multi_reduction <add>, %exp3A_857, %reduce_sum3A_858 [1] : vector<106x106xf32> to vector<106xf32>
    %broadcast_in_dim3A_860 = vector.shape_cast %reduce_sum3A_859 : vector<106xf32> to vector<106x1xf32>
    %neg3A_861 = arith.constant 0.000000e+00 : f32
    %neg3A_862 = vector.broadcast %neg3A_861 : f32 to vector<106x1xf32>
    %neg3A_863 = arith.subf %neg3A_862, %max3A_854 : vector<106x1xf32>
    %exp3A_864 = math.exp %neg3A_863 : vector<106x1xf32>
    %mul3A_865 = arith.constant 1.942000e+03 : f32
    %mul3A_866 = vector.broadcast %mul3A_865 : f32 to vector<106x1xf32>
    %mul3A_867 = arith.mulf %mul3A_866, %exp3A_864 : vector<106x1xf32>
    %add3A_868 = arith.addf %broadcast_in_dim3A_860, %mul3A_867 : vector<106x1xf32>
    %div3A_869 = vector.broadcast %add3A_868 : vector<106x1xf32> to vector<106x106xf32>
    %div3A_870 = arith.divf %exp3A_857, %div3A_869 : vector<106x106xf32>
    %convert_element_type3A_871 = arith.truncf %div3A_870 : vector<106x106xf32> to vector<106x106xbf16>
    %dot_general3A_872 = arith.constant dense<0.000000e+00> : vector<106x64xf32>
    %dot_general3A_873 = tpu.matmul %convert_element_type3A_871, %slice3A_843, %dot_general3A_872 {dimension_numbers = #tpu.dot_dimension_numbers<[1], [0], [0], [1], [0, 0, 1, 1], [], []>, transpose_lhs_hint = false} : vector<106x106xbf16>, vector<106x64xbf16>, vector<106x64xf32> -> vector<106x64xf32>
    %convert_element_type3A_874 = arith.truncf %dot_general3A_873 : vector<106x64xf32> to vector<106x64xbf16>
    %slice3A_875 = vector.extract_strided_slice %convert_element_type3A_37 {offsets = [0, 768], sizes = [106, 64], strides = [1, 1]} : vector<106x3072xbf16> to vector<106x64xbf16>
    %slice3A_876 = vector.extract_strided_slice %convert_element_type3A_37 {offsets = [0, 1792], sizes = [106, 64], strides = [1, 1]} : vector<106x3072xbf16> to vector<106x64xbf16>
    %slice3A_877 = vector.extract_strided_slice %convert_element_type3A_37 {offsets = [0, 2816], sizes = [106, 64], strides = [1, 1]} : vector<106x3072xbf16> to vector<106x64xbf16>
    %dot_general3A_878 = arith.constant dense<0.000000e+00> : vector<106x106xf32>
    %dot_general3A_879 = tpu.matmul %slice3A_875, %slice3A_876, %dot_general3A_878 {dimension_numbers = #tpu.dot_dimension_numbers<[1], [1], [0], [0], [0, 0, 1, 0], [], []>, transpose_lhs_hint = false} : vector<106x64xbf16>, vector<106x64xbf16>, vector<106x106xf32> -> vector<106x106xf32>
    %mul3A_880 = arith.constant 1.250000e-01 : f32
    %mul3A_881 = vector.broadcast %mul3A_880 : f32 to vector<106x106xf32>
    %mul3A_882 = arith.mulf %dot_general3A_879, %mul3A_881 : vector<106x106xf32>
    %reduce_max3A_883 = arith.constant dense<0xFF800000> : vector<106xf32>
    %reduce_max3A_884 = vector.multi_reduction <maximumf>, %mul3A_882, %reduce_max3A_883 [1] : vector<106x106xf32> to vector<106xf32>
    %broadcast_in_dim3A_885 = vector.shape_cast %reduce_max3A_884 : vector<106xf32> to vector<106x1xf32>
    %max3A_886 = arith.constant 0.000000e+00 : f32
    %max3A_887 = vector.broadcast %max3A_886 : f32 to vector<106x1xf32>
    %max3A_888 = arith.maximumf %broadcast_in_dim3A_885, %max3A_887 : vector<106x1xf32>
    %sub3A_889 = vector.broadcast %max3A_888 : vector<106x1xf32> to vector<106x106xf32>
    %sub3A_890 = arith.subf %mul3A_882, %sub3A_889 : vector<106x106xf32>
    %exp3A_891 = math.exp %sub3A_890 : vector<106x106xf32>
    %reduce_sum3A_892 = arith.constant dense<0.000000e+00> : vector<106xf32>
    %reduce_sum3A_893 = vector.multi_reduction <add>, %exp3A_891, %reduce_sum3A_892 [1] : vector<106x106xf32> to vector<106xf32>
    %broadcast_in_dim3A_894 = vector.shape_cast %reduce_sum3A_893 : vector<106xf32> to vector<106x1xf32>
    %neg3A_895 = arith.constant 0.000000e+00 : f32
    %neg3A_896 = vector.broadcast %neg3A_895 : f32 to vector<106x1xf32>
    %neg3A_897 = arith.subf %neg3A_896, %max3A_888 : vector<106x1xf32>
    %exp3A_898 = math.exp %neg3A_897 : vector<106x1xf32>
    %mul3A_899 = arith.constant 1.942000e+03 : f32
    %mul3A_900 = vector.broadcast %mul3A_899 : f32 to vector<106x1xf32>
    %mul3A_901 = arith.mulf %mul3A_900, %exp3A_898 : vector<106x1xf32>
    %add3A_902 = arith.addf %broadcast_in_dim3A_894, %mul3A_901 : vector<106x1xf32>
    %div3A_903 = vector.broadcast %add3A_902 : vector<106x1xf32> to vector<106x106xf32>
    %div3A_904 = arith.divf %exp3A_891, %div3A_903 : vector<106x106xf32>
    %convert_element_type3A_905 = arith.truncf %div3A_904 : vector<106x106xf32> to vector<106x106xbf16>
    %dot_general3A_906 = arith.constant dense<0.000000e+00> : vector<106x64xf32>
    %dot_general3A_907 = tpu.matmul %convert_element_type3A_905, %slice3A_877, %dot_general3A_906 {dimension_numbers = #tpu.dot_dimension_numbers<[1], [0], [0], [1], [0, 0, 1, 1], [], []>, transpose_lhs_hint = false} : vector<106x106xbf16>, vector<106x64xbf16>, vector<106x64xf32> -> vector<106x64xf32>
    %convert_element_type3A_908 = arith.truncf %dot_general3A_907 : vector<106x64xf32> to vector<106x64xbf16>
    %slice3A_909 = vector.extract_strided_slice %convert_element_type3A_37 {offsets = [0, 832], sizes = [106, 64], strides = [1, 1]} : vector<106x3072xbf16> to vector<106x64xbf16>
    %slice3A_910 = vector.extract_strided_slice %convert_element_type3A_37 {offsets = [0, 1856], sizes = [106, 64], strides = [1, 1]} : vector<106x3072xbf16> to vector<106x64xbf16>
    %slice3A_911 = vector.extract_strided_slice %convert_element_type3A_37 {offsets = [0, 2880], sizes = [106, 64], strides = [1, 1]} : vector<106x3072xbf16> to vector<106x64xbf16>
    %dot_general3A_912 = arith.constant dense<0.000000e+00> : vector<106x106xf32>
    %dot_general3A_913 = tpu.matmul %slice3A_909, %slice3A_910, %dot_general3A_912 {dimension_numbers = #tpu.dot_dimension_numbers<[1], [1], [0], [0], [0, 0, 1, 0], [], []>, transpose_lhs_hint = false} : vector<106x64xbf16>, vector<106x64xbf16>, vector<106x106xf32> -> vector<106x106xf32>
    %mul3A_914 = arith.constant 1.250000e-01 : f32
    %mul3A_915 = vector.broadcast %mul3A_914 : f32 to vector<106x106xf32>
    %mul3A_916 = arith.mulf %dot_general3A_913, %mul3A_915 : vector<106x106xf32>
    %reduce_max3A_917 = arith.constant dense<0xFF800000> : vector<106xf32>
    %reduce_max3A_918 = vector.multi_reduction <maximumf>, %mul3A_916, %reduce_max3A_917 [1] : vector<106x106xf32> to vector<106xf32>
    %broadcast_in_dim3A_919 = vector.shape_cast %reduce_max3A_918 : vector<106xf32> to vector<106x1xf32>
    %max3A_920 = arith.constant 0.000000e+00 : f32
    %max3A_921 = vector.broadcast %max3A_920 : f32 to vector<106x1xf32>
    %max3A_922 = arith.maximumf %broadcast_in_dim3A_919, %max3A_921 : vector<106x1xf32>
    %sub3A_923 = vector.broadcast %max3A_922 : vector<106x1xf32> to vector<106x106xf32>
    %sub3A_924 = arith.subf %mul3A_916, %sub3A_923 : vector<106x106xf32>
    %exp3A_925 = math.exp %sub3A_924 : vector<106x106xf32>
    %reduce_sum3A_926 = arith.constant dense<0.000000e+00> : vector<106xf32>
    %reduce_sum3A_927 = vector.multi_reduction <add>, %exp3A_925, %reduce_sum3A_926 [1] : vector<106x106xf32> to vector<106xf32>
    %broadcast_in_dim3A_928 = vector.shape_cast %reduce_sum3A_927 : vector<106xf32> to vector<106x1xf32>
    %neg3A_929 = arith.constant 0.000000e+00 : f32
    %neg3A_930 = vector.broadcast %neg3A_929 : f32 to vector<106x1xf32>
    %neg3A_931 = arith.subf %neg3A_930, %max3A_922 : vector<106x1xf32>
    %exp3A_932 = math.exp %neg3A_931 : vector<106x1xf32>
    %mul3A_933 = arith.constant 1.942000e+03 : f32
    %mul3A_934 = vector.broadcast %mul3A_933 : f32 to vector<106x1xf32>
    %mul3A_935 = arith.mulf %mul3A_934, %exp3A_932 : vector<106x1xf32>
    %add3A_936 = arith.addf %broadcast_in_dim3A_928, %mul3A_935 : vector<106x1xf32>
    %div3A_937 = vector.broadcast %add3A_936 : vector<106x1xf32> to vector<106x106xf32>
    %div3A_938 = arith.divf %exp3A_925, %div3A_937 : vector<106x106xf32>
    %convert_element_type3A_939 = arith.truncf %div3A_938 : vector<106x106xf32> to vector<106x106xbf16>
    %dot_general3A_940 = arith.constant dense<0.000000e+00> : vector<106x64xf32>
    %dot_general3A_941 = tpu.matmul %convert_element_type3A_939, %slice3A_911, %dot_general3A_940 {dimension_numbers = #tpu.dot_dimension_numbers<[1], [0], [0], [1], [0, 0, 1, 1], [], []>, transpose_lhs_hint = false} : vector<106x106xbf16>, vector<106x64xbf16>, vector<106x64xf32> -> vector<106x64xf32>
    %convert_element_type3A_942 = arith.truncf %dot_general3A_941 : vector<106x64xf32> to vector<106x64xbf16>
    %slice3A_943 = vector.extract_strided_slice %convert_element_type3A_37 {offsets = [0, 896], sizes = [106, 64], strides = [1, 1]} : vector<106x3072xbf16> to vector<106x64xbf16>
    %slice3A_944 = vector.extract_strided_slice %convert_element_type3A_37 {offsets = [0, 1920], sizes = [106, 64], strides = [1, 1]} : vector<106x3072xbf16> to vector<106x64xbf16>
    %slice3A_945 = vector.extract_strided_slice %convert_element_type3A_37 {offsets = [0, 2944], sizes = [106, 64], strides = [1, 1]} : vector<106x3072xbf16> to vector<106x64xbf16>
    %dot_general3A_946 = arith.constant dense<0.000000e+00> : vector<106x106xf32>
    %dot_general3A_947 = tpu.matmul %slice3A_943, %slice3A_944, %dot_general3A_946 {dimension_numbers = #tpu.dot_dimension_numbers<[1], [1], [0], [0], [0, 0, 1, 0], [], []>, transpose_lhs_hint = false} : vector<106x64xbf16>, vector<106x64xbf16>, vector<106x106xf32> -> vector<106x106xf32>
    %mul3A_948 = arith.constant 1.250000e-01 : f32
    %mul3A_949 = vector.broadcast %mul3A_948 : f32 to vector<106x106xf32>
    %mul3A_950 = arith.mulf %dot_general3A_947, %mul3A_949 : vector<106x106xf32>
    %reduce_max3A_951 = arith.constant dense<0xFF800000> : vector<106xf32>
    %reduce_max3A_952 = vector.multi_reduction <maximumf>, %mul3A_950, %reduce_max3A_951 [1] : vector<106x106xf32> to vector<106xf32>
    %broadcast_in_dim3A_953 = vector.shape_cast %reduce_max3A_952 : vector<106xf32> to vector<106x1xf32>
    %max3A_954 = arith.constant 0.000000e+00 : f32
    %max3A_955 = vector.broadcast %max3A_954 : f32 to vector<106x1xf32>
    %max3A_956 = arith.maximumf %broadcast_in_dim3A_953, %max3A_955 : vector<106x1xf32>
    %sub3A_957 = vector.broadcast %max3A_956 : vector<106x1xf32> to vector<106x106xf32>
    %sub3A_958 = arith.subf %mul3A_950, %sub3A_957 : vector<106x106xf32>
    %exp3A_959 = math.exp %sub3A_958 : vector<106x106xf32>
    %reduce_sum3A_960 = arith.constant dense<0.000000e+00> : vector<106xf32>
    %reduce_sum3A_961 = vector.multi_reduction <add>, %exp3A_959, %reduce_sum3A_960 [1] : vector<106x106xf32> to vector<106xf32>
    %broadcast_in_dim3A_962 = vector.shape_cast %reduce_sum3A_961 : vector<106xf32> to vector<106x1xf32>
    %neg3A_963 = arith.constant 0.000000e+00 : f32
    %neg3A_964 = vector.broadcast %neg3A_963 : f32 to vector<106x1xf32>
    %neg3A_965 = arith.subf %neg3A_964, %max3A_956 : vector<106x1xf32>
    %exp3A_966 = math.exp %neg3A_965 : vector<106x1xf32>
    %mul3A_967 = arith.constant 1.942000e+03 : f32
    %mul3A_968 = vector.broadcast %mul3A_967 : f32 to vector<106x1xf32>
    %mul3A_969 = arith.mulf %mul3A_968, %exp3A_966 : vector<106x1xf32>
    %add3A_970 = arith.addf %broadcast_in_dim3A_962, %mul3A_969 : vector<106x1xf32>
    %div3A_971 = vector.broadcast %add3A_970 : vector<106x1xf32> to vector<106x106xf32>
    %div3A_972 = arith.divf %exp3A_959, %div3A_971 : vector<106x106xf32>
    %convert_element_type3A_973 = arith.truncf %div3A_972 : vector<106x106xf32> to vector<106x106xbf16>
    %dot_general3A_974 = arith.constant dense<0.000000e+00> : vector<106x64xf32>
    %dot_general3A_975 = tpu.matmul %convert_element_type3A_973, %slice3A_945, %dot_general3A_974 {dimension_numbers = #tpu.dot_dimension_numbers<[1], [0], [0], [1], [0, 0, 1, 1], [], []>, transpose_lhs_hint = false} : vector<106x106xbf16>, vector<106x64xbf16>, vector<106x64xf32> -> vector<106x64xf32>
    %convert_element_type3A_976 = arith.truncf %dot_general3A_975 : vector<106x64xf32> to vector<106x64xbf16>
    %slice3A_977 = vector.extract_strided_slice %convert_element_type3A_37 {offsets = [0, 960], sizes = [106, 64], strides = [1, 1]} : vector<106x3072xbf16> to vector<106x64xbf16>
    %slice3A_978 = vector.extract_strided_slice %convert_element_type3A_37 {offsets = [0, 1984], sizes = [106, 64], strides = [1, 1]} : vector<106x3072xbf16> to vector<106x64xbf16>
    %slice3A_979 = vector.extract_strided_slice %convert_element_type3A_37 {offsets = [0, 3008], sizes = [106, 64], strides = [1, 1]} : vector<106x3072xbf16> to vector<106x64xbf16>
    %dot_general3A_980 = arith.constant dense<0.000000e+00> : vector<106x106xf32>
    %dot_general3A_981 = tpu.matmul %slice3A_977, %slice3A_978, %dot_general3A_980 {dimension_numbers = #tpu.dot_dimension_numbers<[1], [1], [0], [0], [0, 0, 1, 0], [], []>, transpose_lhs_hint = false} : vector<106x64xbf16>, vector<106x64xbf16>, vector<106x106xf32> -> vector<106x106xf32>
    %mul3A_982 = arith.constant 1.250000e-01 : f32
    %mul3A_983 = vector.broadcast %mul3A_982 : f32 to vector<106x106xf32>
    %mul3A_984 = arith.mulf %dot_general3A_981, %mul3A_983 : vector<106x106xf32>
    %reduce_max3A_985 = arith.constant dense<0xFF800000> : vector<106xf32>
    %reduce_max3A_986 = vector.multi_reduction <maximumf>, %mul3A_984, %reduce_max3A_985 [1] : vector<106x106xf32> to vector<106xf32>
    %broadcast_in_dim3A_987 = vector.shape_cast %reduce_max3A_986 : vector<106xf32> to vector<106x1xf32>
    %max3A_988 = arith.constant 0.000000e+00 : f32
    %max3A_989 = vector.broadcast %max3A_988 : f32 to vector<106x1xf32>
    %max3A_990 = arith.maximumf %broadcast_in_dim3A_987, %max3A_989 : vector<106x1xf32>
    %sub3A_991 = vector.broadcast %max3A_990 : vector<106x1xf32> to vector<106x106xf32>
    %sub3A_992 = arith.subf %mul3A_984, %sub3A_991 : vector<106x106xf32>
    %exp3A_993 = math.exp %sub3A_992 : vector<106x106xf32>
    %reduce_sum3A_994 = arith.constant dense<0.000000e+00> : vector<106xf32>
    %reduce_sum3A_995 = vector.multi_reduction <add>, %exp3A_993, %reduce_sum3A_994 [1] : vector<106x106xf32> to vector<106xf32>
    %broadcast_in_dim3A_996 = vector.shape_cast %reduce_sum3A_995 : vector<106xf32> to vector<106x1xf32>
    %neg3A_997 = arith.constant 0.000000e+00 : f32
    %neg3A_998 = vector.broadcast %neg3A_997 : f32 to vector<106x1xf32>
    %neg3A_999 = arith.subf %neg3A_998, %max3A_990 : vector<106x1xf32>
    %exp3A_1000 = math.exp %neg3A_999 : vector<106x1xf32>
    %mul3A_1001 = arith.constant 1.942000e+03 : f32
    %mul3A_1002 = vector.broadcast %mul3A_1001 : f32 to vector<106x1xf32>
    %mul3A_1003 = arith.mulf %mul3A_1002, %exp3A_1000 : vector<106x1xf32>
    %add3A_1004 = arith.addf %broadcast_in_dim3A_996, %mul3A_1003 : vector<106x1xf32>
    %div3A_1005 = vector.broadcast %add3A_1004 : vector<106x1xf32> to vector<106x106xf32>
    %div3A_1006 = arith.divf %exp3A_993, %div3A_1005 : vector<106x106xf32>
    %convert_element_type3A_1007 = arith.truncf %div3A_1006 : vector<106x106xf32> to vector<106x106xbf16>
    %dot_general3A_1008 = arith.constant dense<0.000000e+00> : vector<106x64xf32>
    %dot_general3A_1009 = tpu.matmul %convert_element_type3A_1007, %slice3A_979, %dot_general3A_1008 {dimension_numbers = #tpu.dot_dimension_numbers<[1], [0], [0], [1], [0, 0, 1, 1], [], []>, transpose_lhs_hint = false} : vector<106x106xbf16>, vector<106x64xbf16>, vector<106x64xf32> -> vector<106x64xf32>
    %convert_element_type3A_1010 = arith.truncf %dot_general3A_1009 : vector<106x64xf32> to vector<106x64xbf16>
    %slice3A_1011 = vector.extract_strided_slice %concatenate3A_448 {offsets = [0, 0], sizes = [106, 64], strides = [1, 1]} : vector<2048x64xbf16> to vector<106x64xbf16>
    %slice3A_1012 = vector.extract_strided_slice %convert_element_type3A_492 {offsets = [0, 0], sizes = [106, 64], strides = [1, 1]} : vector<616x64xbf16> to vector<106x64xbf16>
    %slice3A_1013 = vector.extract_strided_slice %convert_element_type3A_535 {offsets = [0, 0], sizes = [106, 64], strides = [1, 1]} : vector<412x64xbf16> to vector<106x64xbf16>
    %slice3A_1014 = vector.extract_strided_slice %convert_element_type3A_578 {offsets = [0, 0], sizes = [106, 64], strides = [1, 1]} : vector<412x64xbf16> to vector<106x64xbf16>
    %slice3A_1015 = vector.extract_strided_slice %convert_element_type3A_618 {offsets = [0, 0], sizes = [106, 64], strides = [1, 1]} : vector<249x64xbf16> to vector<106x64xbf16>
    %slice3A_1016 = vector.extract_strided_slice %convert_element_type3A_658 {offsets = [0, 0], sizes = [106, 64], strides = [1, 1]} : vector<249x64xbf16> to vector<106x64xbf16>
    %slice3A_1017 = vector.extract_strided_slice %convert_element_type3A_698 {offsets = [0, 0], sizes = [106, 64], strides = [1, 1]} : vector<249x64xbf16> to vector<106x64xbf16>
    %slice3A_1018 = vector.extract_strided_slice %convert_element_type3A_738 {offsets = [0, 0], sizes = [106, 64], strides = [1, 1]} : vector<249x64xbf16> to vector<106x64xbf16>
    %concatenate3A_1019 = tpu.concatenate %slice3A_1011, %slice3A_1012, %slice3A_1013, %slice3A_1014, %slice3A_1015, %slice3A_1016, %slice3A_1017, %slice3A_1018, %convert_element_type3A_772, %convert_element_type3A_806, %convert_element_type3A_840, %convert_element_type3A_874, %convert_element_type3A_908, %convert_element_type3A_942, %convert_element_type3A_976, %convert_element_type3A_1010 in 1 : vector<106x64xbf16>, vector<106x64xbf16>, vector<106x64xbf16>, vector<106x64xbf16>, vector<106x64xbf16>, vector<106x64xbf16>, vector<106x64xbf16>, vector<106x64xbf16>, vector<106x64xbf16>, vector<106x64xbf16>, vector<106x64xbf16>, vector<106x64xbf16>, vector<106x64xbf16>, vector<106x64xbf16>, vector<106x64xbf16>, vector<106x64xbf16> -> vector<106x1024xbf16>
    %jit3A_1020 = arith.constant 0 : i32
    %convert_element_type3A_1021 = arith.sitofp %jit3A_1020 : i32 to bf16
    %pad3A = vector.broadcast %convert_element_type3A_1021 : bf16 to vector<6x1024xbf16>
    %pad3A_1022 = tpu.concatenate %concatenate3A_1019, %pad3A in 0 : vector<106x1024xbf16>, vector<6x1024xbf16> -> vector<112x1024xbf16>
    %swap3A = arith.constant 0 : index
    %swap3A_1023 = arith.constant 0 : index
    %swap3A_1024 = vector.load %arg4[%swap3A, %swap3A_1023] : memref<112x1024xbf16, #tpu.memory_space<vmem>>, vector<112x1024xbf16>
    tpu.vector_store %arg4[%swap3A, %swap3A_1023], %pad3A_1022 {strides = array<i32>} : memref<112x1024xbf16, #tpu.memory_space<vmem>>, vector<112x1024xbf16>,
    %slice3A_1025 = vector.extract_strided_slice %concatenate3A_448 {offsets = [106, 0], sizes = [143, 64], strides = [1, 1]} : vector<2048x64xbf16> to vector<143x64xbf16>
    %slice3A_1026 = vector.extract_strided_slice %convert_element_type3A_492 {offsets = [106, 0], sizes = [143, 64], strides = [1, 1]} : vector<616x64xbf16> to vector<143x64xbf16>
    %slice3A_1027 = vector.extract_strided_slice %convert_element_type3A_535 {offsets = [106, 0], sizes = [143, 64], strides = [1, 1]} : vector<412x64xbf16> to vector<143x64xbf16>
    %slice3A_1028 = vector.extract_strided_slice %convert_element_type3A_578 {offsets = [106, 0], sizes = [143, 64], strides = [1, 1]} : vector<412x64xbf16> to vector<143x64xbf16>
    %slice3A_1029 = vector.extract_strided_slice %convert_element_type3A_618 {offsets = [106, 0], sizes = [143, 64], strides = [1, 1]} : vector<249x64xbf16> to vector<143x64xbf16>
    %slice3A_1030 = vector.extract_strided_slice %convert_element_type3A_658 {offsets = [106, 0], sizes = [143, 64], strides = [1, 1]} : vector<249x64xbf16> to vector<143x64xbf16>
    %slice3A_1031 = vector.extract_strided_slice %convert_element_type3A_698 {offsets = [106, 0], sizes = [143, 64], strides = [1, 1]} : vector<249x64xbf16> to vector<143x64xbf16>
    %slice3A_1032 = vector.extract_strided_slice %convert_element_type3A_738 {offsets = [106, 0], sizes = [143, 64], strides = [1, 1]} : vector<249x64xbf16> to vector<143x64xbf16>
    %concatenate3A_1033 = tpu.concatenate %slice3A_1025, %slice3A_1026, %slice3A_1027, %slice3A_1028, %slice3A_1029, %slice3A_1030, %slice3A_1031, %slice3A_1032 in 1 : vector<143x64xbf16>, vector<143x64xbf16>, vector<143x64xbf16>, vector<143x64xbf16>, vector<143x64xbf16>, vector<143x64xbf16>, vector<143x64xbf16>, vector<143x64xbf16> -> vector<143x512xbf16>
    %jit3A_1034 = arith.constant 0 : i32
    %convert_element_type3A_1035 = arith.sitofp %jit3A_1034 : i32 to bf16
    %pad3A_1036 = vector.broadcast %convert_element_type3A_1035 : bf16 to vector<1x512xbf16>
    %pad3A_1037 = tpu.concatenate %concatenate3A_1033, %pad3A_1036 in 0 : vector<143x512xbf16>, vector<1x512xbf16> -> vector<144x512xbf16>
    %swap3A_1038 = arith.constant 0 : index
    %swap3A_1039 = arith.constant 0 : index
    %swap3A_1040 = vector.load %arg5[%swap3A_1038, %swap3A_1039] : memref<144x512xbf16, #tpu.memory_space<vmem>>, vector<144x512xbf16>
    tpu.vector_store %arg5[%swap3A_1038, %swap3A_1039], %pad3A_1037 {strides = array<i32>} : memref<144x512xbf16, #tpu.memory_space<vmem>>, vector<144x512xbf16>,
    %slice3A_1041 = vector.extract_strided_slice %concatenate3A_448 {offsets = [249, 0], sizes = [163, 64], strides = [1, 1]} : vector<2048x64xbf16> to vector<163x64xbf16>
    %slice3A_1042 = vector.extract_strided_slice %convert_element_type3A_492 {offsets = [249, 0], sizes = [163, 64], strides = [1, 1]} : vector<616x64xbf16> to vector<163x64xbf16>
    %slice3A_1043 = vector.extract_strided_slice %convert_element_type3A_535 {offsets = [249, 0], sizes = [163, 64], strides = [1, 1]} : vector<412x64xbf16> to vector<163x64xbf16>
    %slice3A_1044 = vector.extract_strided_slice %convert_element_type3A_578 {offsets = [249, 0], sizes = [163, 64], strides = [1, 1]} : vector<412x64xbf16> to vector<163x64xbf16>
    %concatenate3A_1045 = tpu.concatenate %slice3A_1041, %slice3A_1042, %slice3A_1043, %slice3A_1044 in 1 : vector<163x64xbf16>, vector<163x64xbf16>, vector<163x64xbf16>, vector<163x64xbf16> -> vector<163x256xbf16>
    %jit3A_1046 = arith.constant 0 : i32
    %convert_element_type3A_1047 = arith.sitofp %jit3A_1046 : i32 to bf16
    %pad3A_1048 = vector.broadcast %convert_element_type3A_1047 : bf16 to vector<5x256xbf16>
    %pad3A_1049 = tpu.concatenate %concatenate3A_1045, %pad3A_1048 in 0 : vector<163x256xbf16>, vector<5x256xbf16> -> vector<168x256xbf16>
    %swap3A_1050 = arith.constant 0 : index
    %swap3A_1051 = arith.constant 0 : index
    %swap3A_1052 = vector.load %arg6[%swap3A_1050, %swap3A_1051] : memref<168x256xbf16, #tpu.memory_space<vmem>>, vector<168x256xbf16>
    tpu.vector_store %arg6[%swap3A_1050, %swap3A_1051], %pad3A_1049 {strides = array<i32>} : memref<168x256xbf16, #tpu.memory_space<vmem>>, vector<168x256xbf16>,
    %slice3A_1053 = vector.extract_strided_slice %concatenate3A_448 {offsets = [412, 0], sizes = [204, 64], strides = [1, 1]} : vector<2048x64xbf16> to vector<204x64xbf16>
    %slice3A_1054 = vector.extract_strided_slice %convert_element_type3A_492 {offsets = [412, 0], sizes = [204, 64], strides = [1, 1]} : vector<616x64xbf16> to vector<204x64xbf16>
    %concatenate3A_1055 = tpu.concatenate %slice3A_1053, %slice3A_1054 in 1 : vector<204x64xbf16>, vector<204x64xbf16> -> vector<204x128xbf16>
    %jit3A_1056 = arith.constant 0 : i32
    %convert_element_type3A_1057 = arith.sitofp %jit3A_1056 : i32 to bf16
    %pad3A_1058 = vector.broadcast %convert_element_type3A_1057 : bf16 to vector<4x128xbf16>
    %pad3A_1059 = tpu.concatenate %concatenate3A_1055, %pad3A_1058 in 0 : vector<204x128xbf16>, vector<4x128xbf16> -> vector<208x128xbf16>
    %swap3A_1060 = arith.constant 0 : index
    %swap3A_1061 = arith.constant 0 : index
    %swap3A_1062 = vector.load %arg7[%swap3A_1060, %swap3A_1061] : memref<208x128xbf16, #tpu.memory_space<vmem>>, vector<208x128xbf16>
    tpu.vector_store %arg7[%swap3A_1060, %swap3A_1061], %pad3A_1059 {strides = array<i32>} : memref<208x128xbf16, #tpu.memory_space<vmem>>, vector<208x128xbf16>,
    %slice3A_1063 = vector.extract_strided_slice %concatenate3A_448 {offsets = [616, 0], sizes = [1432, 64], strides = [1, 1]} : vector<2048x64xbf16> to vector<1432x64xbf16>
    %jit3A_1064 = arith.constant 0 : i32
    %convert_element_type3A_1065 = arith.sitofp %jit3A_1064 : i32 to bf16
    %swap3A_1066 = arith.constant 0 : index
    %swap3A_1067 = arith.constant 0 : index
    %swap3A_1068 = vector.load %arg8[%swap3A_1066, %swap3A_1067] : memref<1432x64xbf16, #tpu.memory_space<vmem>>, vector<1432x64xbf16>
    tpu.vector_store %arg8[%swap3A_1066, %swap3A_1067], %slice3A_1063 {strides = array<i32>} : memref<1432x64xbf16, #tpu.memory_space<vmem>>, vector<1432x64xbf16>,
    return
  }
}

module attributes {stable_mosaic.version = 14 : i64} {
  func.func @_tail_body(%arg0: memref<2048x1024xf32, #tpu.memory_space<vmem>>, %arg1: memref<2048x1024xf32, #tpu.memory_space<vmem>>, %arg2: memref<2048x1xi32, #tpu.memory_space<vmem>>, %arg3: memref<2048x1xf32, #tpu.memory_space<vmem>>, %arg4: memref<1024x1024xbf16, #tpu.memory_space<vmem>>, %arg5: memref<1x1024xf32, #tpu.memory_space<vmem>>, %arg6: memref<1x1024xf32, #tpu.memory_space<vmem>>, %arg7: memref<1x1024xf32, #tpu.memory_space<vmem>>, %arg8: memref<1024x4096xbf16, #tpu.memory_space<vmem>>, %arg9: memref<1x4096xf32, #tpu.memory_space<vmem>>, %arg10: memref<4096x1024xbf16, #tpu.memory_space<vmem>>, %arg11: memref<1x1024xf32, #tpu.memory_space<vmem>>, %arg12: memref<1x1xf32, #tpu.memory_space<vmem>>, %arg13: memref<112x1024xbf16, #tpu.memory_space<vmem>>, %arg14: memref<144x512xbf16, #tpu.memory_space<vmem>>, %arg15: memref<168x256xbf16, #tpu.memory_space<vmem>>, %arg16: memref<208x128xbf16, #tpu.memory_space<vmem>>, %arg17: memref<1432x64xbf16, #tpu.memory_space<vmem>>, %arg18: memref<2048x1024xf32, #tpu.memory_space<vmem>>) attributes {dimension_semantics = [], scalar_prefetch = 0 : i64, scratch_operands = 0 : i64, tpu.core_type = #tpu.core_type<tc>} {
    %get3A = arith.constant 0 : index
    %get3A_0 = arith.constant 0 : index
    %get3A_1 = vector.load %arg6[%get3A, %get3A_0] : memref<1x1024xf32, #tpu.memory_space<vmem>>, vector<1x1024xf32>
    %get3A_2 = arith.constant 0 : index
    %get3A_3 = arith.constant 0 : index
    %get3A_4 = vector.load %arg7[%get3A_2, %get3A_3] : memref<1x1024xf32, #tpu.memory_space<vmem>>, vector<1x1024xf32>
    %get3A_5 = arith.constant 0 : index
    %get3A_6 = arith.constant 0 : index
    %get3A_7 = vector.load %arg13[%get3A_5, %get3A_6] : memref<112x1024xbf16, #tpu.memory_space<vmem>>, vector<106x1024xbf16>
    %get3A_8 = arith.constant 0 : index
    %get3A_9 = arith.constant 0 : index
    %get3A_10 = vector.load %arg1[%get3A_8, %get3A_9] : memref<2048x1024xf32, #tpu.memory_space<vmem>>, vector<106x1024xf32>
    %get3A_11 = arith.constant 0 : index
    %get3A_12 = arith.constant 0 : index
    %get3A_13 = vector.load %arg4[%get3A_11, %get3A_12] : memref<1024x1024xbf16, #tpu.memory_space<vmem>>, vector<1024x1024xbf16>
    %dot_general3A = arith.constant dense<0.000000e+00> : vector<106x1024xf32>
    %dot_general3A_14 = tpu.matmul %get3A_7, %get3A_13, %dot_general3A {dimension_numbers = #tpu.dot_dimension_numbers<[1], [0], [0], [1], [0, 0, 1, 1], [], []>, transpose_lhs_hint = false} : vector<106x1024xbf16>, vector<1024x1024xbf16>, vector<106x1024xf32> -> vector<106x1024xf32>
    %get3A_15 = arith.constant 0 : index
    %get3A_16 = arith.constant 0 : index
    %get3A_17 = vector.load %arg5[%get3A_15, %get3A_16] : memref<1x1024xf32, #tpu.memory_space<vmem>>, vector<1x1024xf32>
    %add3A = vector.broadcast %get3A_17 : vector<1x1024xf32> to vector<106x1024xf32>
    %add3A_18 = arith.addf %dot_general3A_14, %add3A : vector<106x1024xf32>
    %add3A_19 = arith.addf %get3A_10, %add3A_18 : vector<106x1024xf32>
    %reduce_sum3A = arith.constant dense<0.000000e+00> : vector<106xf32>
    %reduce_sum3A_20 = vector.multi_reduction <add>, %add3A_19, %reduce_sum3A [1] : vector<106x1024xf32> to vector<106xf32>
    %broadcast_in_dim3A = vector.shape_cast %reduce_sum3A_20 : vector<106xf32> to vector<106x1xf32>
    %div3A = arith.constant 1.024000e+03 : f32
    %div3A_21 = vector.broadcast %div3A : f32 to vector<106x1xf32>
    %div3A_22 = arith.divf %broadcast_in_dim3A, %div3A_21 : vector<106x1xf32>
    %sub3A = vector.broadcast %div3A_22 : vector<106x1xf32> to vector<106x1024xf32>
    %sub3A_23 = arith.subf %add3A_19, %sub3A : vector<106x1024xf32>
    %integer_pow3A = arith.mulf %sub3A_23, %sub3A_23 : vector<106x1024xf32>
    %reduce_sum3A_24 = arith.constant dense<0.000000e+00> : vector<106xf32>
    %reduce_sum3A_25 = vector.multi_reduction <add>, %integer_pow3A, %reduce_sum3A_24 [1] : vector<106x1024xf32> to vector<106xf32>
    %broadcast_in_dim3A_26 = vector.shape_cast %reduce_sum3A_25 : vector<106xf32> to vector<106x1xf32>
    %div3A_27 = arith.constant 1.024000e+03 : f32
    %div3A_28 = vector.broadcast %div3A_27 : f32 to vector<106x1xf32>
    %div3A_29 = arith.divf %broadcast_in_dim3A_26, %div3A_28 : vector<106x1xf32>
    %sub3A_30 = vector.broadcast %div3A_22 : vector<106x1xf32> to vector<106x1024xf32>
    %sub3A_31 = arith.subf %add3A_19, %sub3A_30 : vector<106x1024xf32>
    %add3A_32 = arith.constant 9.99999997E-7 : f32
    %add3A_33 = vector.broadcast %add3A_32 : f32 to vector<106x1xf32>
    %add3A_34 = arith.addf %div3A_29, %add3A_33 : vector<106x1xf32>
    %sqrt3A = math.sqrt %add3A_34 : vector<106x1xf32>
    %div3A_35 = vector.broadcast %sqrt3A : vector<106x1xf32> to vector<106x1024xf32>
    %div3A_36 = arith.divf %sub3A_31, %div3A_35 : vector<106x1024xf32>
    %mul3A = vector.broadcast %get3A_1 : vector<1x1024xf32> to vector<106x1024xf32>
    %mul3A_37 = arith.mulf %div3A_36, %mul3A : vector<106x1024xf32>
    %add3A_38 = vector.broadcast %get3A_4 : vector<1x1024xf32> to vector<106x1024xf32>
    %add3A_39 = arith.addf %mul3A_37, %add3A_38 : vector<106x1024xf32>
    %convert_element_type3A = arith.truncf %add3A_39 : vector<106x1024xf32> to vector<106x1024xbf16>
    %get3A_40 = arith.constant 0 : index
    %get3A_41 = arith.constant 0 : index
    %get3A_42 = vector.load %arg8[%get3A_40, %get3A_41] : memref<1024x4096xbf16, #tpu.memory_space<vmem>>, vector<1024x4096xbf16>
    %dot_general3A_43 = arith.constant dense<0.000000e+00> : vector<106x4096xf32>
    %dot_general3A_44 = tpu.matmul %convert_element_type3A, %get3A_42, %dot_general3A_43 {dimension_numbers = #tpu.dot_dimension_numbers<[1], [0], [0], [1], [0, 0, 1, 1], [], []>, transpose_lhs_hint = false} : vector<106x1024xbf16>, vector<1024x4096xbf16>, vector<106x4096xf32> -> vector<106x4096xf32>
    %get3A_45 = arith.constant 0 : index
    %get3A_46 = arith.constant 0 : index
    %get3A_47 = vector.load %arg9[%get3A_45, %get3A_46] : memref<1x4096xf32, #tpu.memory_space<vmem>>, vector<1x4096xf32>
    %add3A_48 = vector.broadcast %get3A_47 : vector<1x4096xf32> to vector<106x4096xf32>
    %add3A_49 = arith.addf %dot_general3A_44, %add3A_48 : vector<106x4096xf32>
    %integer_pow3A_50 = arith.mulf %add3A_49, %add3A_49 : vector<106x4096xf32>
    %integer_pow3A_51 = arith.mulf %add3A_49, %integer_pow3A_50 : vector<106x4096xf32>
    %mul3A_52 = arith.constant 4.471500e-02 : f32
    %mul3A_53 = vector.broadcast %mul3A_52 : f32 to vector<106x4096xf32>
    %mul3A_54 = arith.mulf %mul3A_53, %integer_pow3A_51 : vector<106x4096xf32>
    %add3A_55 = arith.addf %add3A_49, %mul3A_54 : vector<106x4096xf32>
    %mul3A_56 = arith.constant 0.797884583 : f32
    %mul3A_57 = vector.broadcast %mul3A_56 : f32 to vector<106x4096xf32>
    %mul3A_58 = arith.mulf %mul3A_57, %add3A_55 : vector<106x4096xf32>
    %tanh3A = math.tanh %mul3A_58 : vector<106x4096xf32>
    %add3A_59 = arith.constant 1.000000e+00 : f32
    %add3A_60 = vector.broadcast %add3A_59 : f32 to vector<106x4096xf32>
    %add3A_61 = arith.addf %add3A_60, %tanh3A : vector<106x4096xf32>
    %mul3A_62 = arith.constant 5.000000e-01 : f32
    %mul3A_63 = vector.broadcast %mul3A_62 : f32 to vector<106x4096xf32>
    %mul3A_64 = arith.mulf %mul3A_63, %add3A_61 : vector<106x4096xf32>
    %mul3A_65 = arith.mulf %add3A_49, %mul3A_64 : vector<106x4096xf32>
    %convert_element_type3A_66 = arith.truncf %mul3A_65 : vector<106x4096xf32> to vector<106x4096xbf16>
    %get3A_67 = arith.constant 0 : index
    %get3A_68 = arith.constant 0 : index
    %get3A_69 = vector.load %arg10[%get3A_67, %get3A_68] : memref<4096x1024xbf16, #tpu.memory_space<vmem>>, vector<4096x1024xbf16>
    %dot_general3A_70 = arith.constant dense<0.000000e+00> : vector<106x1024xf32>
    %dot_general3A_71 = tpu.matmul %convert_element_type3A_66, %get3A_69, %dot_general3A_70 {dimension_numbers = #tpu.dot_dimension_numbers<[1], [0], [0], [1], [0, 0, 1, 1], [], []>, transpose_lhs_hint = false} : vector<106x4096xbf16>, vector<4096x1024xbf16>, vector<106x1024xf32> -> vector<106x1024xf32>
    %get3A_72 = arith.constant 0 : index
    %get3A_73 = arith.constant 0 : index
    %get3A_74 = vector.load %arg11[%get3A_72, %get3A_73] : memref<1x1024xf32, #tpu.memory_space<vmem>>, vector<1x1024xf32>
    %add3A_75 = vector.broadcast %get3A_74 : vector<1x1024xf32> to vector<106x1024xf32>
    %add3A_76 = arith.addf %dot_general3A_71, %add3A_75 : vector<106x1024xf32>
    %jit3A = arith.constant 0 : i32
    %convert_element_type3A_77 = arith.sitofp %jit3A : i32 to f32
    %convert_element_type3A_78 = arith.truncf %add3A_18 : vector<106x1024xf32> to vector<106x1024xbf16>
    %jit3A_79 = arith.constant 0 : i32
    %convert_element_type3A_80 = arith.sitofp %jit3A_79 : i32 to f32
    %convert_element_type3A_81 = arith.truncf %add3A_76 : vector<106x1024xf32> to vector<106x1024xbf16>
    %get3A_82 = arith.constant 0 : index
    %get3A_83 = arith.constant 0 : index
    %get3A_84 = vector.load %arg14[%get3A_82, %get3A_83] : memref<144x512xbf16, #tpu.memory_space<vmem>>, vector<143x512xbf16>
    %get3A_85 = arith.constant 106 : index
    %get3A_86 = arith.constant 0 : index
    %get3A_87 = vector.load %arg1[%get3A_85, %get3A_86] : memref<2048x1024xf32, #tpu.memory_space<vmem>>, vector<143x1024xf32>
    %get3A_88 = arith.constant 0 : index
    %get3A_89 = arith.constant 0 : index
    %get3A_90 = vector.load %arg4[%get3A_88, %get3A_89] : memref<1024x1024xbf16, #tpu.memory_space<vmem>>, vector<512x512xbf16>
    %dot_general3A_91 = arith.constant dense<0.000000e+00> : vector<143x512xf32>
    %dot_general3A_92 = tpu.matmul %get3A_84, %get3A_90, %dot_general3A_91 {dimension_numbers = #tpu.dot_dimension_numbers<[1], [0], [0], [1], [0, 0, 1, 1], [], []>, transpose_lhs_hint = false} : vector<143x512xbf16>, vector<512x512xbf16>, vector<143x512xf32> -> vector<143x512xf32>
    %get3A_93 = arith.constant 0 : index
    %get3A_94 = arith.constant 0 : index
    %get3A_95 = vector.load %arg5[%get3A_93, %get3A_94] : memref<1x1024xf32, #tpu.memory_space<vmem>>, vector<1x512xf32>
    %add3A_96 = vector.broadcast %get3A_95 : vector<1x512xf32> to vector<143x512xf32>
    %add3A_97 = arith.addf %dot_general3A_92, %add3A_96 : vector<143x512xf32>
    %broadcast_in_dim3A_98 = arith.constant 0.000000e+00 : f32
    %broadcast_in_dim3A_99 = vector.broadcast %broadcast_in_dim3A_98 : f32 to vector<143x512xf32>
    %concatenate3A = tpu.concatenate %add3A_97, %broadcast_in_dim3A_99 in 1 : vector<143x512xf32>, vector<143x512xf32> -> vector<143x1024xf32>
    %add3A_100 = arith.addf %get3A_87, %concatenate3A : vector<143x1024xf32>
    %reduce_sum3A_101 = arith.constant dense<0.000000e+00> : vector<143xf32>
    %reduce_sum3A_102 = vector.multi_reduction <add>, %add3A_100, %reduce_sum3A_101 [1] : vector<143x1024xf32> to vector<143xf32>
    %broadcast_in_dim3A_103 = vector.shape_cast %reduce_sum3A_102 : vector<143xf32> to vector<143x1xf32>
    %div3A_104 = arith.constant 1.024000e+03 : f32
    %div3A_105 = vector.broadcast %div3A_104 : f32 to vector<143x1xf32>
    %div3A_106 = arith.divf %broadcast_in_dim3A_103, %div3A_105 : vector<143x1xf32>
    %sub3A_107 = vector.broadcast %div3A_106 : vector<143x1xf32> to vector<143x1024xf32>
    %sub3A_108 = arith.subf %add3A_100, %sub3A_107 : vector<143x1024xf32>
    %integer_pow3A_109 = arith.mulf %sub3A_108, %sub3A_108 : vector<143x1024xf32>
    %reduce_sum3A_110 = arith.constant dense<0.000000e+00> : vector<143xf32>
    %reduce_sum3A_111 = vector.multi_reduction <add>, %integer_pow3A_109, %reduce_sum3A_110 [1] : vector<143x1024xf32> to vector<143xf32>
    %broadcast_in_dim3A_112 = vector.shape_cast %reduce_sum3A_111 : vector<143xf32> to vector<143x1xf32>
    %div3A_113 = arith.constant 1.024000e+03 : f32
    %div3A_114 = vector.broadcast %div3A_113 : f32 to vector<143x1xf32>
    %div3A_115 = arith.divf %broadcast_in_dim3A_112, %div3A_114 : vector<143x1xf32>
    %sub3A_116 = vector.broadcast %div3A_106 : vector<143x1xf32> to vector<143x1024xf32>
    %sub3A_117 = arith.subf %add3A_100, %sub3A_116 : vector<143x1024xf32>
    %add3A_118 = arith.constant 9.99999997E-7 : f32
    %add3A_119 = vector.broadcast %add3A_118 : f32 to vector<143x1xf32>
    %add3A_120 = arith.addf %div3A_115, %add3A_119 : vector<143x1xf32>
    %sqrt3A_121 = math.sqrt %add3A_120 : vector<143x1xf32>
    %div3A_122 = vector.broadcast %sqrt3A_121 : vector<143x1xf32> to vector<143x1024xf32>
    %div3A_123 = arith.divf %sub3A_117, %div3A_122 : vector<143x1024xf32>
    %mul3A_124 = vector.broadcast %get3A_1 : vector<1x1024xf32> to vector<143x1024xf32>
    %mul3A_125 = arith.mulf %div3A_123, %mul3A_124 : vector<143x1024xf32>
    %add3A_126 = vector.broadcast %get3A_4 : vector<1x1024xf32> to vector<143x1024xf32>
    %add3A_127 = arith.addf %mul3A_125, %add3A_126 : vector<143x1024xf32>
    %slice3A = vector.extract_strided_slice %add3A_127 {offsets = [0, 0], sizes = [143, 512], strides = [1, 1]} : vector<143x1024xf32> to vector<143x512xf32>
    %convert_element_type3A_128 = arith.truncf %slice3A : vector<143x512xf32> to vector<143x512xbf16>
    %get3A_129 = arith.constant 0 : index
    %get3A_130 = arith.constant 0 : index
    %get3A_131 = vector.load %arg8[%get3A_129, %get3A_130] : memref<1024x4096xbf16, #tpu.memory_space<vmem>>, vector<512x2048xbf16>
    %dot_general3A_132 = arith.constant dense<0.000000e+00> : vector<143x2048xf32>
    %dot_general3A_133 = tpu.matmul %convert_element_type3A_128, %get3A_131, %dot_general3A_132 {dimension_numbers = #tpu.dot_dimension_numbers<[1], [0], [0], [1], [0, 0, 1, 1], [], []>, transpose_lhs_hint = false} : vector<143x512xbf16>, vector<512x2048xbf16>, vector<143x2048xf32> -> vector<143x2048xf32>
    %get3A_134 = arith.constant 0 : index
    %get3A_135 = arith.constant 0 : index
    %get3A_136 = vector.load %arg9[%get3A_134, %get3A_135] : memref<1x4096xf32, #tpu.memory_space<vmem>>, vector<1x2048xf32>
    %add3A_137 = vector.broadcast %get3A_136 : vector<1x2048xf32> to vector<143x2048xf32>
    %add3A_138 = arith.addf %dot_general3A_133, %add3A_137 : vector<143x2048xf32>
    %integer_pow3A_139 = arith.mulf %add3A_138, %add3A_138 : vector<143x2048xf32>
    %integer_pow3A_140 = arith.mulf %add3A_138, %integer_pow3A_139 : vector<143x2048xf32>
    %mul3A_141 = arith.constant 4.471500e-02 : f32
    %mul3A_142 = vector.broadcast %mul3A_141 : f32 to vector<143x2048xf32>
    %mul3A_143 = arith.mulf %mul3A_142, %integer_pow3A_140 : vector<143x2048xf32>
    %add3A_144 = arith.addf %add3A_138, %mul3A_143 : vector<143x2048xf32>
    %mul3A_145 = arith.constant 0.797884583 : f32
    %mul3A_146 = vector.broadcast %mul3A_145 : f32 to vector<143x2048xf32>
    %mul3A_147 = arith.mulf %mul3A_146, %add3A_144 : vector<143x2048xf32>
    %tanh3A_148 = math.tanh %mul3A_147 : vector<143x2048xf32>
    %add3A_149 = arith.constant 1.000000e+00 : f32
    %add3A_150 = vector.broadcast %add3A_149 : f32 to vector<143x2048xf32>
    %add3A_151 = arith.addf %add3A_150, %tanh3A_148 : vector<143x2048xf32>
    %mul3A_152 = arith.constant 5.000000e-01 : f32
    %mul3A_153 = vector.broadcast %mul3A_152 : f32 to vector<143x2048xf32>
    %mul3A_154 = arith.mulf %mul3A_153, %add3A_151 : vector<143x2048xf32>
    %mul3A_155 = arith.mulf %add3A_138, %mul3A_154 : vector<143x2048xf32>
    %convert_element_type3A_156 = arith.truncf %mul3A_155 : vector<143x2048xf32> to vector<143x2048xbf16>
    %get3A_157 = arith.constant 0 : index
    %get3A_158 = arith.constant 0 : index
    %get3A_159 = vector.load %arg10[%get3A_157, %get3A_158] : memref<4096x1024xbf16, #tpu.memory_space<vmem>>, vector<2048x512xbf16>
    %dot_general3A_160 = arith.constant dense<0.000000e+00> : vector<143x512xf32>
    %dot_general3A_161 = tpu.matmul %convert_element_type3A_156, %get3A_159, %dot_general3A_160 {dimension_numbers = #tpu.dot_dimension_numbers<[1], [0], [0], [1], [0, 0, 1, 1], [], []>, transpose_lhs_hint = false} : vector<143x2048xbf16>, vector<2048x512xbf16>, vector<143x512xf32> -> vector<143x512xf32>
    %get3A_162 = arith.constant 0 : index
    %get3A_163 = arith.constant 0 : index
    %get3A_164 = vector.load %arg11[%get3A_162, %get3A_163] : memref<1x1024xf32, #tpu.memory_space<vmem>>, vector<1x512xf32>
    %add3A_165 = vector.broadcast %get3A_164 : vector<1x512xf32> to vector<143x512xf32>
    %add3A_166 = arith.addf %dot_general3A_161, %add3A_165 : vector<143x512xf32>
    %jit3A_167 = arith.constant 0 : i32
    %convert_element_type3A_168 = arith.sitofp %jit3A_167 : i32 to f32
    %pad3A = vector.broadcast %convert_element_type3A_168 : f32 to vector<143x512xf32>
    %pad3A_169 = tpu.concatenate %add3A_97, %pad3A in 1 : vector<143x512xf32>, vector<143x512xf32> -> vector<143x1024xf32>
    %convert_element_type3A_170 = arith.truncf %pad3A_169 : vector<143x1024xf32> to vector<143x1024xbf16>
    %jit3A_171 = arith.constant 0 : i32
    %convert_element_type3A_172 = arith.sitofp %jit3A_171 : i32 to f32
    %pad3A_173 = vector.broadcast %convert_element_type3A_172 : f32 to vector<143x512xf32>
    %pad3A_174 = tpu.concatenate %add3A_166, %pad3A_173 in 1 : vector<143x512xf32>, vector<143x512xf32> -> vector<143x1024xf32>
    %convert_element_type3A_175 = arith.truncf %pad3A_174 : vector<143x1024xf32> to vector<143x1024xbf16>
    %get3A_176 = arith.constant 0 : index
    %get3A_177 = arith.constant 0 : index
    %get3A_178 = vector.load %arg15[%get3A_176, %get3A_177] : memref<168x256xbf16, #tpu.memory_space<vmem>>, vector<163x256xbf16>
    %get3A_179 = arith.constant 249 : index
    %get3A_180 = arith.constant 0 : index
    %get3A_181 = vector.load %arg1[%get3A_179, %get3A_180] : memref<2048x1024xf32, #tpu.memory_space<vmem>>, vector<163x1024xf32>
    %get3A_182 = arith.constant 0 : index
    %get3A_183 = arith.constant 0 : index
    %get3A_184 = vector.load %arg4[%get3A_182, %get3A_183] : memref<1024x1024xbf16, #tpu.memory_space<vmem>>, vector<256x256xbf16>
    %dot_general3A_185 = arith.constant dense<0.000000e+00> : vector<163x256xf32>
    %dot_general3A_186 = tpu.matmul %get3A_178, %get3A_184, %dot_general3A_185 {dimension_numbers = #tpu.dot_dimension_numbers<[1], [0], [0], [1], [0, 0, 1, 1], [], []>, transpose_lhs_hint = false} : vector<163x256xbf16>, vector<256x256xbf16>, vector<163x256xf32> -> vector<163x256xf32>
    %get3A_187 = arith.constant 0 : index
    %get3A_188 = arith.constant 0 : index
    %get3A_189 = vector.load %arg5[%get3A_187, %get3A_188] : memref<1x1024xf32, #tpu.memory_space<vmem>>, vector<1x256xf32>
    %add3A_190 = vector.broadcast %get3A_189 : vector<1x256xf32> to vector<163x256xf32>
    %add3A_191 = arith.addf %dot_general3A_186, %add3A_190 : vector<163x256xf32>
    %broadcast_in_dim3A_192 = arith.constant 0.000000e+00 : f32
    %broadcast_in_dim3A_193 = vector.broadcast %broadcast_in_dim3A_192 : f32 to vector<163x768xf32>
    %concatenate3A_194 = tpu.concatenate %add3A_191, %broadcast_in_dim3A_193 in 1 : vector<163x256xf32>, vector<163x768xf32> -> vector<163x1024xf32>
    %add3A_195 = arith.addf %get3A_181, %concatenate3A_194 : vector<163x1024xf32>
    %reduce_sum3A_196 = arith.constant dense<0.000000e+00> : vector<163xf32>
    %reduce_sum3A_197 = vector.multi_reduction <add>, %add3A_195, %reduce_sum3A_196 [1] : vector<163x1024xf32> to vector<163xf32>
    %broadcast_in_dim3A_198 = vector.shape_cast %reduce_sum3A_197 : vector<163xf32> to vector<163x1xf32>
    %div3A_199 = arith.constant 1.024000e+03 : f32
    %div3A_200 = vector.broadcast %div3A_199 : f32 to vector<163x1xf32>
    %div3A_201 = arith.divf %broadcast_in_dim3A_198, %div3A_200 : vector<163x1xf32>
    %sub3A_202 = vector.broadcast %div3A_201 : vector<163x1xf32> to vector<163x1024xf32>
    %sub3A_203 = arith.subf %add3A_195, %sub3A_202 : vector<163x1024xf32>
    %integer_pow3A_204 = arith.mulf %sub3A_203, %sub3A_203 : vector<163x1024xf32>
    %reduce_sum3A_205 = arith.constant dense<0.000000e+00> : vector<163xf32>
    %reduce_sum3A_206 = vector.multi_reduction <add>, %integer_pow3A_204, %reduce_sum3A_205 [1] : vector<163x1024xf32> to vector<163xf32>
    %broadcast_in_dim3A_207 = vector.shape_cast %reduce_sum3A_206 : vector<163xf32> to vector<163x1xf32>
    %div3A_208 = arith.constant 1.024000e+03 : f32
    %div3A_209 = vector.broadcast %div3A_208 : f32 to vector<163x1xf32>
    %div3A_210 = arith.divf %broadcast_in_dim3A_207, %div3A_209 : vector<163x1xf32>
    %sub3A_211 = vector.broadcast %div3A_201 : vector<163x1xf32> to vector<163x1024xf32>
    %sub3A_212 = arith.subf %add3A_195, %sub3A_211 : vector<163x1024xf32>
    %add3A_213 = arith.constant 9.99999997E-7 : f32
    %add3A_214 = vector.broadcast %add3A_213 : f32 to vector<163x1xf32>
    %add3A_215 = arith.addf %div3A_210, %add3A_214 : vector<163x1xf32>
    %sqrt3A_216 = math.sqrt %add3A_215 : vector<163x1xf32>
    %div3A_217 = vector.broadcast %sqrt3A_216 : vector<163x1xf32> to vector<163x1024xf32>
    %div3A_218 = arith.divf %sub3A_212, %div3A_217 : vector<163x1024xf32>
    %mul3A_219 = vector.broadcast %get3A_1 : vector<1x1024xf32> to vector<163x1024xf32>
    %mul3A_220 = arith.mulf %div3A_218, %mul3A_219 : vector<163x1024xf32>
    %add3A_221 = vector.broadcast %get3A_4 : vector<1x1024xf32> to vector<163x1024xf32>
    %add3A_222 = arith.addf %mul3A_220, %add3A_221 : vector<163x1024xf32>
    %slice3A_223 = vector.extract_strided_slice %add3A_222 {offsets = [0, 0], sizes = [163, 256], strides = [1, 1]} : vector<163x1024xf32> to vector<163x256xf32>
    %convert_element_type3A_224 = arith.truncf %slice3A_223 : vector<163x256xf32> to vector<163x256xbf16>
    %get3A_225 = arith.constant 0 : index
    %get3A_226 = arith.constant 0 : index
    %get3A_227 = vector.load %arg8[%get3A_225, %get3A_226] : memref<1024x4096xbf16, #tpu.memory_space<vmem>>, vector<256x1024xbf16>
    %dot_general3A_228 = arith.constant dense<0.000000e+00> : vector<163x1024xf32>
    %dot_general3A_229 = tpu.matmul %convert_element_type3A_224, %get3A_227, %dot_general3A_228 {dimension_numbers = #tpu.dot_dimension_numbers<[1], [0], [0], [1], [0, 0, 1, 1], [], []>, transpose_lhs_hint = false} : vector<163x256xbf16>, vector<256x1024xbf16>, vector<163x1024xf32> -> vector<163x1024xf32>
    %get3A_230 = arith.constant 0 : index
    %get3A_231 = arith.constant 0 : index
    %get3A_232 = vector.load %arg9[%get3A_230, %get3A_231] : memref<1x4096xf32, #tpu.memory_space<vmem>>, vector<1x1024xf32>
    %add3A_233 = vector.broadcast %get3A_232 : vector<1x1024xf32> to vector<163x1024xf32>
    %add3A_234 = arith.addf %dot_general3A_229, %add3A_233 : vector<163x1024xf32>
    %integer_pow3A_235 = arith.mulf %add3A_234, %add3A_234 : vector<163x1024xf32>
    %integer_pow3A_236 = arith.mulf %add3A_234, %integer_pow3A_235 : vector<163x1024xf32>
    %mul3A_237 = arith.constant 4.471500e-02 : f32
    %mul3A_238 = vector.broadcast %mul3A_237 : f32 to vector<163x1024xf32>
    %mul3A_239 = arith.mulf %mul3A_238, %integer_pow3A_236 : vector<163x1024xf32>
    %add3A_240 = arith.addf %add3A_234, %mul3A_239 : vector<163x1024xf32>
    %mul3A_241 = arith.constant 0.797884583 : f32
    %mul3A_242 = vector.broadcast %mul3A_241 : f32 to vector<163x1024xf32>
    %mul3A_243 = arith.mulf %mul3A_242, %add3A_240 : vector<163x1024xf32>
    %tanh3A_244 = math.tanh %mul3A_243 : vector<163x1024xf32>
    %add3A_245 = arith.constant 1.000000e+00 : f32
    %add3A_246 = vector.broadcast %add3A_245 : f32 to vector<163x1024xf32>
    %add3A_247 = arith.addf %add3A_246, %tanh3A_244 : vector<163x1024xf32>
    %mul3A_248 = arith.constant 5.000000e-01 : f32
    %mul3A_249 = vector.broadcast %mul3A_248 : f32 to vector<163x1024xf32>
    %mul3A_250 = arith.mulf %mul3A_249, %add3A_247 : vector<163x1024xf32>
    %mul3A_251 = arith.mulf %add3A_234, %mul3A_250 : vector<163x1024xf32>
    %convert_element_type3A_252 = arith.truncf %mul3A_251 : vector<163x1024xf32> to vector<163x1024xbf16>
    %get3A_253 = arith.constant 0 : index
    %get3A_254 = arith.constant 0 : index
    %get3A_255 = vector.load %arg10[%get3A_253, %get3A_254] : memref<4096x1024xbf16, #tpu.memory_space<vmem>>, vector<1024x256xbf16>
    %dot_general3A_256 = arith.constant dense<0.000000e+00> : vector<163x256xf32>
    %dot_general3A_257 = tpu.matmul %convert_element_type3A_252, %get3A_255, %dot_general3A_256 {dimension_numbers = #tpu.dot_dimension_numbers<[1], [0], [0], [1], [0, 0, 1, 1], [], []>, transpose_lhs_hint = false} : vector<163x1024xbf16>, vector<1024x256xbf16>, vector<163x256xf32> -> vector<163x256xf32>
    %get3A_258 = arith.constant 0 : index
    %get3A_259 = arith.constant 0 : index
    %get3A_260 = vector.load %arg11[%get3A_258, %get3A_259] : memref<1x1024xf32, #tpu.memory_space<vmem>>, vector<1x256xf32>
    %add3A_261 = vector.broadcast %get3A_260 : vector<1x256xf32> to vector<163x256xf32>
    %add3A_262 = arith.addf %dot_general3A_257, %add3A_261 : vector<163x256xf32>
    %jit3A_263 = arith.constant 0 : i32
    %convert_element_type3A_264 = arith.sitofp %jit3A_263 : i32 to f32
    %pad3A_265 = vector.broadcast %convert_element_type3A_264 : f32 to vector<163x768xf32>
    %pad3A_266 = tpu.concatenate %add3A_191, %pad3A_265 in 1 : vector<163x256xf32>, vector<163x768xf32> -> vector<163x1024xf32>
    %convert_element_type3A_267 = arith.truncf %pad3A_266 : vector<163x1024xf32> to vector<163x1024xbf16>
    %jit3A_268 = arith.constant 0 : i32
    %convert_element_type3A_269 = arith.sitofp %jit3A_268 : i32 to f32
    %pad3A_270 = vector.broadcast %convert_element_type3A_269 : f32 to vector<163x768xf32>
    %pad3A_271 = tpu.concatenate %add3A_262, %pad3A_270 in 1 : vector<163x256xf32>, vector<163x768xf32> -> vector<163x1024xf32>
    %convert_element_type3A_272 = arith.truncf %pad3A_271 : vector<163x1024xf32> to vector<163x1024xbf16>
    %get3A_273 = arith.constant 0 : index
    %get3A_274 = arith.constant 0 : index
    %get3A_275 = vector.load %arg16[%get3A_273, %get3A_274] : memref<208x128xbf16, #tpu.memory_space<vmem>>, vector<204x128xbf16>
    %get3A_276 = arith.constant 412 : index
    %get3A_277 = arith.constant 0 : index
    %get3A_278 = vector.load %arg1[%get3A_276, %get3A_277] : memref<2048x1024xf32, #tpu.memory_space<vmem>>, vector<204x1024xf32>
    %get3A_279 = arith.constant 0 : index
    %get3A_280 = arith.constant 0 : index
    %get3A_281 = vector.load %arg4[%get3A_279, %get3A_280] : memref<1024x1024xbf16, #tpu.memory_space<vmem>>, vector<128x128xbf16>
    %dot_general3A_282 = arith.constant dense<0.000000e+00> : vector<204x128xf32>
    %dot_general3A_283 = tpu.matmul %get3A_275, %get3A_281, %dot_general3A_282 {dimension_numbers = #tpu.dot_dimension_numbers<[1], [0], [0], [1], [0, 0, 1, 1], [], []>, transpose_lhs_hint = false} : vector<204x128xbf16>, vector<128x128xbf16>, vector<204x128xf32> -> vector<204x128xf32>
    %get3A_284 = arith.constant 0 : index
    %get3A_285 = arith.constant 0 : index
    %get3A_286 = vector.load %arg5[%get3A_284, %get3A_285] : memref<1x1024xf32, #tpu.memory_space<vmem>>, vector<1x128xf32>
    %add3A_287 = vector.broadcast %get3A_286 : vector<1x128xf32> to vector<204x128xf32>
    %add3A_288 = arith.addf %dot_general3A_283, %add3A_287 : vector<204x128xf32>
    %broadcast_in_dim3A_289 = arith.constant 0.000000e+00 : f32
    %broadcast_in_dim3A_290 = vector.broadcast %broadcast_in_dim3A_289 : f32 to vector<204x896xf32>
    %concatenate3A_291 = tpu.concatenate %add3A_288, %broadcast_in_dim3A_290 in 1 : vector<204x128xf32>, vector<204x896xf32> -> vector<204x1024xf32>
    %add3A_292 = arith.addf %get3A_278, %concatenate3A_291 : vector<204x1024xf32>
    %reduce_sum3A_293 = arith.constant dense<0.000000e+00> : vector<204xf32>
    %reduce_sum3A_294 = vector.multi_reduction <add>, %add3A_292, %reduce_sum3A_293 [1] : vector<204x1024xf32> to vector<204xf32>
    %broadcast_in_dim3A_295 = vector.shape_cast %reduce_sum3A_294 : vector<204xf32> to vector<204x1xf32>
    %div3A_296 = arith.constant 1.024000e+03 : f32
    %div3A_297 = vector.broadcast %div3A_296 : f32 to vector<204x1xf32>
    %div3A_298 = arith.divf %broadcast_in_dim3A_295, %div3A_297 : vector<204x1xf32>
    %sub3A_299 = vector.broadcast %div3A_298 : vector<204x1xf32> to vector<204x1024xf32>
    %sub3A_300 = arith.subf %add3A_292, %sub3A_299 : vector<204x1024xf32>
    %integer_pow3A_301 = arith.mulf %sub3A_300, %sub3A_300 : vector<204x1024xf32>
    %reduce_sum3A_302 = arith.constant dense<0.000000e+00> : vector<204xf32>
    %reduce_sum3A_303 = vector.multi_reduction <add>, %integer_pow3A_301, %reduce_sum3A_302 [1] : vector<204x1024xf32> to vector<204xf32>
    %broadcast_in_dim3A_304 = vector.shape_cast %reduce_sum3A_303 : vector<204xf32> to vector<204x1xf32>
    %div3A_305 = arith.constant 1.024000e+03 : f32
    %div3A_306 = vector.broadcast %div3A_305 : f32 to vector<204x1xf32>
    %div3A_307 = arith.divf %broadcast_in_dim3A_304, %div3A_306 : vector<204x1xf32>
    %sub3A_308 = vector.broadcast %div3A_298 : vector<204x1xf32> to vector<204x1024xf32>
    %sub3A_309 = arith.subf %add3A_292, %sub3A_308 : vector<204x1024xf32>
    %add3A_310 = arith.constant 9.99999997E-7 : f32
    %add3A_311 = vector.broadcast %add3A_310 : f32 to vector<204x1xf32>
    %add3A_312 = arith.addf %div3A_307, %add3A_311 : vector<204x1xf32>
    %sqrt3A_313 = math.sqrt %add3A_312 : vector<204x1xf32>
    %div3A_314 = vector.broadcast %sqrt3A_313 : vector<204x1xf32> to vector<204x1024xf32>
    %div3A_315 = arith.divf %sub3A_309, %div3A_314 : vector<204x1024xf32>
    %mul3A_316 = vector.broadcast %get3A_1 : vector<1x1024xf32> to vector<204x1024xf32>
    %mul3A_317 = arith.mulf %div3A_315, %mul3A_316 : vector<204x1024xf32>
    %add3A_318 = vector.broadcast %get3A_4 : vector<1x1024xf32> to vector<204x1024xf32>
    %add3A_319 = arith.addf %mul3A_317, %add3A_318 : vector<204x1024xf32>
    %slice3A_320 = vector.extract_strided_slice %add3A_319 {offsets = [0, 0], sizes = [204, 128], strides = [1, 1]} : vector<204x1024xf32> to vector<204x128xf32>
    %convert_element_type3A_321 = arith.truncf %slice3A_320 : vector<204x128xf32> to vector<204x128xbf16>
    %get3A_322 = arith.constant 0 : index
    %get3A_323 = arith.constant 0 : index
    %get3A_324 = vector.load %arg8[%get3A_322, %get3A_323] : memref<1024x4096xbf16, #tpu.memory_space<vmem>>, vector<128x512xbf16>
    %dot_general3A_325 = arith.constant dense<0.000000e+00> : vector<204x512xf32>
    %dot_general3A_326 = tpu.matmul %convert_element_type3A_321, %get3A_324, %dot_general3A_325 {dimension_numbers = #tpu.dot_dimension_numbers<[1], [0], [0], [1], [0, 0, 1, 1], [], []>, transpose_lhs_hint = false} : vector<204x128xbf16>, vector<128x512xbf16>, vector<204x512xf32> -> vector<204x512xf32>
    %get3A_327 = arith.constant 0 : index
    %get3A_328 = arith.constant 0 : index
    %get3A_329 = vector.load %arg9[%get3A_327, %get3A_328] : memref<1x4096xf32, #tpu.memory_space<vmem>>, vector<1x512xf32>
    %add3A_330 = vector.broadcast %get3A_329 : vector<1x512xf32> to vector<204x512xf32>
    %add3A_331 = arith.addf %dot_general3A_326, %add3A_330 : vector<204x512xf32>
    %integer_pow3A_332 = arith.mulf %add3A_331, %add3A_331 : vector<204x512xf32>
    %integer_pow3A_333 = arith.mulf %add3A_331, %integer_pow3A_332 : vector<204x512xf32>
    %mul3A_334 = arith.constant 4.471500e-02 : f32
    %mul3A_335 = vector.broadcast %mul3A_334 : f32 to vector<204x512xf32>
    %mul3A_336 = arith.mulf %mul3A_335, %integer_pow3A_333 : vector<204x512xf32>
    %add3A_337 = arith.addf %add3A_331, %mul3A_336 : vector<204x512xf32>
    %mul3A_338 = arith.constant 0.797884583 : f32
    %mul3A_339 = vector.broadcast %mul3A_338 : f32 to vector<204x512xf32>
    %mul3A_340 = arith.mulf %mul3A_339, %add3A_337 : vector<204x512xf32>
    %tanh3A_341 = math.tanh %mul3A_340 : vector<204x512xf32>
    %add3A_342 = arith.constant 1.000000e+00 : f32
    %add3A_343 = vector.broadcast %add3A_342 : f32 to vector<204x512xf32>
    %add3A_344 = arith.addf %add3A_343, %tanh3A_341 : vector<204x512xf32>
    %mul3A_345 = arith.constant 5.000000e-01 : f32
    %mul3A_346 = vector.broadcast %mul3A_345 : f32 to vector<204x512xf32>
    %mul3A_347 = arith.mulf %mul3A_346, %add3A_344 : vector<204x512xf32>
    %mul3A_348 = arith.mulf %add3A_331, %mul3A_347 : vector<204x512xf32>
    %convert_element_type3A_349 = arith.truncf %mul3A_348 : vector<204x512xf32> to vector<204x512xbf16>
    %get3A_350 = arith.constant 0 : index
    %get3A_351 = arith.constant 0 : index
    %get3A_352 = vector.load %arg10[%get3A_350, %get3A_351] : memref<4096x1024xbf16, #tpu.memory_space<vmem>>, vector<512x128xbf16>
    %dot_general3A_353 = arith.constant dense<0.000000e+00> : vector<204x128xf32>
    %dot_general3A_354 = tpu.matmul %convert_element_type3A_349, %get3A_352, %dot_general3A_353 {dimension_numbers = #tpu.dot_dimension_numbers<[1], [0], [0], [1], [0, 0, 1, 1], [], []>, transpose_lhs_hint = false} : vector<204x512xbf16>, vector<512x128xbf16>, vector<204x128xf32> -> vector<204x128xf32>
    %get3A_355 = arith.constant 0 : index
    %get3A_356 = arith.constant 0 : index
    %get3A_357 = vector.load %arg11[%get3A_355, %get3A_356] : memref<1x1024xf32, #tpu.memory_space<vmem>>, vector<1x128xf32>
    %add3A_358 = vector.broadcast %get3A_357 : vector<1x128xf32> to vector<204x128xf32>
    %add3A_359 = arith.addf %dot_general3A_354, %add3A_358 : vector<204x128xf32>
    %jit3A_360 = arith.constant 0 : i32
    %convert_element_type3A_361 = arith.sitofp %jit3A_360 : i32 to f32
    %pad3A_362 = vector.broadcast %convert_element_type3A_361 : f32 to vector<204x896xf32>
    %pad3A_363 = tpu.concatenate %add3A_288, %pad3A_362 in 1 : vector<204x128xf32>, vector<204x896xf32> -> vector<204x1024xf32>
    %convert_element_type3A_364 = arith.truncf %pad3A_363 : vector<204x1024xf32> to vector<204x1024xbf16>
    %jit3A_365 = arith.constant 0 : i32
    %convert_element_type3A_366 = arith.sitofp %jit3A_365 : i32 to f32
    %pad3A_367 = vector.broadcast %convert_element_type3A_366 : f32 to vector<204x896xf32>
    %pad3A_368 = tpu.concatenate %add3A_359, %pad3A_367 in 1 : vector<204x128xf32>, vector<204x896xf32> -> vector<204x1024xf32>
    %convert_element_type3A_369 = arith.truncf %pad3A_368 : vector<204x1024xf32> to vector<204x1024xbf16>
    %get3A_370 = arith.constant 0 : index
    %get3A_371 = arith.constant 0 : index
    %get3A_372 = vector.load %arg17[%get3A_370, %get3A_371] : memref<1432x64xbf16, #tpu.memory_space<vmem>>, vector<1432x64xbf16>
    %get3A_373 = arith.constant 616 : index
    %get3A_374 = arith.constant 0 : index
    %get3A_375 = vector.load %arg1[%get3A_373, %get3A_374] : memref<2048x1024xf32, #tpu.memory_space<vmem>>, vector<1432x1024xf32>
    %get3A_376 = arith.constant 0 : index
    %get3A_377 = arith.constant 0 : index
    %get3A_378 = vector.load %arg4[%get3A_376, %get3A_377] : memref<1024x1024xbf16, #tpu.memory_space<vmem>>, vector<64x64xbf16>
    %dot_general3A_379 = arith.constant dense<0.000000e+00> : vector<1432x64xf32>
    %dot_general3A_380 = tpu.matmul %get3A_372, %get3A_378, %dot_general3A_379 {dimension_numbers = #tpu.dot_dimension_numbers<[1], [0], [0], [1], [0, 0, 1, 1], [], []>, transpose_lhs_hint = false} : vector<1432x64xbf16>, vector<64x64xbf16>, vector<1432x64xf32> -> vector<1432x64xf32>
    %get3A_381 = arith.constant 0 : index
    %get3A_382 = arith.constant 0 : index
    %get3A_383 = vector.load %arg5[%get3A_381, %get3A_382] : memref<1x1024xf32, #tpu.memory_space<vmem>>, vector<1x64xf32>
    %add3A_384 = vector.broadcast %get3A_383 : vector<1x64xf32> to vector<1432x64xf32>
    %add3A_385 = arith.addf %dot_general3A_380, %add3A_384 : vector<1432x64xf32>
    %iota3A = tpu.iota {dimensions = array<i32: 0>} : vector<1432x1xi32>
    %add3A_386 = arith.constant 616 : i32
    %add3A_387 = vector.broadcast %add3A_386 : i32 to vector<1432x1xi32>
    %add3A_388 = arith.addi %iota3A, %add3A_387 : vector<1432x1xi32>
    %broadcast_in_dim3A_389 = arith.constant 8 : i32
    %broadcast_in_dim3A_390 = vector.broadcast %broadcast_in_dim3A_389 : i32 to vector<1432x1xi32>
    %lt3A = arith.constant 1536 : i32
    %lt3A_391 = vector.broadcast %lt3A : i32 to vector<1432x1xi32>
    %lt3A_392 = arith.cmpi slt, %add3A_388, %lt3A_391 : vector<1432x1xi32>
    %ge3A = arith.constant 1127 : i32
    %ge3A_393 = vector.broadcast %ge3A : i32 to vector<1432x1xi32>
    %ge3A_394 = arith.cmpi sge, %add3A_388, %ge3A_393 : vector<1432x1xi32>
    %jit3A_395 = arith.constant 16 : i32
    %broadcast_in_dim3A_396 = vector.broadcast %jit3A_395 : i32 to vector<1432x1xi32>
    %select_n3A = arith.select %ge3A_394, %broadcast_in_dim3A_396, %broadcast_in_dim3A_390 : vector<1432x1xi1>, vector<1432x1xi32>
    %select_n3A_397 = arith.select %lt3A_392, %select_n3A, %broadcast_in_dim3A_390 : vector<1432x1xi1>, vector<1432x1xi32>
    %lt3A_398 = arith.constant 1127 : i32
    %lt3A_399 = vector.broadcast %lt3A_398 : i32 to vector<1432x1xi32>
    %lt3A_400 = arith.cmpi slt, %add3A_388, %lt3A_399 : vector<1432x1xi32>
    %ge3A_401 = arith.constant 820 : i32
    %ge3A_402 = vector.broadcast %ge3A_401 : i32 to vector<1432x1xi32>
    %ge3A_403 = arith.cmpi sge, %add3A_388, %ge3A_402 : vector<1432x1xi32>
    %jit3A_404 = arith.constant 32 : i32
    %broadcast_in_dim3A_405 = vector.broadcast %jit3A_404 : i32 to vector<1432x1xi32>
    %select_n3A_406 = arith.select %ge3A_403, %broadcast_in_dim3A_405, %select_n3A_397 : vector<1432x1xi1>, vector<1432x1xi32>
    %select_n3A_407 = arith.select %lt3A_400, %select_n3A_406, %select_n3A_397 : vector<1432x1xi1>, vector<1432x1xi32>
    %lt3A_408 = arith.constant 820 : i32
    %lt3A_409 = vector.broadcast %lt3A_408 : i32 to vector<1432x1xi32>
    %lt3A_410 = arith.cmpi slt, %add3A_388, %lt3A_409 : vector<1432x1xi32>
    %ge3A_411 = arith.constant 616 : i32
    %ge3A_412 = vector.broadcast %ge3A_411 : i32 to vector<1432x1xi32>
    %ge3A_413 = arith.cmpi sge, %add3A_388, %ge3A_412 : vector<1432x1xi32>
    %jit3A_414 = arith.constant 64 : i32
    %broadcast_in_dim3A_415 = vector.broadcast %jit3A_414 : i32 to vector<1432x1xi32>
    %select_n3A_416 = arith.select %ge3A_413, %broadcast_in_dim3A_415, %select_n3A_407 : vector<1432x1xi1>, vector<1432x1xi32>
    %select_n3A_417 = arith.select %lt3A_410, %select_n3A_416, %select_n3A_407 : vector<1432x1xi1>, vector<1432x1xi32>
    %iota3A_418 = tpu.iota {dimensions = array<i32: 1>} : vector<1x64xi32>
    %lt3A_419 = vector.broadcast %iota3A_418 : vector<1x64xi32> to vector<1432x64xi32>
    %lt3A_420 = vector.broadcast %select_n3A_417 : vector<1432x1xi32> to vector<1432x64xi32>
    %lt3A_421 = arith.cmpi slt, %lt3A_419, %lt3A_420 : vector<1432x64xi32>
    %jit3A_422 = arith.constant 0.000000e+00 : f32
    %broadcast_in_dim3A_423 = vector.broadcast %jit3A_422 : f32 to vector<1432x64xf32>
    %select_n3A_424 = arith.select %lt3A_421, %add3A_385, %broadcast_in_dim3A_423 : vector<1432x64xi1>, vector<1432x64xf32>
    %broadcast_in_dim3A_425 = arith.constant 0.000000e+00 : f32
    %broadcast_in_dim3A_426 = vector.broadcast %broadcast_in_dim3A_425 : f32 to vector<1432x960xf32>
    %concatenate3A_427 = tpu.concatenate %select_n3A_424, %broadcast_in_dim3A_426 in 1 : vector<1432x64xf32>, vector<1432x960xf32> -> vector<1432x1024xf32>
    %add3A_428 = arith.addf %get3A_375, %concatenate3A_427 : vector<1432x1024xf32>
    %reduce_sum3A_429 = arith.constant dense<0.000000e+00> : vector<1432xf32>
    %reduce_sum3A_430 = vector.multi_reduction <add>, %add3A_428, %reduce_sum3A_429 [1] : vector<1432x1024xf32> to vector<1432xf32>
    %broadcast_in_dim3A_431 = vector.shape_cast %reduce_sum3A_430 : vector<1432xf32> to vector<1432x1xf32>
    %div3A_432 = arith.constant 1.024000e+03 : f32
    %div3A_433 = vector.broadcast %div3A_432 : f32 to vector<1432x1xf32>
    %div3A_434 = arith.divf %broadcast_in_dim3A_431, %div3A_433 : vector<1432x1xf32>
    %sub3A_435 = vector.broadcast %div3A_434 : vector<1432x1xf32> to vector<1432x1024xf32>
    %sub3A_436 = arith.subf %add3A_428, %sub3A_435 : vector<1432x1024xf32>
    %integer_pow3A_437 = arith.mulf %sub3A_436, %sub3A_436 : vector<1432x1024xf32>
    %reduce_sum3A_438 = arith.constant dense<0.000000e+00> : vector<1432xf32>
    %reduce_sum3A_439 = vector.multi_reduction <add>, %integer_pow3A_437, %reduce_sum3A_438 [1] : vector<1432x1024xf32> to vector<1432xf32>
    %broadcast_in_dim3A_440 = vector.shape_cast %reduce_sum3A_439 : vector<1432xf32> to vector<1432x1xf32>
    %div3A_441 = arith.constant 1.024000e+03 : f32
    %div3A_442 = vector.broadcast %div3A_441 : f32 to vector<1432x1xf32>
    %div3A_443 = arith.divf %broadcast_in_dim3A_440, %div3A_442 : vector<1432x1xf32>
    %sub3A_444 = vector.broadcast %div3A_434 : vector<1432x1xf32> to vector<1432x1024xf32>
    %sub3A_445 = arith.subf %add3A_428, %sub3A_444 : vector<1432x1024xf32>
    %add3A_446 = arith.constant 9.99999997E-7 : f32
    %add3A_447 = vector.broadcast %add3A_446 : f32 to vector<1432x1xf32>
    %add3A_448 = arith.addf %div3A_443, %add3A_447 : vector<1432x1xf32>
    %sqrt3A_449 = math.sqrt %add3A_448 : vector<1432x1xf32>
    %div3A_450 = vector.broadcast %sqrt3A_449 : vector<1432x1xf32> to vector<1432x1024xf32>
    %div3A_451 = arith.divf %sub3A_445, %div3A_450 : vector<1432x1024xf32>
    %mul3A_452 = vector.broadcast %get3A_1 : vector<1x1024xf32> to vector<1432x1024xf32>
    %mul3A_453 = arith.mulf %div3A_451, %mul3A_452 : vector<1432x1024xf32>
    %add3A_454 = vector.broadcast %get3A_4 : vector<1x1024xf32> to vector<1432x1024xf32>
    %add3A_455 = arith.addf %mul3A_453, %add3A_454 : vector<1432x1024xf32>
    %slice3A_456 = vector.extract_strided_slice %add3A_455 {offsets = [0, 0], sizes = [1432, 64], strides = [1, 1]} : vector<1432x1024xf32> to vector<1432x64xf32>
    %jit3A_457 = arith.constant 0.000000e+00 : f32
    %broadcast_in_dim3A_458 = vector.broadcast %jit3A_457 : f32 to vector<1432x64xf32>
    %select_n3A_459 = arith.select %lt3A_421, %slice3A_456, %broadcast_in_dim3A_458 : vector<1432x64xi1>, vector<1432x64xf32>
    %convert_element_type3A_460 = arith.truncf %select_n3A_459 : vector<1432x64xf32> to vector<1432x64xbf16>
    %get3A_461 = arith.constant 0 : index
    %get3A_462 = arith.constant 0 : index
    %get3A_463 = vector.load %arg8[%get3A_461, %get3A_462] : memref<1024x4096xbf16, #tpu.memory_space<vmem>>, vector<64x256xbf16>
    %dot_general3A_464 = arith.constant dense<0.000000e+00> : vector<1432x256xf32>
    %dot_general3A_465 = tpu.matmul %convert_element_type3A_460, %get3A_463, %dot_general3A_464 {dimension_numbers = #tpu.dot_dimension_numbers<[1], [0], [0], [1], [0, 0, 1, 1], [], []>, transpose_lhs_hint = false} : vector<1432x64xbf16>, vector<64x256xbf16>, vector<1432x256xf32> -> vector<1432x256xf32>
    %get3A_466 = arith.constant 0 : index
    %get3A_467 = arith.constant 0 : index
    %get3A_468 = vector.load %arg9[%get3A_466, %get3A_467] : memref<1x4096xf32, #tpu.memory_space<vmem>>, vector<1x256xf32>
    %add3A_469 = vector.broadcast %get3A_468 : vector<1x256xf32> to vector<1432x256xf32>
    %add3A_470 = arith.addf %dot_general3A_465, %add3A_469 : vector<1432x256xf32>
    %integer_pow3A_471 = arith.mulf %add3A_470, %add3A_470 : vector<1432x256xf32>
    %integer_pow3A_472 = arith.mulf %add3A_470, %integer_pow3A_471 : vector<1432x256xf32>
    %mul3A_473 = arith.constant 4.471500e-02 : f32
    %mul3A_474 = vector.broadcast %mul3A_473 : f32 to vector<1432x256xf32>
    %mul3A_475 = arith.mulf %mul3A_474, %integer_pow3A_472 : vector<1432x256xf32>
    %add3A_476 = arith.addf %add3A_470, %mul3A_475 : vector<1432x256xf32>
    %mul3A_477 = arith.constant 0.797884583 : f32
    %mul3A_478 = vector.broadcast %mul3A_477 : f32 to vector<1432x256xf32>
    %mul3A_479 = arith.mulf %mul3A_478, %add3A_476 : vector<1432x256xf32>
    %tanh3A_480 = math.tanh %mul3A_479 : vector<1432x256xf32>
    %add3A_481 = arith.constant 1.000000e+00 : f32
    %add3A_482 = vector.broadcast %add3A_481 : f32 to vector<1432x256xf32>
    %add3A_483 = arith.addf %add3A_482, %tanh3A_480 : vector<1432x256xf32>
    %mul3A_484 = arith.constant 5.000000e-01 : f32
    %mul3A_485 = vector.broadcast %mul3A_484 : f32 to vector<1432x256xf32>
    %mul3A_486 = arith.mulf %mul3A_485, %add3A_483 : vector<1432x256xf32>
    %mul3A_487 = arith.mulf %add3A_470, %mul3A_486 : vector<1432x256xf32>
    %iota3A_488 = tpu.iota {dimensions = array<i32: 1>} : vector<1x256xi32>
    %mul3A_489 = arith.constant 4 : i32
    %mul3A_490 = vector.broadcast %mul3A_489 : i32 to vector<1432x1xi32>
    %mul3A_491 = arith.muli %select_n3A_417, %mul3A_490 : vector<1432x1xi32>
    %lt3A_492 = vector.broadcast %iota3A_488 : vector<1x256xi32> to vector<1432x256xi32>
    %lt3A_493 = vector.broadcast %mul3A_491 : vector<1432x1xi32> to vector<1432x256xi32>
    %lt3A_494 = arith.cmpi slt, %lt3A_492, %lt3A_493 : vector<1432x256xi32>
    %jit3A_495 = arith.constant 0.000000e+00 : f32
    %broadcast_in_dim3A_496 = vector.broadcast %jit3A_495 : f32 to vector<1432x256xf32>
    %select_n3A_497 = arith.select %lt3A_494, %mul3A_487, %broadcast_in_dim3A_496 : vector<1432x256xi1>, vector<1432x256xf32>
    %convert_element_type3A_498 = arith.truncf %select_n3A_497 : vector<1432x256xf32> to vector<1432x256xbf16>
    %get3A_499 = arith.constant 0 : index
    %get3A_500 = arith.constant 0 : index
    %get3A_501 = vector.load %arg10[%get3A_499, %get3A_500] : memref<4096x1024xbf16, #tpu.memory_space<vmem>>, vector<256x64xbf16>
    %dot_general3A_502 = arith.constant dense<0.000000e+00> : vector<1432x64xf32>
    %dot_general3A_503 = tpu.matmul %convert_element_type3A_498, %get3A_501, %dot_general3A_502 {dimension_numbers = #tpu.dot_dimension_numbers<[1], [0], [0], [1], [0, 0, 1, 1], [], []>, transpose_lhs_hint = false} : vector<1432x256xbf16>, vector<256x64xbf16>, vector<1432x64xf32> -> vector<1432x64xf32>
    %get3A_504 = arith.constant 0 : index
    %get3A_505 = arith.constant 0 : index
    %get3A_506 = vector.load %arg11[%get3A_504, %get3A_505] : memref<1x1024xf32, #tpu.memory_space<vmem>>, vector<1x64xf32>
    %add3A_507 = vector.broadcast %get3A_506 : vector<1x64xf32> to vector<1432x64xf32>
    %add3A_508 = arith.addf %dot_general3A_503, %add3A_507 : vector<1432x64xf32>
    %jit3A_509 = arith.constant 0.000000e+00 : f32
    %broadcast_in_dim3A_510 = vector.broadcast %jit3A_509 : f32 to vector<1432x64xf32>
    %select_n3A_511 = arith.select %lt3A_421, %add3A_508, %broadcast_in_dim3A_510 : vector<1432x64xi1>, vector<1432x64xf32>
    %jit3A_512 = arith.constant 0 : i32
    %convert_element_type3A_513 = arith.sitofp %jit3A_512 : i32 to f32
    %pad3A_514 = vector.broadcast %convert_element_type3A_513 : f32 to vector<1432x960xf32>
    %pad3A_515 = tpu.concatenate %select_n3A_424, %pad3A_514 in 1 : vector<1432x64xf32>, vector<1432x960xf32> -> vector<1432x1024xf32>
    %convert_element_type3A_516 = arith.truncf %pad3A_515 : vector<1432x1024xf32> to vector<1432x1024xbf16>
    %jit3A_517 = arith.constant 0 : i32
    %convert_element_type3A_518 = arith.sitofp %jit3A_517 : i32 to f32
    %pad3A_519 = vector.broadcast %convert_element_type3A_518 : f32 to vector<1432x960xf32>
    %pad3A_520 = tpu.concatenate %select_n3A_511, %pad3A_519 in 1 : vector<1432x64xf32>, vector<1432x960xf32> -> vector<1432x1024xf32>
    %convert_element_type3A_521 = arith.truncf %pad3A_520 : vector<1432x1024xf32> to vector<1432x1024xbf16>
    %concatenate3A_522 = tpu.concatenate %convert_element_type3A_78, %convert_element_type3A_170, %convert_element_type3A_267, %convert_element_type3A_364, %convert_element_type3A_516 in 0 : vector<106x1024xbf16>, vector<143x1024xbf16>, vector<163x1024xbf16>, vector<204x1024xbf16>, vector<1432x1024xbf16> -> vector<2048x1024xbf16>
    %concatenate3A_523 = tpu.concatenate %convert_element_type3A_81, %convert_element_type3A_175, %convert_element_type3A_272, %convert_element_type3A_369, %convert_element_type3A_521 in 0 : vector<106x1024xbf16>, vector<143x1024xbf16>, vector<163x1024xbf16>, vector<204x1024xbf16>, vector<1432x1024xbf16> -> vector<2048x1024xbf16>
    %get3A_524 = arith.constant 0 : index
    %get3A_525 = arith.constant 0 : index
    %get3A_526 = vector.load %arg12[%get3A_524, %get3A_525] : memref<1x1xf32, #tpu.memory_space<vmem>>, vector<1x1xf32>
    %get3A_527 = vector.extract %get3A_526[0, 0] : f32 from vector<1x1xf32>
    %get3A_528 = arith.constant 0 : index
    %get3A_529 = arith.constant 0 : index
    %get3A_530 = vector.load %arg2[%get3A_528, %get3A_529] : memref<2048x1xi32, #tpu.memory_space<vmem>>, vector<256x1xi32>
    %iota3A_531 = tpu.iota {dimensions = array<i32: 1>} : vector<1x2048xi32>
    %eq3A = vector.broadcast %get3A_530 : vector<256x1xi32> to vector<256x2048xi32>
    %eq3A_532 = vector.broadcast %iota3A_531 : vector<1x2048xi32> to vector<256x2048xi32>
    %eq3A_533 = arith.cmpi eq, %eq3A, %eq3A_532 : vector<256x2048xi32>
    %convert_element_type3A_534 = arith.extui %eq3A_533 : vector<256x2048xi1> to vector<256x2048xi32>
    %convert_element_type3A_535 = arith.sitofp %convert_element_type3A_534 : vector<256x2048xi32> to vector<256x2048xf32>
    %convert_element_type3A_536 = arith.truncf %convert_element_type3A_535 : vector<256x2048xf32> to vector<256x2048xbf16>
    %dot_general3A_537 = arith.constant dense<0.000000e+00> : vector<256x1024xf32>
    %dot_general3A_538 = tpu.matmul %convert_element_type3A_536, %concatenate3A_522, %dot_general3A_537 {dimension_numbers = #tpu.dot_dimension_numbers<[1], [0], [0], [1], [0, 0, 1, 1], [], []>, transpose_lhs_hint = false} : vector<256x2048xbf16>, vector<2048x1024xbf16>, vector<256x1024xf32> -> vector<256x1024xf32>
    %dot_general3A_539 = arith.constant dense<0.000000e+00> : vector<256x1024xf32>
    %dot_general3A_540 = tpu.matmul %convert_element_type3A_536, %concatenate3A_523, %dot_general3A_539 {dimension_numbers = #tpu.dot_dimension_numbers<[1], [0], [0], [1], [0, 0, 1, 1], [], []>, transpose_lhs_hint = false} : vector<256x2048xbf16>, vector<2048x1024xbf16>, vector<256x1024xf32> -> vector<256x1024xf32>
    %get3A_541 = arith.constant 0 : index
    %get3A_542 = arith.constant 0 : index
    %get3A_543 = vector.load %arg3[%get3A_541, %get3A_542] : memref<2048x1xf32, #tpu.memory_space<vmem>>, vector<256x1xf32>
    %mul3A_544 = vector.broadcast %get3A_527 : f32 to vector<256x1xf32>
    %mul3A_545 = arith.mulf %mul3A_544, %get3A_543 : vector<256x1xf32>
    %add3A_546 = arith.constant 1.000000e+00 : f32
    %add3A_547 = vector.broadcast %add3A_546 : f32 to vector<256x1xf32>
    %add3A_548 = arith.addf %mul3A_545, %add3A_547 : vector<256x1xf32>
    %get3A_549 = arith.constant 0 : index
    %get3A_550 = arith.constant 0 : index
    %get3A_551 = vector.load %arg0[%get3A_549, %get3A_550] : memref<2048x1024xf32, #tpu.memory_space<vmem>>, vector<256x1024xf32>
    %add3A_552 = arith.addf %get3A_551, %dot_general3A_538 : vector<256x1024xf32>
    %mul3A_553 = vector.broadcast %add3A_548 : vector<256x1xf32> to vector<256x1024xf32>
    %mul3A_554 = arith.mulf %mul3A_553, %dot_general3A_540 : vector<256x1024xf32>
    %add3A_555 = arith.addf %add3A_552, %mul3A_554 : vector<256x1024xf32>
    %swap3A = arith.constant 0 : index
    %swap3A_556 = arith.constant 0 : index
    %swap3A_557 = vector.load %arg18[%swap3A, %swap3A_556] : memref<2048x1024xf32, #tpu.memory_space<vmem>>, vector<256x1024xf32>
    tpu.vector_store %arg18[%swap3A, %swap3A_556], %add3A_555 {strides = array<i32>} : memref<2048x1024xf32, #tpu.memory_space<vmem>>, vector<256x1024xf32>,
    %get3A_558 = arith.constant 256 : index
    %get3A_559 = arith.constant 0 : index
    %get3A_560 = vector.load %arg2[%get3A_558, %get3A_559] : memref<2048x1xi32, #tpu.memory_space<vmem>>, vector<256x1xi32>
    %iota3A_561 = tpu.iota {dimensions = array<i32: 1>} : vector<1x2048xi32>
    %eq3A_562 = vector.broadcast %get3A_560 : vector<256x1xi32> to vector<256x2048xi32>
    %eq3A_563 = vector.broadcast %iota3A_561 : vector<1x2048xi32> to vector<256x2048xi32>
    %eq3A_564 = arith.cmpi eq, %eq3A_562, %eq3A_563 : vector<256x2048xi32>
    %convert_element_type3A_565 = arith.extui %eq3A_564 : vector<256x2048xi1> to vector<256x2048xi32>
    %convert_element_type3A_566 = arith.sitofp %convert_element_type3A_565 : vector<256x2048xi32> to vector<256x2048xf32>
    %convert_element_type3A_567 = arith.truncf %convert_element_type3A_566 : vector<256x2048xf32> to vector<256x2048xbf16>
    %dot_general3A_568 = arith.constant dense<0.000000e+00> : vector<256x1024xf32>
    %dot_general3A_569 = tpu.matmul %convert_element_type3A_567, %concatenate3A_522, %dot_general3A_568 {dimension_numbers = #tpu.dot_dimension_numbers<[1], [0], [0], [1], [0, 0, 1, 1], [], []>, transpose_lhs_hint = false} : vector<256x2048xbf16>, vector<2048x1024xbf16>, vector<256x1024xf32> -> vector<256x1024xf32>
    %dot_general3A_570 = arith.constant dense<0.000000e+00> : vector<256x1024xf32>
    %dot_general3A_571 = tpu.matmul %convert_element_type3A_567, %concatenate3A_523, %dot_general3A_570 {dimension_numbers = #tpu.dot_dimension_numbers<[1], [0], [0], [1], [0, 0, 1, 1], [], []>, transpose_lhs_hint = false} : vector<256x2048xbf16>, vector<2048x1024xbf16>, vector<256x1024xf32> -> vector<256x1024xf32>
    %get3A_572 = arith.constant 256 : index
    %get3A_573 = arith.constant 0 : index
    %get3A_574 = vector.load %arg3[%get3A_572, %get3A_573] : memref<2048x1xf32, #tpu.memory_space<vmem>>, vector<256x1xf32>
    %mul3A_575 = vector.broadcast %get3A_527 : f32 to vector<256x1xf32>
    %mul3A_576 = arith.mulf %mul3A_575, %get3A_574 : vector<256x1xf32>
    %add3A_577 = arith.constant 1.000000e+00 : f32
    %add3A_578 = vector.broadcast %add3A_577 : f32 to vector<256x1xf32>
    %add3A_579 = arith.addf %mul3A_576, %add3A_578 : vector<256x1xf32>
    %get3A_580 = arith.constant 256 : index
    %get3A_581 = arith.constant 0 : index
    %get3A_582 = vector.load %arg0[%get3A_580, %get3A_581] : memref<2048x1024xf32, #tpu.memory_space<vmem>>, vector<256x1024xf32>
    %add3A_583 = arith.addf %get3A_582, %dot_general3A_569 : vector<256x1024xf32>
    %mul3A_584 = vector.broadcast %add3A_579 : vector<256x1xf32> to vector<256x1024xf32>
    %mul3A_585 = arith.mulf %mul3A_584, %dot_general3A_571 : vector<256x1024xf32>
    %add3A_586 = arith.addf %add3A_583, %mul3A_585 : vector<256x1024xf32>
    %swap3A_587 = arith.constant 256 : index
    %swap3A_588 = arith.constant 0 : index
    %swap3A_589 = vector.load %arg18[%swap3A_587, %swap3A_588] : memref<2048x1024xf32, #tpu.memory_space<vmem>>, vector<256x1024xf32>
    tpu.vector_store %arg18[%swap3A_587, %swap3A_588], %add3A_586 {strides = array<i32>} : memref<2048x1024xf32, #tpu.memory_space<vmem>>, vector<256x1024xf32>,
    %get3A_590 = arith.constant 512 : index
    %get3A_591 = arith.constant 0 : index
    %get3A_592 = vector.load %arg2[%get3A_590, %get3A_591] : memref<2048x1xi32, #tpu.memory_space<vmem>>, vector<256x1xi32>
    %iota3A_593 = tpu.iota {dimensions = array<i32: 1>} : vector<1x2048xi32>
    %eq3A_594 = vector.broadcast %get3A_592 : vector<256x1xi32> to vector<256x2048xi32>
    %eq3A_595 = vector.broadcast %iota3A_593 : vector<1x2048xi32> to vector<256x2048xi32>
    %eq3A_596 = arith.cmpi eq, %eq3A_594, %eq3A_595 : vector<256x2048xi32>
    %convert_element_type3A_597 = arith.extui %eq3A_596 : vector<256x2048xi1> to vector<256x2048xi32>
    %convert_element_type3A_598 = arith.sitofp %convert_element_type3A_597 : vector<256x2048xi32> to vector<256x2048xf32>
    %convert_element_type3A_599 = arith.truncf %convert_element_type3A_598 : vector<256x2048xf32> to vector<256x2048xbf16>
    %dot_general3A_600 = arith.constant dense<0.000000e+00> : vector<256x1024xf32>
    %dot_general3A_601 = tpu.matmul %convert_element_type3A_599, %concatenate3A_522, %dot_general3A_600 {dimension_numbers = #tpu.dot_dimension_numbers<[1], [0], [0], [1], [0, 0, 1, 1], [], []>, transpose_lhs_hint = false} : vector<256x2048xbf16>, vector<2048x1024xbf16>, vector<256x1024xf32> -> vector<256x1024xf32>
    %dot_general3A_602 = arith.constant dense<0.000000e+00> : vector<256x1024xf32>
    %dot_general3A_603 = tpu.matmul %convert_element_type3A_599, %concatenate3A_523, %dot_general3A_602 {dimension_numbers = #tpu.dot_dimension_numbers<[1], [0], [0], [1], [0, 0, 1, 1], [], []>, transpose_lhs_hint = false} : vector<256x2048xbf16>, vector<2048x1024xbf16>, vector<256x1024xf32> -> vector<256x1024xf32>
    %get3A_604 = arith.constant 512 : index
    %get3A_605 = arith.constant 0 : index
    %get3A_606 = vector.load %arg3[%get3A_604, %get3A_605] : memref<2048x1xf32, #tpu.memory_space<vmem>>, vector<256x1xf32>
    %mul3A_607 = vector.broadcast %get3A_527 : f32 to vector<256x1xf32>
    %mul3A_608 = arith.mulf %mul3A_607, %get3A_606 : vector<256x1xf32>
    %add3A_609 = arith.constant 1.000000e+00 : f32
    %add3A_610 = vector.broadcast %add3A_609 : f32 to vector<256x1xf32>
    %add3A_611 = arith.addf %mul3A_608, %add3A_610 : vector<256x1xf32>
    %get3A_612 = arith.constant 512 : index
    %get3A_613 = arith.constant 0 : index
    %get3A_614 = vector.load %arg0[%get3A_612, %get3A_613] : memref<2048x1024xf32, #tpu.memory_space<vmem>>, vector<256x1024xf32>
    %add3A_615 = arith.addf %get3A_614, %dot_general3A_601 : vector<256x1024xf32>
    %mul3A_616 = vector.broadcast %add3A_611 : vector<256x1xf32> to vector<256x1024xf32>
    %mul3A_617 = arith.mulf %mul3A_616, %dot_general3A_603 : vector<256x1024xf32>
    %add3A_618 = arith.addf %add3A_615, %mul3A_617 : vector<256x1024xf32>
    %swap3A_619 = arith.constant 512 : index
    %swap3A_620 = arith.constant 0 : index
    %swap3A_621 = vector.load %arg18[%swap3A_619, %swap3A_620] : memref<2048x1024xf32, #tpu.memory_space<vmem>>, vector<256x1024xf32>
    tpu.vector_store %arg18[%swap3A_619, %swap3A_620], %add3A_618 {strides = array<i32>} : memref<2048x1024xf32, #tpu.memory_space<vmem>>, vector<256x1024xf32>,
    %get3A_622 = arith.constant 768 : index
    %get3A_623 = arith.constant 0 : index
    %get3A_624 = vector.load %arg2[%get3A_622, %get3A_623] : memref<2048x1xi32, #tpu.memory_space<vmem>>, vector<256x1xi32>
    %iota3A_625 = tpu.iota {dimensions = array<i32: 1>} : vector<1x2048xi32>
    %eq3A_626 = vector.broadcast %get3A_624 : vector<256x1xi32> to vector<256x2048xi32>
    %eq3A_627 = vector.broadcast %iota3A_625 : vector<1x2048xi32> to vector<256x2048xi32>
    %eq3A_628 = arith.cmpi eq, %eq3A_626, %eq3A_627 : vector<256x2048xi32>
    %convert_element_type3A_629 = arith.extui %eq3A_628 : vector<256x2048xi1> to vector<256x2048xi32>
    %convert_element_type3A_630 = arith.sitofp %convert_element_type3A_629 : vector<256x2048xi32> to vector<256x2048xf32>
    %convert_element_type3A_631 = arith.truncf %convert_element_type3A_630 : vector<256x2048xf32> to vector<256x2048xbf16>
    %dot_general3A_632 = arith.constant dense<0.000000e+00> : vector<256x1024xf32>
    %dot_general3A_633 = tpu.matmul %convert_element_type3A_631, %concatenate3A_522, %dot_general3A_632 {dimension_numbers = #tpu.dot_dimension_numbers<[1], [0], [0], [1], [0, 0, 1, 1], [], []>, transpose_lhs_hint = false} : vector<256x2048xbf16>, vector<2048x1024xbf16>, vector<256x1024xf32> -> vector<256x1024xf32>
    %dot_general3A_634 = arith.constant dense<0.000000e+00> : vector<256x1024xf32>
    %dot_general3A_635 = tpu.matmul %convert_element_type3A_631, %concatenate3A_523, %dot_general3A_634 {dimension_numbers = #tpu.dot_dimension_numbers<[1], [0], [0], [1], [0, 0, 1, 1], [], []>, transpose_lhs_hint = false} : vector<256x2048xbf16>, vector<2048x1024xbf16>, vector<256x1024xf32> -> vector<256x1024xf32>
    %get3A_636 = arith.constant 768 : index
    %get3A_637 = arith.constant 0 : index
    %get3A_638 = vector.load %arg3[%get3A_636, %get3A_637] : memref<2048x1xf32, #tpu.memory_space<vmem>>, vector<256x1xf32>
    %mul3A_639 = vector.broadcast %get3A_527 : f32 to vector<256x1xf32>
    %mul3A_640 = arith.mulf %mul3A_639, %get3A_638 : vector<256x1xf32>
    %add3A_641 = arith.constant 1.000000e+00 : f32
    %add3A_642 = vector.broadcast %add3A_641 : f32 to vector<256x1xf32>
    %add3A_643 = arith.addf %mul3A_640, %add3A_642 : vector<256x1xf32>
    %get3A_644 = arith.constant 768 : index
    %get3A_645 = arith.constant 0 : index
    %get3A_646 = vector.load %arg0[%get3A_644, %get3A_645] : memref<2048x1024xf32, #tpu.memory_space<vmem>>, vector<256x1024xf32>
    %add3A_647 = arith.addf %get3A_646, %dot_general3A_633 : vector<256x1024xf32>
    %mul3A_648 = vector.broadcast %add3A_643 : vector<256x1xf32> to vector<256x1024xf32>
    %mul3A_649 = arith.mulf %mul3A_648, %dot_general3A_635 : vector<256x1024xf32>
    %add3A_650 = arith.addf %add3A_647, %mul3A_649 : vector<256x1024xf32>
    %swap3A_651 = arith.constant 768 : index
    %swap3A_652 = arith.constant 0 : index
    %swap3A_653 = vector.load %arg18[%swap3A_651, %swap3A_652] : memref<2048x1024xf32, #tpu.memory_space<vmem>>, vector<256x1024xf32>
    tpu.vector_store %arg18[%swap3A_651, %swap3A_652], %add3A_650 {strides = array<i32>} : memref<2048x1024xf32, #tpu.memory_space<vmem>>, vector<256x1024xf32>,
    %get3A_654 = arith.constant 1024 : index
    %get3A_655 = arith.constant 0 : index
    %get3A_656 = vector.load %arg2[%get3A_654, %get3A_655] : memref<2048x1xi32, #tpu.memory_space<vmem>>, vector<256x1xi32>
    %iota3A_657 = tpu.iota {dimensions = array<i32: 1>} : vector<1x2048xi32>
    %eq3A_658 = vector.broadcast %get3A_656 : vector<256x1xi32> to vector<256x2048xi32>
    %eq3A_659 = vector.broadcast %iota3A_657 : vector<1x2048xi32> to vector<256x2048xi32>
    %eq3A_660 = arith.cmpi eq, %eq3A_658, %eq3A_659 : vector<256x2048xi32>
    %convert_element_type3A_661 = arith.extui %eq3A_660 : vector<256x2048xi1> to vector<256x2048xi32>
    %convert_element_type3A_662 = arith.sitofp %convert_element_type3A_661 : vector<256x2048xi32> to vector<256x2048xf32>
    %convert_element_type3A_663 = arith.truncf %convert_element_type3A_662 : vector<256x2048xf32> to vector<256x2048xbf16>
    %dot_general3A_664 = arith.constant dense<0.000000e+00> : vector<256x1024xf32>
    %dot_general3A_665 = tpu.matmul %convert_element_type3A_663, %concatenate3A_522, %dot_general3A_664 {dimension_numbers = #tpu.dot_dimension_numbers<[1], [0], [0], [1], [0, 0, 1, 1], [], []>, transpose_lhs_hint = false} : vector<256x2048xbf16>, vector<2048x1024xbf16>, vector<256x1024xf32> -> vector<256x1024xf32>
    %dot_general3A_666 = arith.constant dense<0.000000e+00> : vector<256x1024xf32>
    %dot_general3A_667 = tpu.matmul %convert_element_type3A_663, %concatenate3A_523, %dot_general3A_666 {dimension_numbers = #tpu.dot_dimension_numbers<[1], [0], [0], [1], [0, 0, 1, 1], [], []>, transpose_lhs_hint = false} : vector<256x2048xbf16>, vector<2048x1024xbf16>, vector<256x1024xf32> -> vector<256x1024xf32>
    %get3A_668 = arith.constant 1024 : index
    %get3A_669 = arith.constant 0 : index
    %get3A_670 = vector.load %arg3[%get3A_668, %get3A_669] : memref<2048x1xf32, #tpu.memory_space<vmem>>, vector<256x1xf32>
    %mul3A_671 = vector.broadcast %get3A_527 : f32 to vector<256x1xf32>
    %mul3A_672 = arith.mulf %mul3A_671, %get3A_670 : vector<256x1xf32>
    %add3A_673 = arith.constant 1.000000e+00 : f32
    %add3A_674 = vector.broadcast %add3A_673 : f32 to vector<256x1xf32>
    %add3A_675 = arith.addf %mul3A_672, %add3A_674 : vector<256x1xf32>
    %get3A_676 = arith.constant 1024 : index
    %get3A_677 = arith.constant 0 : index
    %get3A_678 = vector.load %arg0[%get3A_676, %get3A_677] : memref<2048x1024xf32, #tpu.memory_space<vmem>>, vector<256x1024xf32>
    %add3A_679 = arith.addf %get3A_678, %dot_general3A_665 : vector<256x1024xf32>
    %mul3A_680 = vector.broadcast %add3A_675 : vector<256x1xf32> to vector<256x1024xf32>
    %mul3A_681 = arith.mulf %mul3A_680, %dot_general3A_667 : vector<256x1024xf32>
    %add3A_682 = arith.addf %add3A_679, %mul3A_681 : vector<256x1024xf32>
    %swap3A_683 = arith.constant 1024 : index
    %swap3A_684 = arith.constant 0 : index
    %swap3A_685 = vector.load %arg18[%swap3A_683, %swap3A_684] : memref<2048x1024xf32, #tpu.memory_space<vmem>>, vector<256x1024xf32>
    tpu.vector_store %arg18[%swap3A_683, %swap3A_684], %add3A_682 {strides = array<i32>} : memref<2048x1024xf32, #tpu.memory_space<vmem>>, vector<256x1024xf32>,
    %get3A_686 = arith.constant 1280 : index
    %get3A_687 = arith.constant 0 : index
    %get3A_688 = vector.load %arg2[%get3A_686, %get3A_687] : memref<2048x1xi32, #tpu.memory_space<vmem>>, vector<256x1xi32>
    %iota3A_689 = tpu.iota {dimensions = array<i32: 1>} : vector<1x2048xi32>
    %eq3A_690 = vector.broadcast %get3A_688 : vector<256x1xi32> to vector<256x2048xi32>
    %eq3A_691 = vector.broadcast %iota3A_689 : vector<1x2048xi32> to vector<256x2048xi32>
    %eq3A_692 = arith.cmpi eq, %eq3A_690, %eq3A_691 : vector<256x2048xi32>
    %convert_element_type3A_693 = arith.extui %eq3A_692 : vector<256x2048xi1> to vector<256x2048xi32>
    %convert_element_type3A_694 = arith.sitofp %convert_element_type3A_693 : vector<256x2048xi32> to vector<256x2048xf32>
    %convert_element_type3A_695 = arith.truncf %convert_element_type3A_694 : vector<256x2048xf32> to vector<256x2048xbf16>
    %dot_general3A_696 = arith.constant dense<0.000000e+00> : vector<256x1024xf32>
    %dot_general3A_697 = tpu.matmul %convert_element_type3A_695, %concatenate3A_522, %dot_general3A_696 {dimension_numbers = #tpu.dot_dimension_numbers<[1], [0], [0], [1], [0, 0, 1, 1], [], []>, transpose_lhs_hint = false} : vector<256x2048xbf16>, vector<2048x1024xbf16>, vector<256x1024xf32> -> vector<256x1024xf32>
    %dot_general3A_698 = arith.constant dense<0.000000e+00> : vector<256x1024xf32>
    %dot_general3A_699 = tpu.matmul %convert_element_type3A_695, %concatenate3A_523, %dot_general3A_698 {dimension_numbers = #tpu.dot_dimension_numbers<[1], [0], [0], [1], [0, 0, 1, 1], [], []>, transpose_lhs_hint = false} : vector<256x2048xbf16>, vector<2048x1024xbf16>, vector<256x1024xf32> -> vector<256x1024xf32>
    %get3A_700 = arith.constant 1280 : index
    %get3A_701 = arith.constant 0 : index
    %get3A_702 = vector.load %arg3[%get3A_700, %get3A_701] : memref<2048x1xf32, #tpu.memory_space<vmem>>, vector<256x1xf32>
    %mul3A_703 = vector.broadcast %get3A_527 : f32 to vector<256x1xf32>
    %mul3A_704 = arith.mulf %mul3A_703, %get3A_702 : vector<256x1xf32>
    %add3A_705 = arith.constant 1.000000e+00 : f32
    %add3A_706 = vector.broadcast %add3A_705 : f32 to vector<256x1xf32>
    %add3A_707 = arith.addf %mul3A_704, %add3A_706 : vector<256x1xf32>
    %get3A_708 = arith.constant 1280 : index
    %get3A_709 = arith.constant 0 : index
    %get3A_710 = vector.load %arg0[%get3A_708, %get3A_709] : memref<2048x1024xf32, #tpu.memory_space<vmem>>, vector<256x1024xf32>
    %add3A_711 = arith.addf %get3A_710, %dot_general3A_697 : vector<256x1024xf32>
    %mul3A_712 = vector.broadcast %add3A_707 : vector<256x1xf32> to vector<256x1024xf32>
    %mul3A_713 = arith.mulf %mul3A_712, %dot_general3A_699 : vector<256x1024xf32>
    %add3A_714 = arith.addf %add3A_711, %mul3A_713 : vector<256x1024xf32>
    %swap3A_715 = arith.constant 1280 : index
    %swap3A_716 = arith.constant 0 : index
    %swap3A_717 = vector.load %arg18[%swap3A_715, %swap3A_716] : memref<2048x1024xf32, #tpu.memory_space<vmem>>, vector<256x1024xf32>
    tpu.vector_store %arg18[%swap3A_715, %swap3A_716], %add3A_714 {strides = array<i32>} : memref<2048x1024xf32, #tpu.memory_space<vmem>>, vector<256x1024xf32>,
    %get3A_718 = arith.constant 1536 : index
    %get3A_719 = arith.constant 0 : index
    %get3A_720 = vector.load %arg2[%get3A_718, %get3A_719] : memref<2048x1xi32, #tpu.memory_space<vmem>>, vector<256x1xi32>
    %iota3A_721 = tpu.iota {dimensions = array<i32: 1>} : vector<1x2048xi32>
    %eq3A_722 = vector.broadcast %get3A_720 : vector<256x1xi32> to vector<256x2048xi32>
    %eq3A_723 = vector.broadcast %iota3A_721 : vector<1x2048xi32> to vector<256x2048xi32>
    %eq3A_724 = arith.cmpi eq, %eq3A_722, %eq3A_723 : vector<256x2048xi32>
    %convert_element_type3A_725 = arith.extui %eq3A_724 : vector<256x2048xi1> to vector<256x2048xi32>
    %convert_element_type3A_726 = arith.sitofp %convert_element_type3A_725 : vector<256x2048xi32> to vector<256x2048xf32>
    %convert_element_type3A_727 = arith.truncf %convert_element_type3A_726 : vector<256x2048xf32> to vector<256x2048xbf16>
    %dot_general3A_728 = arith.constant dense<0.000000e+00> : vector<256x1024xf32>
    %dot_general3A_729 = tpu.matmul %convert_element_type3A_727, %concatenate3A_522, %dot_general3A_728 {dimension_numbers = #tpu.dot_dimension_numbers<[1], [0], [0], [1], [0, 0, 1, 1], [], []>, transpose_lhs_hint = false} : vector<256x2048xbf16>, vector<2048x1024xbf16>, vector<256x1024xf32> -> vector<256x1024xf32>
    %dot_general3A_730 = arith.constant dense<0.000000e+00> : vector<256x1024xf32>
    %dot_general3A_731 = tpu.matmul %convert_element_type3A_727, %concatenate3A_523, %dot_general3A_730 {dimension_numbers = #tpu.dot_dimension_numbers<[1], [0], [0], [1], [0, 0, 1, 1], [], []>, transpose_lhs_hint = false} : vector<256x2048xbf16>, vector<2048x1024xbf16>, vector<256x1024xf32> -> vector<256x1024xf32>
    %get3A_732 = arith.constant 1536 : index
    %get3A_733 = arith.constant 0 : index
    %get3A_734 = vector.load %arg3[%get3A_732, %get3A_733] : memref<2048x1xf32, #tpu.memory_space<vmem>>, vector<256x1xf32>
    %mul3A_735 = vector.broadcast %get3A_527 : f32 to vector<256x1xf32>
    %mul3A_736 = arith.mulf %mul3A_735, %get3A_734 : vector<256x1xf32>
    %add3A_737 = arith.constant 1.000000e+00 : f32
    %add3A_738 = vector.broadcast %add3A_737 : f32 to vector<256x1xf32>
    %add3A_739 = arith.addf %mul3A_736, %add3A_738 : vector<256x1xf32>
    %get3A_740 = arith.constant 1536 : index
    %get3A_741 = arith.constant 0 : index
    %get3A_742 = vector.load %arg0[%get3A_740, %get3A_741] : memref<2048x1024xf32, #tpu.memory_space<vmem>>, vector<256x1024xf32>
    %add3A_743 = arith.addf %get3A_742, %dot_general3A_729 : vector<256x1024xf32>
    %mul3A_744 = vector.broadcast %add3A_739 : vector<256x1xf32> to vector<256x1024xf32>
    %mul3A_745 = arith.mulf %mul3A_744, %dot_general3A_731 : vector<256x1024xf32>
    %add3A_746 = arith.addf %add3A_743, %mul3A_745 : vector<256x1024xf32>
    %swap3A_747 = arith.constant 1536 : index
    %swap3A_748 = arith.constant 0 : index
    %swap3A_749 = vector.load %arg18[%swap3A_747, %swap3A_748] : memref<2048x1024xf32, #tpu.memory_space<vmem>>, vector<256x1024xf32>
    tpu.vector_store %arg18[%swap3A_747, %swap3A_748], %add3A_746 {strides = array<i32>} : memref<2048x1024xf32, #tpu.memory_space<vmem>>, vector<256x1024xf32>,
    %get3A_750 = arith.constant 1792 : index
    %get3A_751 = arith.constant 0 : index
    %get3A_752 = vector.load %arg2[%get3A_750, %get3A_751] : memref<2048x1xi32, #tpu.memory_space<vmem>>, vector<256x1xi32>
    %iota3A_753 = tpu.iota {dimensions = array<i32: 1>} : vector<1x2048xi32>
    %eq3A_754 = vector.broadcast %get3A_752 : vector<256x1xi32> to vector<256x2048xi32>
    %eq3A_755 = vector.broadcast %iota3A_753 : vector<1x2048xi32> to vector<256x2048xi32>
    %eq3A_756 = arith.cmpi eq, %eq3A_754, %eq3A_755 : vector<256x2048xi32>
    %convert_element_type3A_757 = arith.extui %eq3A_756 : vector<256x2048xi1> to vector<256x2048xi32>
    %convert_element_type3A_758 = arith.sitofp %convert_element_type3A_757 : vector<256x2048xi32> to vector<256x2048xf32>
    %convert_element_type3A_759 = arith.truncf %convert_element_type3A_758 : vector<256x2048xf32> to vector<256x2048xbf16>
    %dot_general3A_760 = arith.constant dense<0.000000e+00> : vector<256x1024xf32>
    %dot_general3A_761 = tpu.matmul %convert_element_type3A_759, %concatenate3A_522, %dot_general3A_760 {dimension_numbers = #tpu.dot_dimension_numbers<[1], [0], [0], [1], [0, 0, 1, 1], [], []>, transpose_lhs_hint = false} : vector<256x2048xbf16>, vector<2048x1024xbf16>, vector<256x1024xf32> -> vector<256x1024xf32>
    %dot_general3A_762 = arith.constant dense<0.000000e+00> : vector<256x1024xf32>
    %dot_general3A_763 = tpu.matmul %convert_element_type3A_759, %concatenate3A_523, %dot_general3A_762 {dimension_numbers = #tpu.dot_dimension_numbers<[1], [0], [0], [1], [0, 0, 1, 1], [], []>, transpose_lhs_hint = false} : vector<256x2048xbf16>, vector<2048x1024xbf16>, vector<256x1024xf32> -> vector<256x1024xf32>
    %get3A_764 = arith.constant 1792 : index
    %get3A_765 = arith.constant 0 : index
    %get3A_766 = vector.load %arg3[%get3A_764, %get3A_765] : memref<2048x1xf32, #tpu.memory_space<vmem>>, vector<256x1xf32>
    %mul3A_767 = vector.broadcast %get3A_527 : f32 to vector<256x1xf32>
    %mul3A_768 = arith.mulf %mul3A_767, %get3A_766 : vector<256x1xf32>
    %add3A_769 = arith.constant 1.000000e+00 : f32
    %add3A_770 = vector.broadcast %add3A_769 : f32 to vector<256x1xf32>
    %add3A_771 = arith.addf %mul3A_768, %add3A_770 : vector<256x1xf32>
    %get3A_772 = arith.constant 1792 : index
    %get3A_773 = arith.constant 0 : index
    %get3A_774 = vector.load %arg0[%get3A_772, %get3A_773] : memref<2048x1024xf32, #tpu.memory_space<vmem>>, vector<256x1024xf32>
    %add3A_775 = arith.addf %get3A_774, %dot_general3A_761 : vector<256x1024xf32>
    %mul3A_776 = vector.broadcast %add3A_771 : vector<256x1xf32> to vector<256x1024xf32>
    %mul3A_777 = arith.mulf %mul3A_776, %dot_general3A_763 : vector<256x1024xf32>
    %add3A_778 = arith.addf %add3A_775, %mul3A_777 : vector<256x1024xf32>
    %swap3A_779 = arith.constant 1792 : index
    %swap3A_780 = arith.constant 0 : index
    %swap3A_781 = vector.load %arg18[%swap3A_779, %swap3A_780] : memref<2048x1024xf32, #tpu.memory_space<vmem>>, vector<256x1024xf32>
    tpu.vector_store %arg18[%swap3A_779, %swap3A_780], %add3A_778 {strides = array<i32>} : memref<2048x1024xf32, #tpu.memory_space<vmem>>, vector<256x1024xf32>,
    return
  }
}

</mosaic_0001>

<sc_bundles>
// kernel: kernel.6.cloned.1.call-start
scs
__scs_entry_jumppad:
0x0: {  	(pc) =	sbr.rel $0x88, $3  }
0x1: {  	(tag) =	ssettag $0x0;
	lr =	simm.s32 $0x1  }
0x2: {  	[smem:$0x3F92] =	sst lr;
	_ =	strace $0xD0000000  }
0x3: {  	_ = 	snop  }
0x4: {  	_ = 	snop  }
0x5: {  	_ = 	snop  }
0x6: {  	_ = 	snop  }
0x7: {  	_ = 	snop  }
__scs_overlays_trampoline_lowered:
0x8: {  	[smem:$0x3FA1] =	sst s0  }
0x9: {  	[smem:$0x3FA2] =	sst s1  }
0xa: {  	[smem:$0x3FA3] =	sst s2  }
0xb: {  	[smem:$0x3FA4] =	sst s3  }
0xc: {  	[smem:$0x3FA5] =	sst s4  }
0xd: {  	[smem:$0x3FA6] =	sst s5  }
0xe: {  	[smem:$0x3FA7] =	sst s6  }
0xf: {  	[smem:$0x3FA8] =	sst s7  }
0x10: {  	[smem:$0x3FA9] =	sst s8  }
0x11: {  	[smem:$0x3FAA] =	sst s9;
	s0 =	simm.s32 @!p0 $0x0  }
0x12: {  	s1 =	sld [smem:$0x3F90];
	s0 =	simm.s32 @p0 $0x1  }
0x13: {  	[smem:$0x3FAB] =	sst s0;
	s0 =	simm.s32 @!p1 $0x0  }
0x14: {  	s2 =	sld [smem:$0x3F8F];
	s0 =	simm.s32 @p1 $0x1  }
0x15: {  	[smem:$0x3FAC] =	sst s0;
	s0 =	simm.s32 @!p2 $0x0  }
0x16: {  	s3 =	sld [smem:$0x3FDB];
	s0 =	simm.s32 @p2 $0x1  }
0x17: {  	s4 =	simm.s32 $0x1BF5;
	[smem:$0x3FAE] =	sst s0  }
0x18: {  	s0 =	sld [smem:$0x3F91];
	_ =	swait.ge [sflag:s4], $0x0  }
0x19: {  	s7 =	sld [smem:$0x3F92]  }
0x1a: {  	s8 =	sadd.s32 $0xFFFFE003, lr  }
0x1b: {  	s9 =	sadd.s32 $0xFFFFFEF7, lr;
	s5 =	simm.s32 $0xFFFFFFFF;
	p2 =	slt.u32 s8, $0xFFFFF086  }
0x1c: {  	p1 =	slt.u32 s9, $0xF7A;
	s5 =	simm.s32 @!p2 $0x0  }
0x1d: {  	s5 =	simm.s32 @p1 $0x1;
	p0 =	seq.s32 s7, s2  }
0x1e: {  	s7 =	smul.u32 @!p0 $0xF7A, s2;
	p2 =	seq.s32 @!p0 s5, $0x0  }
0x1f: {  	s9 =	smul.u32 $0xF7A, s1;
	s8 =	simm.s32 @!p0 $0x1BF5;
	p2 =	por !p2, p0  }
0x20: {  	[sflag:s8] =	ssyncset.s32 @!p0 $0xFFFFF086;
	s6 =	sadd.s32 @!p0 s3, s7;
	s7 =	simm.s32 @!p0 $0x108  }
0x21: {  	s3 =	sadd.s32 s3, s9;
	s6 =	sadd.s32 @!p0 $0x88, s6;
	s7 =	simm.s32 @p2 $0x1082  }
0x22: {  	[simem:s7], [sflag:s8] =	dma.local @!p0 [hbm:s6], $0xF7A  }
0x23: {  	s9 =	sor.u32 $0xD0000000, s2;
	s6 =	simm.s32 $0x108;
	_ =	swait.ge @!p0 [sflag:s8], $0x0  }
0x24: {  	s3 =	sadd.s32 $0x88, s3;
	s6 =	simm.s32 @!p1 $0x1082;
	[sflag:s4] =	ssyncset.s32 $0xFFFFF086  }
0x25: {  	[simem:s6], [sflag:s4] =	dma.local [hbm:s3], $0xF7A  }
0x26: {  	[smem:$0x3F92] =	sst s1;
	(tag) =	ssettag s2;
	_ =	strace s9  }
0x27: {  	s1 =	sld [smem:$0x3FA2]  }
0x28: {  	s2 =	sld [smem:$0x3FA3]  }
0x29: {  	s4 =	sld [smem:$0x3FA5]  }
0x2a: {  	p0 =	seq.s32 s5, $0x0;
	s5 =	sld [smem:$0x3FA6]  }
0x2b: {  	s6 =	sld [smem:$0x3FA7]  }
0x2c: {  	s7 =	sld [smem:$0x3FA8]  }
0x2d: {  	s3 =	simm.s32 $0x108;
	s8 =	sld [smem:$0x3FA9]  }
0x2e: {  	s3 =	simm.s32 @!p0 $0x1082;
	s9 =	sld [smem:$0x3FAA]  }
0x2f: {  	lr =	sadd.s32 s0, s3;
	s0 =	sld [smem:$0x3FA1]  }
0x30: {  	s3 =	sld [smem:$0x3FA4]  }
0x31: {  	[smem:$0x3FAD] =	sst s10  }
0x32: {  	s10 =	sld [smem:$0x3FAB];
	_ =	sdelay $0x3  }
0x33: {  	p0 =	seq.s32 s10, $0x1;
	s10 =	sld [smem:$0x3FAD];
	_ =	sdelay $0x3  }
0x34: {  	[smem:$0x3FAD] =	sst s10  }
0x35: {  	s10 =	sld [smem:$0x3FAC];
	_ =	sdelay $0x3  }
0x36: {  	p1 =	seq.s32 s10, $0x1;
	s10 =	sld [smem:$0x3FAD];
	_ =	sdelay $0x3  }
0x37: {  	[smem:$0x3FAD] =	sst s10  }
0x38: {  	s10 =	sld [smem:$0x3FAE]  }
0x39: {  	_ = 	snop;
	(pc) =	sbr.ind lr, $3  }
0x3a: {  	_ = 	snop  }
0x3b: {  	_ = 	snop  }
0x3c: {  	p2 =	seq.s32 s10, $0x1;
	s10 =	sld [smem:$0x3FAD]  }
0x3d: {  	_ =	shalt  }
0x3e: {  	_ =	shalt  }
0x3f: {  	_ =	shalt  }
0x40: {  	_ =	shalt  }
0x41: {  	_ =	shalt  }
0x42: {  	_ =	shalt  }
0x43: {  	_ =	shalt  }
0x44: {  	_ =	shalt  }
0x45: {  	_ =	shalt  }
0x46: {  	_ =	shalt  }
0x47: {  	_ =	shalt  }
0x48: {  	_ =	shalt  }
0x49: {  	_ =	shalt  }
0x4a: {  	_ =	shalt  }
0x4b: {  	_ =	shalt  }
0x4c: {  	_ =	shalt  }
0x4d: {  	_ =	shalt  }
0x4e: {  	_ =	shalt  }
0x4f: {  	_ =	shalt  }
0x50: {  	_ =	shalt  }
0x51: {  	_ =	shalt  }
0x52: {  	_ =	shalt  }
0x53: {  	_ =	shalt  }
0x54: {  	_ =	shalt  }
0x55: {  	_ =	shalt  }
0x56: {  	_ =	shalt  }
0x57: {  	_ =	shalt  }
0x58: {  	_ =	shalt  }
0x59: {  	_ =	shalt  }
0x5a: {  	_ =	shalt  }
0x5b: {  	_ =	shalt  }
0x5c: {  	_ =	shalt  }
0x5d: {  	_ =	shalt  }
0x5e: {  	_ =	shalt  }
0x5f: {  	_ =	shalt  }
0x60: {  	_ =	shalt  }
0x61: {  	_ =	shalt  }
0x62: {  	_ =	shalt  }
0x63: {  	_ =	shalt  }
0x64: {  	_ =	shalt  }
0x65: {  	_ =	shalt  }
0x66: {  	_ =	shalt  }
0x67: {  	_ =	shalt  }
0x68: {  	_ =	shalt  }
0x69: {  	_ =	shalt  }
0x6a: {  	_ =	shalt  }
0x6b: {  	_ =	shalt  }
0x6c: {  	_ =	shalt  }
0x6d: {  	_ =	shalt  }
0x6e: {  	_ =	shalt  }
0x6f: {  	_ =	shalt  }
0x70: {  	_ =	shalt  }
0x71: {  	_ =	shalt  }
0x72: {  	_ =	shalt  }
0x73: {  	_ =	shalt  }
0x74: {  	_ =	shalt  }
0x75: {  	_ =	shalt  }
0x76: {  	_ =	shalt  }
0x77: {  	_ =	shalt  }
0x78: {  	_ =	shalt  }
0x79: {  	_ =	shalt  }
0x7a: {  	_ =	shalt  }
0x7b: {  	_ =	shalt  }
0x7c: {  	_ =	shalt  }
0x7d: {  	_ =	shalt  }
0x7e: {  	_ =	shalt  }
0x7f: {  	_ =	shalt  }
0x80: {  	_ =	shalt  }
0x81: {  	_ =	shalt  }
0x82: {  	_ =	shalt  }
0x83: {  	_ =	shalt  }
0x84: {  	_ =	shalt  }
0x85: {  	_ =	shalt  }
0x86: {  	_ =	shalt  }
0x87: {  	_ =	shalt  }
.Lfunc_end0:
.L_simem_size_0:
called_computation_lowered:
.L_overlay_start_0:
0x88: {  	s2 =	sld [smem:$0x3FD9]  }
0x89: {  	s3 =	sld [smem:$0x3FFE];
	_ =	sdelay $0x1  }
0x8a: {  	s1 =	srdreg.scid  }
0x8b: {  	s0 =	sand.u32 $0x1, s1  }
0x8c: {  	s17 =	sshll.u32 s0, $0xA;
	s2 =	sadd.s32 s3, s2  }
0x8d: {  	s2 =	sadd.s32 s2, s17  }
0x8e: {  	[smem:$0x3FB9] =	sst s2  }
0x8f: {  	_ = 	snop  }
0x90: {  	s2 =	sld [smem:$0x3FC9]  }
0x91: {  	s18 =	sld [smem:$0x3FD0];
	(tm) =	ssettm $0x1  }
0x92: {  	s4 =	sld [smem:$0x3FFB];
	_ =	sdelay $0x3  }
0x93: {  	_ =	strace s4  }
0x94: {  	s4 =	sld [smem:$0x3FFC];
	_ =	sdelay $0x3  }
0x95: {  	_ =	strace s4  }
0x96: {  	s4 =	sld [smem:$0x3FFD];
	_ =	sdelay $0x3  }
0x97: {  	_ =	strace s4  }
0x98: {  	_ =	strace $0x8FFFFFFF  }
0x99: {  	s19 =	sld [smem:$0x3FDB];
	_ =	sdelay $0x1  }
0x9a: {  	s5 =	simm.s32 $_scs_section_size  }
0x9b: {  	s6 =	simm.s32 $_size__tile_overlayer_lowered;
	s7 =	simm.s32 $_tile_overlayer_lowered  }
0x9c: {  	s22 =	simm.s32 $0x1BFF;
	s21 =	sshll.u32 s7, $0x1;
	s4 =	sadd.s32 s5, s19  }
0x9d: {  	s8 =	simm.s32 $0x0;
	s20 =	sshll.u32 s6, $0x1;
	s6 =	sadd.s32 s21, s4  }
0x9e: {  	[timem:s8], [sflag:s22] =	dma.local [hbm:s6], s20  }
0x9f: {  	_ =	swait.ge [sflag:s22], s20  }
0xa0: {  	s5 =	ssub.s32 $0x0, s20;
	[sflag:s22] =	ssyncset.done $0x0  }
0xa1: {  	[sflag:s22] =	ssyncadd.s32 s5;
	_ =	sdelay $0x1  }
0xa2: {  	s23 =	simm.s32 $0x1B8B  }
0xa3: {  	_ =	swait.ge [sflag:s23], $0x1  }
0xa4: {  	[sflag:s23] =	ssyncset.done $0x0  }
0xa5: {  	s25 =	simm.s32 $0x1B8E;
	s24 =	sld [smem:$0x3FFE];
	[sflag:s23] =	ssyncadd.s32 $0xFFFFFFFF  }
0xa6: {  	s26 =	simm.s32 $execute0_lowered;
	[smem:$0x3FD2] =	sst s25  }
0xa7: {  	s6 =	sshll.u32 s26, $0x1;
	_ =	strace $0x80000046;
	[dreg:$0x1] =	wrdreg $0xFFFFFFFF  }
0xa8: {  	s28 =	simm.s32 $_size_execute0_lowered;
	s4 =	sadd.s32 s4, s6;
	[dreg:$0x0] =	wrdreg $0x0  }
0xa9: {  	s6 =	sshll.u32 s28, $0x1;
	[dreg:$0x2] =	wrdreg s4  }
0xaa: {  	[dreg:$0x3] =	wrdreg s6  }
0xab: {  	[dreg:$0x4] =	wrdreg $0xC0  }
0xac: {  	_ =	task [dreg:s8], $0x5FFFF  }
0xad: {  	[dreg:$0x1] =	wrdreg $0xFFFFFFFF  }
0xae: {  	[dreg:$0x0] =	wrdreg $0x60  }
0xaf: {  	[dreg:$0x2] =	wrdreg s2  }
0xb0: {  	[dreg:$0x3] =	wrdreg s24  }
0xb1: {  	[dreg:$0x4] =	wrdreg s18  }
0xb2: {  	[dreg:$0x5] =	wrdreg $0x9  }
0xb3: {  	_ =	task.clear_ibuf [dreg:s8], $0x6FFFF;
	_ =	strace $0x90000046  }
0xb4: {  	s29 =	simm.s32 $0x9;
	_ =	strace $0x80000048  }
0xb5: {  	_ =	swait.ge [sflag:s29], $0x1  }
0xb6: {  	[sflag:s29] =	ssyncadd.s32 $0xFFFFFFFF  }
0xb7: {  	_ =	strace $0x90000048  }
0xb8: {  	_ =	sfence  }
0xb9: {  	s30 =	sld [smem:$0x0];
	_ =	sdelay $0x2  }
0xba: {  	s31 =	sshll.u32 s1, $0xD;
	s1 =	sshrl.u32 s1, $0x2  }
0xbb: {  	s3 =	sand.u32 $0x4000, s31;
	s1 =	sadd.s32 s1, s30  }
0xbc: {  	s0 =	sor.u32 s3, s0;
	s1 =	sshll.u32 s1, $0x11  }
0xbd: {  	s0 =	sor.u32 s1, s0  }
0xbe: {  	s0 =	sadd.s32 $0x8F2B, s0  }
0xbf: {  	[sflag:s0] =	ssyncadd.remote.s32 $0x1  }
0xc0: {  	_ =	sfence.sel $0xFFFF  }
0xc1: {  	[dreg:$0x0] =	wrdreg $0xFFFFFFFF;
	(pc) =	sbr.abs _section_cstart, $3  }
0xc2: {  	[dreg:$0x1] =	wrdreg $0xFFFFFFFF  }
0xc3: {  	_ =	task.clear_ibuf [dreg:s8], $0x2FFFF;
	_ =	strace $0x9FFFFFFF  }
0xc4: {  	(tm) =	ssettm $0x7FFFFFFF  }
0xc5: {  	_ =	shalt  }
tec
execute0_lowered:
.L_overlay_start_1:
0x0: {  	(tag) =	ssettag $0x1  }
0x1: {  	s4 =	rddreg [dreg:$0x0]  }
0x2: {  	s1 =	srdreg.scid;
	s5 =	rddreg [dreg:$0x1]  }
0x3: {  	s0 =	stileid.u32;
	s2 =	rddreg [dreg:$0x2];
	s17 =	simm.s32 $0x880  }
0x4: {  	s18 =	simm.s32 $0x1080;
	s19 =	simm.s32 $0x1880;
	s21 =	simm.s32 $0x2080  }
0x5: {  	s22 =	simm.s32 $0x2880;
	s23 =	simm.s32 $0x3080;
	s24 =	simm.s32 $0x3880  }
0x6: {  	s8 =	simm.s32 $0x4080;
	s25 =	simm.s32 $0x4880;
	s1 =	sand.u32 $0x1, s1  }
0x7: {  	s26 =	simm.s32 $0x5080;
	s3 =	sshll.u32 s0, $0x7;
	s6 =	sshll.u32 s1, $0x6  }
0x8: {  	s9 =	simm.s32 $0x80;
	s6 =	sor.u32 s6, s3;
	s3 =	simm.s32 $0x0  }
0x9: {  	s11 =	simm.s32 $0x6080;
	s12 =	simm.s32 $0x6880;
	[smem:$0x7FF] =	sst s3  }
0xa: {  	s13 =	simm.s32 $0x7080;
	_ =	strace $0x80000047;
	[dreg:$0x6] =	wrdreg s17  }
0xb: {  	s14 =	simm.s32 $0x7880;
	s15 =	simm.s32 $0x8080;
	[dreg:$0x7] =	wrdreg s18  }
0xc: {  	s16 =	simm.s32 $0x8880;
	s28 =	simm.s32 $0xE080;
	[dreg:$0x8] =	wrdreg s19  }
0xd: {  	s29 =	simm.s32 $0xE880;
	s30 =	simm.s32 $0xF080;
	[dreg:$0x9] =	wrdreg s21  }
0xe: {  	s31 =	simm.s32 $0xF880;
	s1 =	ssub.s32 $0x2, s1;
	[dreg:$0xa] =	wrdreg s22  }
0xf: {  	s20 =	sshrl.u32 s1, $0x1;
	s7 =	sshrl.u32 s6, $0x3;
	[dreg:$0xb] =	wrdreg s23  }
0x10: {  	s6 =	sshll.u32 s6, $0x7;
	s1 =	ssub.s32 s1, s20;
	[dreg:$0xc] =	wrdreg s24  }
0x11: {  	s20 =	simm.s32 $0xA880;
	s5 =	sadd.s32 s7, s5;
	[dreg:$0xd] =	wrdreg s8  }
0x12: {  	s4 =	sadd.s32 s4, s6;
	s6 =	sadd.s32 $0x300, s2;
	[dreg:$0xe] =	wrdreg s25  }
0x13: {  	s7 =	smax.u32 s1, $0x1;
	s8 =	simm.s32 $0x2;
	[dreg:$0xf] =	wrdreg s26  }
0x14: {  	s17 =	simm.s32 $0x9080;
	s18 =	simm.s32 $0x9880;
	s19 =	simm.s32 $0xA080  }
0x15: {  	s21 =	simm.s32 $0xB080;
	s22 =	simm.s32 $0xB880;
	s23 =	simm.s32 $0xC080  }
0x16: {  	v2 =	vlaneseq.u32;
	s24 =	simm.s32 $0xC880;
	s25 =	simm.s32 $0xD080;
	s26 =	simm.s32 $0xD880  }
0x17: {  	vm0 =	vmmov $0xffff;
	v1 =	vshrl.u32 v2, $0x3;
	s1 =	simm.s32 $0x1;
	s5 =	sadd.s32 $0x2E00, s5;
	[dreg:$0x5] =	wrdreg s4  }
0x18: {  	v0 =	vand.u32 $0x7, v2;
	v2 =	vor.u32 $0x8, v2;
	v1 =	vmul.u32 $0x8, v1;
	s4 =	sadd.s32 $0x100, s2;
	[dreg:$0x4] =	wrdreg s5;
	s5 =	sadd.s32 $0x200, s2  }
.LBB2_1:
0x19: {  	s0 =	rddreg [dreg:$0x4]  }
0x1a: {  	[tilespmem:s3], [sflag:$0x2] =	stream.linear.gather [hbm4b:s0+s3], $0x40, $0x38;
	[tilespmem:$0x10080] =	vst v63  }
0x1b: {  	_ =	swait.ge [sflag:s8], $0x40  }
0x1c: {  	[sflag:s8] =	ssyncset.done $0x0  }
0x1d: {  	s10 =	rddreg [dreg:$0x5];
	[sflag:s8] =	ssyncadd.s32 $0xFFFFFFC0  }
0x1e: {  	[tilespmem:s9], [sflag:$0x2] =	stream.linear.gather [hbm4b:s10+s3], $0x10000, $0x38;
	[tilespmem:$0x10080] =	vst v63  }
0x1f: {  	_ =	swait.ge [sflag:s8], $0x10000  }
0x20: {  	[sflag:s8] =	ssyncset.done $0x0  }
0x21: {  	[sflag:s8] =	ssyncadd.s32 $0xFFFF0000  }
0x22: {  	v3 =	vld [tilespmem:$0x0];
	_ =	sdelay $0x4  }
0x23: {  	v4 =	vshll.u32 v3, $0x3  }
0x24: {  	v3 =	vand.u32 $0x7, v3;
	v4 =	vand.u32 $0xFFFFFFC0, v4  }
0x25: {  	v3 =	vor.u32 v3, v4  }
0x26: {  	v4 =	vperm.xlane v3, v0;
	_ =	sdelay $0x1  }
0x27: {  	v4 =	vadd.s32 v1, v4;
	_ =	sdelay $0x4  }
0x28: {  	[hbm4b:s2+s3] =	stream.indirect_vreg.scatter [tilespmem:s9], [sflag:$0x1], $0x80, v4, vm0, $0xb8;
	[tilespmem:$0x10080] =	vst v63  }
0x29: {  	s0 =	rddreg [dreg:$0x6];
	v3 =	vperm.xlane v3, v2  }
0x2a: {  	[hbm4b:s4+s3] =	stream.indirect_vreg.scatter [tilespmem:s0], [sflag:$0x1], $0x80, v4, vm0, $0xb8;
	[tilespmem:$0x10080] =	vst v63  }
0x2b: {  	s10 =	rddreg [dreg:$0x7];
	v3 =	vadd.s32 v1, v3  }
0x2c: {  	[hbm4b:s5+s3] =	stream.indirect_vreg.scatter [tilespmem:s10], [sflag:$0x1], $0x80, v4, vm0, $0xb8;
	[tilespmem:$0x10080] =	vst v63  }
0x2d: {  	s0 =	rddreg [dreg:$0x8]  }
0x2e: {  	[hbm4b:s6+s3] =	stream.indirect_vreg.scatter [tilespmem:s0], [sflag:$0x1], $0x80, v4, vm0, $0xb8;
	[tilespmem:$0x10080] =	vst v63  }
0x2f: {  	s10 =	rddreg [dreg:$0x9]  }
0x30: {  	[hbm4b:s2+s3] =	stream.indirect_vreg.scatter [tilespmem:s10], [sflag:$0x1], $0x80, v3, vm0, $0xb8;
	[tilespmem:$0x10080] =	vst v63  }
0x31: {  	s0 =	rddreg [dreg:$0xa]  }
0x32: {  	[hbm4b:s4+s3] =	stream.indirect_vreg.scatter [tilespmem:s0], [sflag:$0x1], $0x80, v3, vm0, $0xb8;
	[tilespmem:$0x10080] =	vst v63  }
0x33: {  	s10 =	rddreg [dreg:$0xb]  }
0x34: {  	[hbm4b:s5+s3] =	stream.indirect_vreg.scatter [tilespmem:s10], [sflag:$0x1], $0x80, v3, vm0, $0xb8;
	[tilespmem:$0x10080] =	vst v63  }
0x35: {  	s0 =	rddreg [dreg:$0xc]  }
0x36: {  	[hbm4b:s6+s3] =	stream.indirect_vreg.scatter [tilespmem:s0], [sflag:$0x1], $0x80, v3, vm0, $0xb8;
	[tilespmem:$0x10080] =	vst v63  }
0x37: {  	v3 =	vld [tilespmem:$0x10];
	_ =	sdelay $0x4  }
0x38: {  	v61 =	vshll.u32 v3, $0x3  }
0x39: {  	v3 =	vand.u32 $0x7, v3;
	v4 =	vand.u32 $0xFFFFFFC0, v61  }
0x3a: {  	v3 =	vor.u32 v3, v4  }
0x3b: {  	v4 =	vperm.xlane v3, v0;
	_ =	sdelay $0x1  }
0x3c: {  	v4 =	vadd.s32 v1, v4;
	_ =	sdelay $0x3  }
0x3d: {  	s0 =	rddreg [dreg:$0xd]  }
0x3e: {  	[hbm4b:s2+s3] =	stream.indirect_vreg.scatter [tilespmem:s0], [sflag:$0x1], $0x80, v4, vm0, $0xb8;
	[tilespmem:$0x10080] =	vst v63  }
0x3f: {  	s10 =	rddreg [dreg:$0xe];
	v3 =	vperm.xlane v3, v2  }
0x40: {  	[hbm4b:s4+s3] =	stream.indirect_vreg.scatter [tilespmem:s10], [sflag:$0x1], $0x80, v4, vm0, $0xb8;
	[tilespmem:$0x10080] =	vst v63  }
0x41: {  	v3 =	vadd.s32 v1, v3;
	s0 =	rddreg [dreg:$0xf]  }
0x42: {  	[hbm4b:s5+s3] =	stream.indirect_vreg.scatter [tilespmem:s0], [sflag:$0x1], $0x80, v4, vm0, $0xb8;
	[tilespmem:$0x10080] =	vst v63  }
0x43: {  	s10 =	simm.s32 $0x5880  }
0x44: {  	[hbm4b:s6+s3] =	stream.indirect_vreg.scatter [tilespmem:s10], [sflag:$0x1], $0x80, v4, vm0, $0xb8;
	[tilespmem:$0x10080] =	vst v63  }
0x45: {  	_ = 	snop  }
0x46: {  	[hbm4b:s2+s3] =	stream.indirect_vreg.scatter [tilespmem:s11], [sflag:$0x1], $0x80, v3, vm0, $0xb8;
	[tilespmem:$0x10080] =	vst v63  }
0x47: {  	_ = 	snop  }
0x48: {  	[hbm4b:s4+s3] =	stream.indirect_vreg.scatter [tilespmem:s12], [sflag:$0x1], $0x80, v3, vm0, $0xb8;
	[tilespmem:$0x10080] =	vst v63  }
0x49: {  	_ = 	snop  }
0x4a: {  	[hbm4b:s5+s3] =	stream.indirect_vreg.scatter [tilespmem:s13], [sflag:$0x1], $0x80, v3, vm0, $0xb8;
	[tilespmem:$0x10080] =	vst v63  }
0x4b: {  	_ = 	snop  }
0x4c: {  	[hbm4b:s6+s3] =	stream.indirect_vreg.scatter [tilespmem:s14], [sflag:$0x1], $0x80, v3, vm0, $0xb8;
	[tilespmem:$0x10080] =	vst v63  }
0x4d: {  	v3 =	vld [tilespmem:$0x20];
	_ =	sdelay $0x4  }
0x4e: {  	v62 =	vshll.u32 v3, $0x3  }
0x4f: {  	v3 =	vand.u32 $0x7, v3;
	v4 =	vand.u32 $0xFFFFFFC0, v62  }
0x50: {  	v3 =	vor.u32 v3, v4  }
0x51: {  	v4 =	vperm.xlane v3, v0;
	_ =	sdelay $0x1  }
0x52: {  	v4 =	vadd.s32 v1, v4;
	_ =	sdelay $0x4  }
0x53: {  	[hbm4b:s2+s3] =	stream.indirect_vreg.scatter [tilespmem:s15], [sflag:$0x1], $0x80, v4, vm0, $0xb8;
	[tilespmem:$0x10080] =	vst v63  }
0x54: {  	v3 =	vperm.xlane v3, v2  }
0x55: {  	[hbm4b:s4+s3] =	stream.indirect_vreg.scatter [tilespmem:s16], [sflag:$0x1], $0x80, v4, vm0, $0xb8;
	[tilespmem:$0x10080] =	vst v63  }
0x56: {  	v3 =	vadd.s32 v1, v3  }
0x57: {  	[hbm4b:s5+s3] =	stream.indirect_vreg.scatter [tilespmem:s17], [sflag:$0x1], $0x80, v4, vm0, $0xb8;
	[tilespmem:$0x10080] =	vst v63  }
0x58: {  	_ = 	snop  }
0x59: {  	[hbm4b:s6+s3] =	stream.indirect_vreg.scatter [tilespmem:s18], [sflag:$0x1], $0x80, v4, vm0, $0xb8;
	[tilespmem:$0x10080] =	vst v63  }
0x5a: {  	_ = 	snop  }
0x5b: {  	[hbm4b:s2+s3] =	stream.indirect_vreg.scatter [tilespmem:s19], [sflag:$0x1], $0x80, v3, vm0, $0xb8;
	[tilespmem:$0x10080] =	vst v63  }
0x5c: {  	_ = 	snop  }
0x5d: {  	[hbm4b:s4+s3] =	stream.indirect_vreg.scatter [tilespmem:s20], [sflag:$0x1], $0x80, v3, vm0, $0xb8;
	[tilespmem:$0x10080] =	vst v63  }
0x5e: {  	_ = 	snop  }
0x5f: {  	[hbm4b:s5+s3] =	stream.indirect_vreg.scatter [tilespmem:s21], [sflag:$0x1], $0x80, v3, vm0, $0xb8;
	[tilespmem:$0x10080] =	vst v63  }
0x60: {  	_ = 	snop  }
0x61: {  	[hbm4b:s6+s3] =	stream.indirect_vreg.scatter [tilespmem:s22], [sflag:$0x1], $0x80, v3, vm0, $0xb8;
	[tilespmem:$0x10080] =	vst v63  }
0x62: {  	v3 =	vld [tilespmem:$0x30];
	_ =	sdelay $0x4  }
0x63: {  	v63 =	vshll.u32 v3, $0x3  }
0x64: {  	v3 =	vand.u32 $0x7, v3;
	v4 =	vand.u32 $0xFFFFFFC0, v63  }
0x65: {  	v3 =	vor.u32 v3, v4  }
0x66: {  	v4 =	vperm.xlane v3, v0;
	_ =	sdelay $0x1  }
0x67: {  	v4 =	vadd.s32 v1, v4;
	_ =	sdelay $0x4  }
0x68: {  	[hbm4b:s2+s3] =	stream.indirect_vreg.scatter [tilespmem:s23], [sflag:$0x1], $0x80, v4, vm0, $0xb8;
	[tilespmem:$0x10080] =	vst v63  }
0x69: {  	v3 =	vperm.xlane v3, v2  }
0x6a: {  	[hbm4b:s4+s3] =	stream.indirect_vreg.scatter [tilespmem:s24], [sflag:$0x1], $0x80, v4, vm0, $0xb8;
	[tilespmem:$0x10080] =	vst v63  }
0x6b: {  	v3 =	vadd.s32 v1, v3  }
0x6c: {  	[hbm4b:s5+s3] =	stream.indirect_vreg.scatter [tilespmem:s25], [sflag:$0x1], $0x80, v4, vm0, $0xb8;
	[tilespmem:$0x10080] =	vst v63  }
0x6d: {  	_ = 	snop  }
0x6e: {  	[hbm4b:s6+s3] =	stream.indirect_vreg.scatter [tilespmem:s26], [sflag:$0x1], $0x80, v4, vm0, $0xb8;
	[tilespmem:$0x10080] =	vst v63  }
0x6f: {  	_ = 	snop  }
0x70: {  	[hbm4b:s2+s3] =	stream.indirect_vreg.scatter [tilespmem:s28], [sflag:$0x1], $0x80, v3, vm0, $0xb8;
	[tilespmem:$0x10080] =	vst v63  }
0x71: {  	_ = 	snop  }
0x72: {  	[hbm4b:s4+s3] =	stream.indirect_vreg.scatter [tilespmem:s29], [sflag:$0x1], $0x80, v3, vm0, $0xb8;
	[tilespmem:$0x10080] =	vst v63  }
0x73: {  	p0 =	sne.s32 s7, $0x1  }
0x74: {  	[hbm4b:s5+s3] =	stream.indirect_vreg.scatter [tilespmem:s30], [sflag:$0x1], $0x80, v3, vm0, $0xb8;
	[tilespmem:$0x10080] =	vst v63  }
.Ltmp0:
0x75: {  	_ = 	snop;
	(pc) =	sbr.rel @p0 .LBB2_1-.Ltmp0, $4  }
0x76: {  	[hbm4b:s6+s3] =	stream.indirect_vreg.scatter [tilespmem:s31], [sflag:$0x1], $0x80, v3, vm0, $0xb8;
	[tilespmem:$0x10080] =	vst v63  }
0x77: {  	_ =	swait.ge [sflag:s1], $0x10000  }
0x78: {  	[sflag:s1] =	ssyncset.done $0x0  }
0x79: {  	s7 =	sadd.s32 $0xFFFFFFFF, s7;
	[sflag:s1] =	ssyncadd.s32 $0xFFFF0000  }
0x7a: {  	_ =	sfence.sel $0x180000  }
0x7b: {  	[bflag:$0x0] =	sbarrier.arrive $0xFFFF  }
0x7c: {  	_ =	strace $0x90000047  }
0x7d: {  	s0 =	stileid.u32;
	[bflag:$0x2] =	sbarrier.arrive $0xFFFF  }
0x7e: {  	p0 =	sne.s32 s0, $0x0;
	s0 =	rddreg [dreg:$0x3]  }
0x7f: {  	s0 =	sadd.s32 @!p0 $0x100000, s0  }
0x80: {  	[sflag:s0] =	ssyncadd.tile.s32 @!p0 $0x1;
	_ =	shalt  }
.Lfunc_end2:
_tile_overlayer_lowered:
.L_overlay_start_2:
0x81: {  	(tag) =	ssettag $0x2  }
0x82: {  	s0 =	rddreg [dreg:$0x0];
	s2 =	stileid.u32  }
0x83: {  	s1 =	rddreg [dreg:$0x1];
	p0 =	sne.s32 s2, $0x0  }
0x84: {  	s3 =	rddreg [dreg:$0x2];
	[bflag:$0x3] =	sbarrier.arrive $0xFFFF;
	s2 =	simm.s32 @!p0 $0x1C02  }
0x85: {  	[timem:s3], [sflag:s2] =	dma.local @!p0 [hbm:s0], s1  }
0x86: {  	s0 =	simm.s32 @!p0 $0x2  }
0x87: {  	_ =	swait.ge @!p0 [sflag:s0], s1  }
0x88: {  	s1 =	ssub.s32 @!p0 $0x0, s1;
	[sflag:s0] =	ssyncset.done @!p0 $0x0  }
0x89: {  	[sflag:s0] =	ssyncadd.s32 @!p0 s1  }
0x8a: {  	[bflag:$0x3] =	sbarrier.arrive $0xFFFF  }
0x8b: {  	_ =	shalt  }

</sc_bundles>
